<compile_context>
chip_gen: v7x
topology: tpu7x:2x2x1
jax: 0.10.2.dev20260603
libtpu: 0.0.44.dev20260713+nightly
codegen_flags: <defaults>
</compile_context>

<pallas_src>
import functools

import jax
import jax.numpy as jnp
from jax import lax
from jax.experimental import pallas as pl
from jax.experimental.pallas import tpu as pltpu
from jax.experimental.pallas import tpu_sc as plsc

VOCAB = 1_000_000
EMBED = 16
BATCH = 16384

NC = 2
NS = 16
L = 16
NW = NC * NS
BPW = BATCH // NW
NGRP = BPW // L
W = 128


def _sc_body(x_hbm, t_hbm, tgt_hbm, ctx_hbm, out_hbm,
             xi_v, ti_v, tgt_stage, ctx_stage, out_v, sem_t, sem_c):
    wid = lax.axis_index("s") * NC + lax.axis_index("c")
    base = wid * BPW

    pltpu.sync_copy(x_hbm.at[pl.ds(wid * 2, 2)], xi_v)
    pltpu.sync_copy(t_hbm.at[pl.ds(wid * 2, 2)], ti_v)

    lane = lax.iota(jnp.int32, L)

    def chunk_body(c, carry):
        r = c // L
        o = (c % L) * L
        vx = xi_v[r, pl.ds(o, L)]
        vt = ti_v[r, pl.ds(o, L)]
        xcol = lane * W + (vx & (W - 1))
        tcol = lane * W + (vt & (W - 1))
        xb = (vx >> 7) * W
        tb = (vt >> 7) * W
        copies = []
        for k in range(L):
            copies.append(pltpu.async_copy(
                tgt_hbm.at[:, :, pl.ds(pl.multiple_of(tb[k], W), W)],
                tgt_stage.at[:, :, pl.ds(k * W, W)], sem_t))
            copies.append(pltpu.async_copy(
                ctx_hbm.at[:, :, pl.ds(pl.multiple_of(xb[k], W), W)],
                ctx_stage.at[:, :, pl.ds(k * W, W)], sem_c))
        for cp in copies:
            cp.wait()

        acc = jnp.zeros((L,), jnp.float32)
        for d in range(EMBED):
            gv = jnp.full((L,), d // 8, jnp.int32)
            sv = jnp.full((L,), d % 8, jnp.int32)
            tv = plsc.load_gather(tgt_stage, [gv, sv, tcol])
            cv = plsc.load_gather(ctx_stage, [gv, sv, xcol])
            acc = acc + tv * cv
        out_v[pl.ds(c * L, L)] = acc
        return carry

    lax.fori_loop(0, NGRP, chunk_body, 0)

    pltpu.sync_copy(out_v, out_hbm.at[pl.ds(base, BPW)])


@jax.jit
def _skipgram_sc(x2d, t2d, tgt3, ctx3):
    mesh = plsc.VectorSubcoreMesh(core_axis_name="c", subcore_axis_name="s")
    k = functools.partial(
        pl.kernel,
        mesh=mesh,
        out_type=jax.ShapeDtypeStruct((BATCH,), jnp.float32),
        compiler_params=pltpu.CompilerParams(
            needs_layout_passes=False,
            use_tc_tiling_on_sc=True),
        scratch_types=[
            pltpu.VMEM((2, 2 * W), jnp.int32),
            pltpu.VMEM((2, 2 * W), jnp.int32),
            pltpu.VMEM((2, 8, L * W), jnp.float32),
            pltpu.VMEM((2, 8, L * W), jnp.float32),
            pltpu.VMEM((BPW,), jnp.float32),
            pltpu.SemaphoreType.DMA,
            pltpu.SemaphoreType.DMA,
        ],
    )(_sc_body)
    return k(x2d, t2d, tgt3, ctx3)


def kernel(x, t, target_table, context_table):
    x2d = x.astype(jnp.int32).reshape(BATCH // (2 * W), 2 * W)
    t2d = t.astype(jnp.int32).reshape(BATCH // (2 * W), 2 * W)
    tgt3 = target_table.T.reshape(2, 8, VOCAB)
    ctx3 = context_table.T.reshape(2, 8, VOCAB)
    return _skipgram_sc(x2d, t2d, tgt3, ctx3)

# --- scband reference (transcript-rebuilt; emitter-appended) ---
"""Pipeline reference for scband-skip-gram-negative-sampling-22308060136333 (READ-ONLY COPY).

The authoritative reference and input builder live on the scoring server;
editing this copy changes nothing except your own understanding.
"""

import jax, jax.numpy as jnp
import numpy as np

VOCAB = 1000000
EMBED = 16
BATCH = 16384

def setup_inputs(seed: int = 0) -> dict:
    key = jax.random.key(seed)
    k1, k2, k3, k4 = jax.random.split(key, 4)
    x = jax.random.randint(k1, (BATCH,), 0, VOCAB, dtype=jnp.int64) if jax.config.jax_enable_x64 else jax.random.randint(k1, (BATCH,), 0, VOCAB).astype(jnp.int32)
    t = jax.random.randint(k2, (BATCH,), 0, VOCAB).astype(x.dtype)
    target_table = jax.random.normal(k3, (VOCAB, EMBED), dtype=jnp.float32)
    context_table = jax.random.normal(k4, (VOCAB, EMBED), dtype=jnp.float32)
    return {"x": x, "t": t, "target_table": target_table, "context_table": context_table}

def reference(x, t, target_table, context_table):
    # target = target_embedding(t); context = context_embedding(x)
    target = jnp.take(target_table, t, axis=0)
    context = jnp.take(context_table, x, axis=0)
    prediction = jnp.sum(target * context, axis=1)
    return prediction

if __name__ == "__main__":
    import jax
    _d = setup_inputs()
    print(jax.jit(kernel)(*tuple(_d.values())))

</pallas_src>

<mosaic_0001>
#map = affine_map<(d0, d1) -> (0, 0)>
#map1 = affine_map<(d0, d1) -> (0, 0, 0)>
#map2 = affine_map<(d0, d1) -> (0)>
module attributes {stable_mosaic.version = 14 : i64} {
  func.func @_sc_body(%arg0: i32, %arg1: i32, %arg2: memref<64x256xi32, #tpu.memory_space<hbm>>, %arg3: memref<64x256xi32, #tpu.memory_space<hbm>>, %arg4: memref<2x8x1000000xf32, #tpu.memory_space<hbm>>, %arg5: memref<2x8x1000000xf32, #tpu.memory_space<hbm>>, %arg6: memref<16384xf32, #tpu.memory_space<hbm>>, %arg7: memref<2x256xi32, #tpu.memory_space<vmem>>, %arg8: memref<2x256xi32, #tpu.memory_space<vmem>>, %arg9: memref<2x8x2048xf32, #tpu.memory_space<vmem>>, %arg10: memref<2x8x2048xf32, #tpu.memory_space<vmem>>, %arg11: memref<512xf32, #tpu.memory_space<vmem>>, %arg12: memref<!tpu.dma_semaphore, #tpu.memory_space<semaphore_mem>>, %arg13: memref<!tpu.dma_semaphore, #tpu.memory_space<semaphore_mem>>) attributes {dimension_semantics = [#tpu.dimension_semantics<core_parallel>, #tpu.dimension_semantics<subcore_parallel>], iteration_bounds = array<i64: 2, 16>, scalar_prefetch = 0 : i64, scratch_operands = 7 : i64, tpu.core_type = #tpu.core_type<sc_vector_subcore>, window_params = [{transform_indices = #map}, {transform_indices = #map}, {transform_indices = #map1}, {transform_indices = #map1}, {transform_indices = #map2}]} {
    %mul3A = arith.constant 2 : i32
    %mul3A_0 = arith.muli %arg1, %mul3A : i32
    %add3A = arith.addi %mul3A_0, %arg0 : i32
    %mul3A_1 = arith.constant 512 : i32
    %mul3A_2 = arith.muli %add3A, %mul3A_1 : i32
    %mul3A_3 = arith.constant 2 : i32
    %mul3A_4 = arith.muli %add3A, %mul3A_3 : i32
    "tpu.region"() ({
      %run_scoped3A = tpu.sem_alloc : memref<!tpu.dma_semaphore, #tpu.memory_space<semaphore_mem>>
      %dma_start3A = arith.constant 0 : i32
      %dma_start3A_12 = tpu.memref_slice %arg2[%mul3A_4, %dma_start3A] : memref<64x256xi32, #tpu.memory_space<hbm>> -> memref<2x256xi32, #tpu.memory_space<hbm>>
      %dma_start3A_13 = arith.constant 0 : i32
      %dma_start3A_14 = tpu.memref_slice %arg2[%mul3A_4, %dma_start3A_13] : memref<64x256xi32, #tpu.memory_space<hbm>> -> memref<2x256xi32, #tpu.memory_space<hbm>>
      tpu.enqueue_dma source(%dma_start3A_14 : memref<2x256xi32, #tpu.memory_space<hbm>>) target(%arg7 : memref<2x256xi32, #tpu.memory_space<vmem>>) target_semaphore(%run_scoped3A : memref<!tpu.dma_semaphore, #tpu.memory_space<semaphore_mem>>)
      %dma_wait3A = arith.constant 0 : i32
      %dma_wait3A_15 = tpu.memref_slice %arg2[%mul3A_4, %dma_wait3A] : memref<64x256xi32, #tpu.memory_space<hbm>> -> memref<2x256xi32, #tpu.memory_space<hbm>>
      %dma_wait3A_16 = arith.constant 0 : i32
      %dma_wait3A_17 = tpu.memref_slice %arg2[%mul3A_4, %dma_wait3A_16] : memref<64x256xi32, #tpu.memory_space<hbm>> -> memref<2x256xi32, #tpu.memory_space<hbm>>
      tpu.wait_dma2 semaphore(%run_scoped3A : memref<!tpu.dma_semaphore, #tpu.memory_space<semaphore_mem>>) src(%dma_wait3A_17 : memref<2x256xi32, #tpu.memory_space<hbm>>) dst(%arg7 : memref<2x256xi32, #tpu.memory_space<vmem>>)
      tpu.yield
    }) : () -> ()
    %mul3A_5 = arith.constant 2 : i32
    %mul3A_6 = arith.muli %add3A, %mul3A_5 : i32
    "tpu.region"() ({
      %run_scoped3A = tpu.sem_alloc : memref<!tpu.dma_semaphore, #tpu.memory_space<semaphore_mem>>
      %dma_start3A = arith.constant 0 : i32
      %dma_start3A_12 = tpu.memref_slice %arg3[%mul3A_6, %dma_start3A] : memref<64x256xi32, #tpu.memory_space<hbm>> -> memref<2x256xi32, #tpu.memory_space<hbm>>
      %dma_start3A_13 = arith.constant 0 : i32
      %dma_start3A_14 = tpu.memref_slice %arg3[%mul3A_6, %dma_start3A_13] : memref<64x256xi32, #tpu.memory_space<hbm>> -> memref<2x256xi32, #tpu.memory_space<hbm>>
      tpu.enqueue_dma source(%dma_start3A_14 : memref<2x256xi32, #tpu.memory_space<hbm>>) target(%arg8 : memref<2x256xi32, #tpu.memory_space<vmem>>) target_semaphore(%run_scoped3A : memref<!tpu.dma_semaphore, #tpu.memory_space<semaphore_mem>>)
      %dma_wait3A = arith.constant 0 : i32
      %dma_wait3A_15 = tpu.memref_slice %arg3[%mul3A_6, %dma_wait3A] : memref<64x256xi32, #tpu.memory_space<hbm>> -> memref<2x256xi32, #tpu.memory_space<hbm>>
      %dma_wait3A_16 = arith.constant 0 : i32
      %dma_wait3A_17 = tpu.memref_slice %arg3[%mul3A_6, %dma_wait3A_16] : memref<64x256xi32, #tpu.memory_space<hbm>> -> memref<2x256xi32, #tpu.memory_space<hbm>>
      tpu.wait_dma2 semaphore(%run_scoped3A : memref<!tpu.dma_semaphore, #tpu.memory_space<semaphore_mem>>) src(%dma_wait3A_17 : memref<2x256xi32, #tpu.memory_space<hbm>>) dst(%arg8 : memref<2x256xi32, #tpu.memory_space<vmem>>)
      tpu.yield
    }) : () -> ()
    %iota3A = tpu.iota {dimensions = array<i32: 0>} : vector<16xi32>
    %scan3A = arith.constant 0 : i32
    %scan3A_7 = arith.constant 0 : i32
    %scan3A_8 = arith.constant 32 : i32
    %scan3A_9 = arith.addi %scan3A_7, %scan3A_8 : i32
    %scan3A_10 = arith.constant 1 : i32
    scf.for %scan3A_12 = %scan3A_7 to %scan3A_9 step %scan3A_10  : i32 {
      %jit3A = arith.constant 16 : i32
      %div3A = arith.divsi %scan3A_12, %jit3A : i32
      %sign3A = arith.constant 0 : i32
      %sign3A_13 = arith.cmpi sgt, %scan3A_12, %sign3A : i32
      %sign3A_14 = arith.extui %sign3A_13 : i1 to i32
      %sign3A_15 = arith.constant 0 : i32
      %sign3A_16 = arith.cmpi slt, %scan3A_12, %sign3A_15 : i32
      %sign3A_17 = arith.extui %sign3A_16 : i1 to i32
      %sign3A_18 = arith.subi %sign3A_14, %sign3A_17 : i32
      %sign3A_19 = arith.constant 0 : i32
      %sign3A_20 = arith.cmpi sgt, %jit3A, %sign3A_19 : i32
      %sign3A_21 = arith.extui %sign3A_20 : i1 to i32
      %sign3A_22 = arith.constant 0 : i32
      %sign3A_23 = arith.cmpi slt, %jit3A, %sign3A_22 : i32
      %sign3A_24 = arith.extui %sign3A_23 : i1 to i32
      %sign3A_25 = arith.subi %sign3A_21, %sign3A_24 : i32
      %ne3A = arith.cmpi ne, %sign3A_18, %sign3A_25 : i32
      %rem3A = arith.remsi %scan3A_12, %jit3A : i32
      %ne3A_26 = arith.constant 0 : i32
      %ne3A_27 = arith.cmpi ne, %rem3A, %ne3A_26 : i32
      %and3A = arith.andi %ne3A, %ne3A_27 : i1
      %sub3A = arith.constant 1 : i32
      %sub3A_28 = arith.subi %div3A, %sub3A : i32
      %select_n3A = arith.select %and3A, %sub3A_28, %div3A : i32
      %jit3A_29 = arith.constant 16 : i32
      %eq3A = arith.constant 0 : i32
      %eq3A_30 = arith.cmpi eq, %jit3A_29, %eq3A : i32
      %jit3A_31 = arith.constant 1 : i32
      %select_n3A_32 = arith.select %eq3A_30, %jit3A_31, %jit3A_29 : i32
      %rem3A_33 = arith.remsi %scan3A_12, %select_n3A_32 : i32
      %ne3A_34 = arith.constant 0 : i32
      %ne3A_35 = arith.cmpi ne, %rem3A_33, %ne3A_34 : i32
      %lt3A = arith.constant 0 : i32
      %lt3A_36 = arith.cmpi slt, %rem3A_33, %lt3A : i32
      %lt3A_37 = arith.constant 0 : i32
      %lt3A_38 = arith.cmpi slt, %select_n3A_32, %lt3A_37 : i32
      %ne3A_39 = arith.xori %lt3A_36, %lt3A_38 : i1
      %and3A_40 = arith.andi %ne3A_39, %ne3A_35 : i1
      %add3A_41 = arith.addi %rem3A_33, %select_n3A_32 : i32
      %select_n3A_42 = arith.select %and3A_40, %add3A_41, %rem3A_33 : i32
      %mul3A_43 = arith.constant 16 : i32
      %mul3A_44 = arith.muli %select_n3A_42, %mul3A_43 : i32
      %get3A = arith.index_cast %select_n3A : i32 to index
      %get3A_45 = arith.index_cast %mul3A_44 : i32 to index
      %get3A_46 = tpu.vector_load %arg7[%get3A, %get3A_45] {strides = array<i32>} : memref<2x256xi32, #tpu.memory_space<vmem>>, vector<16xi32>,
      %get3A_47 = arith.index_cast %select_n3A : i32 to index
      %get3A_48 = arith.index_cast %mul3A_44 : i32 to index
      %get3A_49 = tpu.vector_load %arg8[%get3A_47, %get3A_48] {strides = array<i32>} : memref<2x256xi32, #tpu.memory_space<vmem>>, vector<16xi32>,
      %mul3A_50 = arith.constant 128 : i32
      %mul3A_51 = vector.broadcast %mul3A_50 : i32 to vector<16xi32>
      %mul3A_52 = arith.muli %iota3A, %mul3A_51 : vector<16xi32>
      %and3A_53 = arith.constant 127 : i32
      %and3A_54 = vector.broadcast %and3A_53 : i32 to vector<16xi32>
      %and3A_55 = arith.andi %get3A_46, %and3A_54 : vector<16xi32>
      %add3A_56 = arith.addi %mul3A_52, %and3A_55 : vector<16xi32>
      %mul3A_57 = arith.constant 128 : i32
      %mul3A_58 = vector.broadcast %mul3A_57 : i32 to vector<16xi32>
      %mul3A_59 = arith.muli %iota3A, %mul3A_58 : vector<16xi32>
      %and3A_60 = arith.constant 127 : i32
      %and3A_61 = vector.broadcast %and3A_60 : i32 to vector<16xi32>
      %and3A_62 = arith.andi %get3A_49, %and3A_61 : vector<16xi32>
      %add3A_63 = arith.addi %mul3A_59, %and3A_62 : vector<16xi32>
      %shift_right_arithmetic3A = arith.constant 7 : i32
      %shift_right_arithmetic3A_64 = vector.broadcast %shift_right_arithmetic3A : i32 to vector<16xi32>
      %shift_right_arithmetic3A_65 = arith.shrsi %get3A_46, %shift_right_arithmetic3A_64 : vector<16xi32>
      %mul3A_66 = arith.constant 128 : i32
      %mul3A_67 = vector.broadcast %mul3A_66 : i32 to vector<16xi32>
      %mul3A_68 = arith.muli %shift_right_arithmetic3A_65, %mul3A_67 : vector<16xi32>
      %shift_right_arithmetic3A_69 = arith.constant 7 : i32
      %shift_right_arithmetic3A_70 = vector.broadcast %shift_right_arithmetic3A_69 : i32 to vector<16xi32>
      %shift_right_arithmetic3A_71 = arith.shrsi %get3A_49, %shift_right_arithmetic3A_70 : vector<16xi32>
      %mul3A_72 = arith.constant 128 : i32
      %mul3A_73 = vector.broadcast %mul3A_72 : i32 to vector<16xi32>
      %mul3A_74 = arith.muli %shift_right_arithmetic3A_71, %mul3A_73 : vector<16xi32>
      %slice3A = vector.extract_strided_slice %mul3A_74 {offsets = [0], sizes = [1], strides = [1]} : vector<16xi32> to vector<1xi32>
      %squeeze3A = vector.extract %slice3A[0] : i32 from vector<1xi32>
      %multiple_of3A = tpu.assume_multiple %squeeze3A, 128 : i32
      %dma_start3A = arith.constant 0 : i32
      %dma_start3A_75 = arith.constant 0 : i32
      %dma_start3A_76 = arith.constant 0 : i32
      %dma_start3A_77 = tpu.memref_slice %arg9[%dma_start3A, %dma_start3A_75, %dma_start3A_76] : memref<2x8x2048xf32, #tpu.memory_space<vmem>> -> memref<2x8x128xf32, #tpu.memory_space<vmem>>
      %dma_start3A_78 = arith.constant 0 : i32
      %dma_start3A_79 = arith.constant 0 : i32
      %dma_start3A_80 = tpu.memref_slice %arg4[%dma_start3A_78, %dma_start3A_79, %multiple_of3A] : memref<2x8x1000000xf32, #tpu.memory_space<hbm>> -> memref<2x8x128xf32, #tpu.memory_space<hbm>>
      %dma_start3A_81 = arith.constant 0 : i32
      %dma_start3A_82 = arith.constant 0 : i32
      %dma_start3A_83 = arith.constant 0 : i32
      %dma_start3A_84 = tpu.memref_slice %arg9[%dma_start3A_81, %dma_start3A_82, %dma_start3A_83] : memref<2x8x2048xf32, #tpu.memory_space<vmem>> -> memref<2x8x128xf32, #tpu.memory_space<vmem>>
      %dma_start3A_85 = arith.constant 0 : i32
      %dma_start3A_86 = arith.constant 0 : i32
      %dma_start3A_87 = tpu.memref_slice %arg4[%dma_start3A_85, %dma_start3A_86, %multiple_of3A] : memref<2x8x1000000xf32, #tpu.memory_space<hbm>> -> memref<2x8x128xf32, #tpu.memory_space<hbm>>
      tpu.enqueue_dma source(%dma_start3A_87 : memref<2x8x128xf32, #tpu.memory_space<hbm>>) target(%dma_start3A_84 : memref<2x8x128xf32, #tpu.memory_space<vmem>>) target_semaphore(%arg12 : memref<!tpu.dma_semaphore, #tpu.memory_space<semaphore_mem>>)
      %slice3A_88 = vector.extract_strided_slice %mul3A_68 {offsets = [0], sizes = [1], strides = [1]} : vector<16xi32> to vector<1xi32>
      %squeeze3A_89 = vector.extract %slice3A_88[0] : i32 from vector<1xi32>
      %multiple_of3A_90 = tpu.assume_multiple %squeeze3A_89, 128 : i32
      %dma_start3A_91 = arith.constant 0 : i32
      %dma_start3A_92 = arith.constant 0 : i32
      %dma_start3A_93 = arith.constant 0 : i32
      %dma_start3A_94 = tpu.memref_slice %arg10[%dma_start3A_91, %dma_start3A_92, %dma_start3A_93] : memref<2x8x2048xf32, #tpu.memory_space<vmem>> -> memref<2x8x128xf32, #tpu.memory_space<vmem>>
      %dma_start3A_95 = arith.constant 0 : i32
      %dma_start3A_96 = arith.constant 0 : i32
      %dma_start3A_97 = tpu.memref_slice %arg5[%dma_start3A_95, %dma_start3A_96, %multiple_of3A_90] : memref<2x8x1000000xf32, #tpu.memory_space<hbm>> -> memref<2x8x128xf32, #tpu.memory_space<hbm>>
      %dma_start3A_98 = arith.constant 0 : i32
      %dma_start3A_99 = arith.constant 0 : i32
      %dma_start3A_100 = arith.constant 0 : i32
      %dma_start3A_101 = tpu.memref_slice %arg10[%dma_start3A_98, %dma_start3A_99, %dma_start3A_100] : memref<2x8x2048xf32, #tpu.memory_space<vmem>> -> memref<2x8x128xf32, #tpu.memory_space<vmem>>
      %dma_start3A_102 = arith.constant 0 : i32
      %dma_start3A_103 = arith.constant 0 : i32
      %dma_start3A_104 = tpu.memref_slice %arg5[%dma_start3A_102, %dma_start3A_103, %multiple_of3A_90] : memref<2x8x1000000xf32, #tpu.memory_space<hbm>> -> memref<2x8x128xf32, #tpu.memory_space<hbm>>
      tpu.enqueue_dma source(%dma_start3A_104 : memref<2x8x128xf32, #tpu.memory_space<hbm>>) target(%dma_start3A_101 : memref<2x8x128xf32, #tpu.memory_space<vmem>>) target_semaphore(%arg13 : memref<!tpu.dma_semaphore, #tpu.memory_space<semaphore_mem>>)
      %slice3A_105 = vector.extract_strided_slice %mul3A_74 {offsets = [1], sizes = [1], strides = [1]} : vector<16xi32> to vector<1xi32>
      %squeeze3A_106 = vector.extract %slice3A_105[0] : i32 from vector<1xi32>
      %multiple_of3A_107 = tpu.assume_multiple %squeeze3A_106, 128 : i32
      %dma_start3A_108 = arith.constant 0 : i32
      %dma_start3A_109 = arith.constant 0 : i32
      %dma_start3A_110 = arith.constant 128 : i32
      %dma_start3A_111 = tpu.memref_slice %arg9[%dma_start3A_108, %dma_start3A_109, %dma_start3A_110] : memref<2x8x2048xf32, #tpu.memory_space<vmem>> -> memref<2x8x128xf32, #tpu.memory_space<vmem>>
      %dma_start3A_112 = arith.constant 0 : i32
      %dma_start3A_113 = arith.constant 0 : i32
      %dma_start3A_114 = tpu.memref_slice %arg4[%dma_start3A_112, %dma_start3A_113, %multiple_of3A_107] : memref<2x8x1000000xf32, #tpu.memory_space<hbm>> -> memref<2x8x128xf32, #tpu.memory_space<hbm>>
      %dma_start3A_115 = arith.constant 0 : i32
      %dma_start3A_116 = arith.constant 0 : i32
      %dma_start3A_117 = arith.constant 128 : i32
      %dma_start3A_118 = tpu.memref_slice %arg9[%dma_start3A_115, %dma_start3A_116, %dma_start3A_117] : memref<2x8x2048xf32, #tpu.memory_space<vmem>> -> memref<2x8x128xf32, #tpu.memory_space<vmem>>
      %dma_start3A_119 = arith.constant 0 : i32
      %dma_start3A_120 = arith.constant 0 : i32
      %dma_start3A_121 = tpu.memref_slice %arg4[%dma_start3A_119, %dma_start3A_120, %multiple_of3A_107] : memref<2x8x1000000xf32, #tpu.memory_space<hbm>> -> memref<2x8x128xf32, #tpu.memory_space<hbm>>
      tpu.enqueue_dma source(%dma_start3A_121 : memref<2x8x128xf32, #tpu.memory_space<hbm>>) target(%dma_start3A_118 : memref<2x8x128xf32, #tpu.memory_space<vmem>>) target_semaphore(%arg12 : memref<!tpu.dma_semaphore, #tpu.memory_space<semaphore_mem>>)
      %slice3A_122 = vector.extract_strided_slice %mul3A_68 {offsets = [1], sizes = [1], strides = [1]} : vector<16xi32> to vector<1xi32>
      %squeeze3A_123 = vector.extract %slice3A_122[0] : i32 from vector<1xi32>
      %multiple_of3A_124 = tpu.assume_multiple %squeeze3A_123, 128 : i32
      %dma_start3A_125 = arith.constant 0 : i32
      %dma_start3A_126 = arith.constant 0 : i32
      %dma_start3A_127 = arith.constant 128 : i32
      %dma_start3A_128 = tpu.memref_slice %arg10[%dma_start3A_125, %dma_start3A_126, %dma_start3A_127] : memref<2x8x2048xf32, #tpu.memory_space<vmem>> -> memref<2x8x128xf32, #tpu.memory_space<vmem>>
      %dma_start3A_129 = arith.constant 0 : i32
      %dma_start3A_130 = arith.constant 0 : i32
      %dma_start3A_131 = tpu.memref_slice %arg5[%dma_start3A_129, %dma_start3A_130, %multiple_of3A_124] : memref<2x8x1000000xf32, #tpu.memory_space<hbm>> -> memref<2x8x128xf32, #tpu.memory_space<hbm>>
      %dma_start3A_132 = arith.constant 0 : i32
      %dma_start3A_133 = arith.constant 0 : i32
      %dma_start3A_134 = arith.constant 128 : i32
      %dma_start3A_135 = tpu.memref_slice %arg10[%dma_start3A_132, %dma_start3A_133, %dma_start3A_134] : memref<2x8x2048xf32, #tpu.memory_space<vmem>> -> memref<2x8x128xf32, #tpu.memory_space<vmem>>
      %dma_start3A_136 = arith.constant 0 : i32
      %dma_start3A_137 = arith.constant 0 : i32
      %dma_start3A_138 = tpu.memref_slice %arg5[%dma_start3A_136, %dma_start3A_137, %multiple_of3A_124] : memref<2x8x1000000xf32, #tpu.memory_space<hbm>> -> memref<2x8x128xf32, #tpu.memory_space<hbm>>
      tpu.enqueue_dma source(%dma_start3A_138 : memref<2x8x128xf32, #tpu.memory_space<hbm>>) target(%dma_start3A_135 : memref<2x8x128xf32, #tpu.memory_space<vmem>>) target_semaphore(%arg13 : memref<!tpu.dma_semaphore, #tpu.memory_space<semaphore_mem>>)
      %slice3A_139 = vector.extract_strided_slice %mul3A_74 {offsets = [2], sizes = [1], strides = [1]} : vector<16xi32> to vector<1xi32>
      %squeeze3A_140 = vector.extract %slice3A_139[0] : i32 from vector<1xi32>
      %multiple_of3A_141 = tpu.assume_multiple %squeeze3A_140, 128 : i32
      %dma_start3A_142 = arith.constant 0 : i32
      %dma_start3A_143 = arith.constant 0 : i32
      %dma_start3A_144 = arith.constant 256 : i32
      %dma_start3A_145 = tpu.memref_slice %arg9[%dma_start3A_142, %dma_start3A_143, %dma_start3A_144] : memref<2x8x2048xf32, #tpu.memory_space<vmem>> -> memref<2x8x128xf32, #tpu.memory_space<vmem>>
      %dma_start3A_146 = arith.constant 0 : i32
      %dma_start3A_147 = arith.constant 0 : i32
      %dma_start3A_148 = tpu.memref_slice %arg4[%dma_start3A_146, %dma_start3A_147, %multiple_of3A_141] : memref<2x8x1000000xf32, #tpu.memory_space<hbm>> -> memref<2x8x128xf32, #tpu.memory_space<hbm>>
      %dma_start3A_149 = arith.constant 0 : i32
      %dma_start3A_150 = arith.constant 0 : i32
      %dma_start3A_151 = arith.constant 256 : i32
      %dma_start3A_152 = tpu.memref_slice %arg9[%dma_start3A_149, %dma_start3A_150, %dma_start3A_151] : memref<2x8x2048xf32, #tpu.memory_space<vmem>> -> memref<2x8x128xf32, #tpu.memory_space<vmem>>
      %dma_start3A_153 = arith.constant 0 : i32
      %dma_start3A_154 = arith.constant 0 : i32
      %dma_start3A_155 = tpu.memref_slice %arg4[%dma_start3A_153, %dma_start3A_154, %multiple_of3A_141] : memref<2x8x1000000xf32, #tpu.memory_space<hbm>> -> memref<2x8x128xf32, #tpu.memory_space<hbm>>
      tpu.enqueue_dma source(%dma_start3A_155 : memref<2x8x128xf32, #tpu.memory_space<hbm>>) target(%dma_start3A_152 : memref<2x8x128xf32, #tpu.memory_space<vmem>>) target_semaphore(%arg12 : memref<!tpu.dma_semaphore, #tpu.memory_space<semaphore_mem>>)
      %slice3A_156 = vector.extract_strided_slice %mul3A_68 {offsets = [2], sizes = [1], strides = [1]} : vector<16xi32> to vector<1xi32>
      %squeeze3A_157 = vector.extract %slice3A_156[0] : i32 from vector<1xi32>
      %multiple_of3A_158 = tpu.assume_multiple %squeeze3A_157, 128 : i32
      %dma_start3A_159 = arith.constant 0 : i32
      %dma_start3A_160 = arith.constant 0 : i32
      %dma_start3A_161 = arith.constant 256 : i32
      %dma_start3A_162 = tpu.memref_slice %arg10[%dma_start3A_159, %dma_start3A_160, %dma_start3A_161] : memref<2x8x2048xf32, #tpu.memory_space<vmem>> -> memref<2x8x128xf32, #tpu.memory_space<vmem>>
      %dma_start3A_163 = arith.constant 0 : i32
      %dma_start3A_164 = arith.constant 0 : i32
      %dma_start3A_165 = tpu.memref_slice %arg5[%dma_start3A_163, %dma_start3A_164, %multiple_of3A_158] : memref<2x8x1000000xf32, #tpu.memory_space<hbm>> -> memref<2x8x128xf32, #tpu.memory_space<hbm>>
      %dma_start3A_166 = arith.constant 0 : i32
      %dma_start3A_167 = arith.constant 0 : i32
      %dma_start3A_168 = arith.constant 256 : i32
      %dma_start3A_169 = tpu.memref_slice %arg10[%dma_start3A_166, %dma_start3A_167, %dma_start3A_168] : memref<2x8x2048xf32, #tpu.memory_space<vmem>> -> memref<2x8x128xf32, #tpu.memory_space<vmem>>
      %dma_start3A_170 = arith.constant 0 : i32
      %dma_start3A_171 = arith.constant 0 : i32
      %dma_start3A_172 = tpu.memref_slice %arg5[%dma_start3A_170, %dma_start3A_171, %multiple_of3A_158] : memref<2x8x1000000xf32, #tpu.memory_space<hbm>> -> memref<2x8x128xf32, #tpu.memory_space<hbm>>
      tpu.enqueue_dma source(%dma_start3A_172 : memref<2x8x128xf32, #tpu.memory_space<hbm>>) target(%dma_start3A_169 : memref<2x8x128xf32, #tpu.memory_space<vmem>>) target_semaphore(%arg13 : memref<!tpu.dma_semaphore, #tpu.memory_space<semaphore_mem>>)
      %slice3A_173 = vector.extract_strided_slice %mul3A_74 {offsets = [3], sizes = [1], strides = [1]} : vector<16xi32> to vector<1xi32>
      %squeeze3A_174 = vector.extract %slice3A_173[0] : i32 from vector<1xi32>
      %multiple_of3A_175 = tpu.assume_multiple %squeeze3A_174, 128 : i32
      %dma_start3A_176 = arith.constant 0 : i32
      %dma_start3A_177 = arith.constant 0 : i32
      %dma_start3A_178 = arith.constant 384 : i32
      %dma_start3A_179 = tpu.memref_slice %arg9[%dma_start3A_176, %dma_start3A_177, %dma_start3A_178] : memref<2x8x2048xf32, #tpu.memory_space<vmem>> -> memref<2x8x128xf32, #tpu.memory_space<vmem>>
      %dma_start3A_180 = arith.constant 0 : i32
      %dma_start3A_181 = arith.constant 0 : i32
      %dma_start3A_182 = tpu.memref_slice %arg4[%dma_start3A_180, %dma_start3A_181, %multiple_of3A_175] : memref<2x8x1000000xf32, #tpu.memory_space<hbm>> -> memref<2x8x128xf32, #tpu.memory_space<hbm>>
      %dma_start3A_183 = arith.constant 0 : i32
      %dma_start3A_184 = arith.constant 0 : i32
      %dma_start3A_185 = arith.constant 384 : i32
      %dma_start3A_186 = tpu.memref_slice %arg9[%dma_start3A_183, %dma_start3A_184, %dma_start3A_185] : memref<2x8x2048xf32, #tpu.memory_space<vmem>> -> memref<2x8x128xf32, #tpu.memory_space<vmem>>
      %dma_start3A_187 = arith.constant 0 : i32
      %dma_start3A_188 = arith.constant 0 : i32
      %dma_start3A_189 = tpu.memref_slice %arg4[%dma_start3A_187, %dma_start3A_188, %multiple_of3A_175] : memref<2x8x1000000xf32, #tpu.memory_space<hbm>> -> memref<2x8x128xf32, #tpu.memory_space<hbm>>
      tpu.enqueue_dma source(%dma_start3A_189 : memref<2x8x128xf32, #tpu.memory_space<hbm>>) target(%dma_start3A_186 : memref<2x8x128xf32, #tpu.memory_space<vmem>>) target_semaphore(%arg12 : memref<!tpu.dma_semaphore, #tpu.memory_space<semaphore_mem>>)
      %slice3A_190 = vector.extract_strided_slice %mul3A_68 {offsets = [3], sizes = [1], strides = [1]} : vector<16xi32> to vector<1xi32>
      %squeeze3A_191 = vector.extract %slice3A_190[0] : i32 from vector<1xi32>
      %multiple_of3A_192 = tpu.assume_multiple %squeeze3A_191, 128 : i32
      %dma_start3A_193 = arith.constant 0 : i32
      %dma_start3A_194 = arith.constant 0 : i32
      %dma_start3A_195 = arith.constant 384 : i32
      %dma_start3A_196 = tpu.memref_slice %arg10[%dma_start3A_193, %dma_start3A_194, %dma_start3A_195] : memref<2x8x2048xf32, #tpu.memory_space<vmem>> -> memref<2x8x128xf32, #tpu.memory_space<vmem>>
      %dma_start3A_197 = arith.constant 0 : i32
      %dma_start3A_198 = arith.constant 0 : i32
      %dma_start3A_199 = tpu.memref_slice %arg5[%dma_start3A_197, %dma_start3A_198, %multiple_of3A_192] : memref<2x8x1000000xf32, #tpu.memory_space<hbm>> -> memref<2x8x128xf32, #tpu.memory_space<hbm>>
      %dma_start3A_200 = arith.constant 0 : i32
      %dma_start3A_201 = arith.constant 0 : i32
      %dma_start3A_202 = arith.constant 384 : i32
      %dma_start3A_203 = tpu.memref_slice %arg10[%dma_start3A_200, %dma_start3A_201, %dma_start3A_202] : memref<2x8x2048xf32, #tpu.memory_space<vmem>> -> memref<2x8x128xf32, #tpu.memory_space<vmem>>
      %dma_start3A_204 = arith.constant 0 : i32
      %dma_start3A_205 = arith.constant 0 : i32
      %dma_start3A_206 = tpu.memref_slice %arg5[%dma_start3A_204, %dma_start3A_205, %multiple_of3A_192] : memref<2x8x1000000xf32, #tpu.memory_space<hbm>> -> memref<2x8x128xf32, #tpu.memory_space<hbm>>
      tpu.enqueue_dma source(%dma_start3A_206 : memref<2x8x128xf32, #tpu.memory_space<hbm>>) target(%dma_start3A_203 : memref<2x8x128xf32, #tpu.memory_space<vmem>>) target_semaphore(%arg13 : memref<!tpu.dma_semaphore, #tpu.memory_space<semaphore_mem>>)
      %slice3A_207 = vector.extract_strided_slice %mul3A_74 {offsets = [4], sizes = [1], strides = [1]} : vector<16xi32> to vector<1xi32>
      %squeeze3A_208 = vector.extract %slice3A_207[0] : i32 from vector<1xi32>
      %multiple_of3A_209 = tpu.assume_multiple %squeeze3A_208, 128 : i32
      %dma_start3A_210 = arith.constant 0 : i32
      %dma_start3A_211 = arith.constant 0 : i32
      %dma_start3A_212 = arith.constant 512 : i32
      %dma_start3A_213 = tpu.memref_slice %arg9[%dma_start3A_210, %dma_start3A_211, %dma_start3A_212] : memref<2x8x2048xf32, #tpu.memory_space<vmem>> -> memref<2x8x128xf32, #tpu.memory_space<vmem>>
      %dma_start3A_214 = arith.constant 0 : i32
      %dma_start3A_215 = arith.constant 0 : i32
      %dma_start3A_216 = tpu.memref_slice %arg4[%dma_start3A_214, %dma_start3A_215, %multiple_of3A_209] : memref<2x8x1000000xf32, #tpu.memory_space<hbm>> -> memref<2x8x128xf32, #tpu.memory_space<hbm>>
      %dma_start3A_217 = arith.constant 0 : i32
      %dma_start3A_218 = arith.constant 0 : i32
      %dma_start3A_219 = arith.constant 512 : i32
      %dma_start3A_220 = tpu.memref_slice %arg9[%dma_start3A_217, %dma_start3A_218, %dma_start3A_219] : memref<2x8x2048xf32, #tpu.memory_space<vmem>> -> memref<2x8x128xf32, #tpu.memory_space<vmem>>
      %dma_start3A_221 = arith.constant 0 : i32
      %dma_start3A_222 = arith.constant 0 : i32
      %dma_start3A_223 = tpu.memref_slice %arg4[%dma_start3A_221, %dma_start3A_222, %multiple_of3A_209] : memref<2x8x1000000xf32, #tpu.memory_space<hbm>> -> memref<2x8x128xf32, #tpu.memory_space<hbm>>
      tpu.enqueue_dma source(%dma_start3A_223 : memref<2x8x128xf32, #tpu.memory_space<hbm>>) target(%dma_start3A_220 : memref<2x8x128xf32, #tpu.memory_space<vmem>>) target_semaphore(%arg12 : memref<!tpu.dma_semaphore, #tpu.memory_space<semaphore_mem>>)
      %slice3A_224 = vector.extract_strided_slice %mul3A_68 {offsets = [4], sizes = [1], strides = [1]} : vector<16xi32> to vector<1xi32>
      %squeeze3A_225 = vector.extract %slice3A_224[0] : i32 from vector<1xi32>
      %multiple_of3A_226 = tpu.assume_multiple %squeeze3A_225, 128 : i32
      %dma_start3A_227 = arith.constant 0 : i32
      %dma_start3A_228 = arith.constant 0 : i32
      %dma_start3A_229 = arith.constant 512 : i32
      %dma_start3A_230 = tpu.memref_slice %arg10[%dma_start3A_227, %dma_start3A_228, %dma_start3A_229] : memref<2x8x2048xf32, #tpu.memory_space<vmem>> -> memref<2x8x128xf32, #tpu.memory_space<vmem>>
      %dma_start3A_231 = arith.constant 0 : i32
      %dma_start3A_232 = arith.constant 0 : i32
      %dma_start3A_233 = tpu.memref_slice %arg5[%dma_start3A_231, %dma_start3A_232, %multiple_of3A_226] : memref<2x8x1000000xf32, #tpu.memory_space<hbm>> -> memref<2x8x128xf32, #tpu.memory_space<hbm>>
      %dma_start3A_234 = arith.constant 0 : i32
      %dma_start3A_235 = arith.constant 0 : i32
      %dma_start3A_236 = arith.constant 512 : i32
      %dma_start3A_237 = tpu.memref_slice %arg10[%dma_start3A_234, %dma_start3A_235, %dma_start3A_236] : memref<2x8x2048xf32, #tpu.memory_space<vmem>> -> memref<2x8x128xf32, #tpu.memory_space<vmem>>
      %dma_start3A_238 = arith.constant 0 : i32
      %dma_start3A_239 = arith.constant 0 : i32
      %dma_start3A_240 = tpu.memref_slice %arg5[%dma_start3A_238, %dma_start3A_239, %multiple_of3A_226] : memref<2x8x1000000xf32, #tpu.memory_space<hbm>> -> memref<2x8x128xf32, #tpu.memory_space<hbm>>
      tpu.enqueue_dma source(%dma_start3A_240 : memref<2x8x128xf32, #tpu.memory_space<hbm>>) target(%dma_start3A_237 : memref<2x8x128xf32, #tpu.memory_space<vmem>>) target_semaphore(%arg13 : memref<!tpu.dma_semaphore, #tpu.memory_space<semaphore_mem>>)
      %slice3A_241 = vector.extract_strided_slice %mul3A_74 {offsets = [5], sizes = [1], strides = [1]} : vector<16xi32> to vector<1xi32>
      %squeeze3A_242 = vector.extract %slice3A_241[0] : i32 from vector<1xi32>
      %multiple_of3A_243 = tpu.assume_multiple %squeeze3A_242, 128 : i32
      %dma_start3A_244 = arith.constant 0 : i32
      %dma_start3A_245 = arith.constant 0 : i32
      %dma_start3A_246 = arith.constant 640 : i32
      %dma_start3A_247 = tpu.memref_slice %arg9[%dma_start3A_244, %dma_start3A_245, %dma_start3A_246] : memref<2x8x2048xf32, #tpu.memory_space<vmem>> -> memref<2x8x128xf32, #tpu.memory_space<vmem>>
      %dma_start3A_248 = arith.constant 0 : i32
      %dma_start3A_249 = arith.constant 0 : i32
      %dma_start3A_250 = tpu.memref_slice %arg4[%dma_start3A_248, %dma_start3A_249, %multiple_of3A_243] : memref<2x8x1000000xf32, #tpu.memory_space<hbm>> -> memref<2x8x128xf32, #tpu.memory_space<hbm>>
      %dma_start3A_251 = arith.constant 0 : i32
      %dma_start3A_252 = arith.constant 0 : i32
      %dma_start3A_253 = arith.constant 640 : i32
      %dma_start3A_254 = tpu.memref_slice %arg9[%dma_start3A_251, %dma_start3A_252, %dma_start3A_253] : memref<2x8x2048xf32, #tpu.memory_space<vmem>> -> memref<2x8x128xf32, #tpu.memory_space<vmem>>
      %dma_start3A_255 = arith.constant 0 : i32
      %dma_start3A_256 = arith.constant 0 : i32
      %dma_start3A_257 = tpu.memref_slice %arg4[%dma_start3A_255, %dma_start3A_256, %multiple_of3A_243] : memref<2x8x1000000xf32, #tpu.memory_space<hbm>> -> memref<2x8x128xf32, #tpu.memory_space<hbm>>
      tpu.enqueue_dma source(%dma_start3A_257 : memref<2x8x128xf32, #tpu.memory_space<hbm>>) target(%dma_start3A_254 : memref<2x8x128xf32, #tpu.memory_space<vmem>>) target_semaphore(%arg12 : memref<!tpu.dma_semaphore, #tpu.memory_space<semaphore_mem>>)
      %slice3A_258 = vector.extract_strided_slice %mul3A_68 {offsets = [5], sizes = [1], strides = [1]} : vector<16xi32> to vector<1xi32>
      %squeeze3A_259 = vector.extract %slice3A_258[0] : i32 from vector<1xi32>
      %multiple_of3A_260 = tpu.assume_multiple %squeeze3A_259, 128 : i32
      %dma_start3A_261 = arith.constant 0 : i32
      %dma_start3A_262 = arith.constant 0 : i32
      %dma_start3A_263 = arith.constant 640 : i32
      %dma_start3A_264 = tpu.memref_slice %arg10[%dma_start3A_261, %dma_start3A_262, %dma_start3A_263] : memref<2x8x2048xf32, #tpu.memory_space<vmem>> -> memref<2x8x128xf32, #tpu.memory_space<vmem>>
      %dma_start3A_265 = arith.constant 0 : i32
      %dma_start3A_266 = arith.constant 0 : i32
      %dma_start3A_267 = tpu.memref_slice %arg5[%dma_start3A_265, %dma_start3A_266, %multiple_of3A_260] : memref<2x8x1000000xf32, #tpu.memory_space<hbm>> -> memref<2x8x128xf32, #tpu.memory_space<hbm>>
      %dma_start3A_268 = arith.constant 0 : i32
      %dma_start3A_269 = arith.constant 0 : i32
      %dma_start3A_270 = arith.constant 640 : i32
      %dma_start3A_271 = tpu.memref_slice %arg10[%dma_start3A_268, %dma_start3A_269, %dma_start3A_270] : memref<2x8x2048xf32, #tpu.memory_space<vmem>> -> memref<2x8x128xf32, #tpu.memory_space<vmem>>
      %dma_start3A_272 = arith.constant 0 : i32
      %dma_start3A_273 = arith.constant 0 : i32
      %dma_start3A_274 = tpu.memref_slice %arg5[%dma_start3A_272, %dma_start3A_273, %multiple_of3A_260] : memref<2x8x1000000xf32, #tpu.memory_space<hbm>> -> memref<2x8x128xf32, #tpu.memory_space<hbm>>
      tpu.enqueue_dma source(%dma_start3A_274 : memref<2x8x128xf32, #tpu.memory_space<hbm>>) target(%dma_start3A_271 : memref<2x8x128xf32, #tpu.memory_space<vmem>>) target_semaphore(%arg13 : memref<!tpu.dma_semaphore, #tpu.memory_space<semaphore_mem>>)
      %slice3A_275 = vector.extract_strided_slice %mul3A_74 {offsets = [6], sizes = [1], strides = [1]} : vector<16xi32> to vector<1xi32>
      %squeeze3A_276 = vector.extract %slice3A_275[0] : i32 from vector<1xi32>
      %multiple_of3A_277 = tpu.assume_multiple %squeeze3A_276, 128 : i32
      %dma_start3A_278 = arith.constant 0 : i32
      %dma_start3A_279 = arith.constant 0 : i32
      %dma_start3A_280 = arith.constant 768 : i32
      %dma_start3A_281 = tpu.memref_slice %arg9[%dma_start3A_278, %dma_start3A_279, %dma_start3A_280] : memref<2x8x2048xf32, #tpu.memory_space<vmem>> -> memref<2x8x128xf32, #tpu.memory_space<vmem>>
      %dma_start3A_282 = arith.constant 0 : i32
      %dma_start3A_283 = arith.constant 0 : i32
      %dma_start3A_284 = tpu.memref_slice %arg4[%dma_start3A_282, %dma_start3A_283, %multiple_of3A_277] : memref<2x8x1000000xf32, #tpu.memory_space<hbm>> -> memref<2x8x128xf32, #tpu.memory_space<hbm>>
      %dma_start3A_285 = arith.constant 0 : i32
      %dma_start3A_286 = arith.constant 0 : i32
      %dma_start3A_287 = arith.constant 768 : i32
      %dma_start3A_288 = tpu.memref_slice %arg9[%dma_start3A_285, %dma_start3A_286, %dma_start3A_287] : memref<2x8x2048xf32, #tpu.memory_space<vmem>> -> memref<2x8x128xf32, #tpu.memory_space<vmem>>
      %dma_start3A_289 = arith.constant 0 : i32
      %dma_start3A_290 = arith.constant 0 : i32
      %dma_start3A_291 = tpu.memref_slice %arg4[%dma_start3A_289, %dma_start3A_290, %multiple_of3A_277] : memref<2x8x1000000xf32, #tpu.memory_space<hbm>> -> memref<2x8x128xf32, #tpu.memory_space<hbm>>
      tpu.enqueue_dma source(%dma_start3A_291 : memref<2x8x128xf32, #tpu.memory_space<hbm>>) target(%dma_start3A_288 : memref<2x8x128xf32, #tpu.memory_space<vmem>>) target_semaphore(%arg12 : memref<!tpu.dma_semaphore, #tpu.memory_space<semaphore_mem>>)
      %slice3A_292 = vector.extract_strided_slice %mul3A_68 {offsets = [6], sizes = [1], strides = [1]} : vector<16xi32> to vector<1xi32>
      %squeeze3A_293 = vector.extract %slice3A_292[0] : i32 from vector<1xi32>
      %multiple_of3A_294 = tpu.assume_multiple %squeeze3A_293, 128 : i32
      %dma_start3A_295 = arith.constant 0 : i32
      %dma_start3A_296 = arith.constant 0 : i32
      %dma_start3A_297 = arith.constant 768 : i32
      %dma_start3A_298 = tpu.memref_slice %arg10[%dma_start3A_295, %dma_start3A_296, %dma_start3A_297] : memref<2x8x2048xf32, #tpu.memory_space<vmem>> -> memref<2x8x128xf32, #tpu.memory_space<vmem>>
      %dma_start3A_299 = arith.constant 0 : i32
      %dma_start3A_300 = arith.constant 0 : i32
      %dma_start3A_301 = tpu.memref_slice %arg5[%dma_start3A_299, %dma_start3A_300, %multiple_of3A_294] : memref<2x8x1000000xf32, #tpu.memory_space<hbm>> -> memref<2x8x128xf32, #tpu.memory_space<hbm>>
      %dma_start3A_302 = arith.constant 0 : i32
      %dma_start3A_303 = arith.constant 0 : i32
      %dma_start3A_304 = arith.constant 768 : i32
      %dma_start3A_305 = tpu.memref_slice %arg10[%dma_start3A_302, %dma_start3A_303, %dma_start3A_304] : memref<2x8x2048xf32, #tpu.memory_space<vmem>> -> memref<2x8x128xf32, #tpu.memory_space<vmem>>
      %dma_start3A_306 = arith.constant 0 : i32
      %dma_start3A_307 = arith.constant 0 : i32
      %dma_start3A_308 = tpu.memref_slice %arg5[%dma_start3A_306, %dma_start3A_307, %multiple_of3A_294] : memref<2x8x1000000xf32, #tpu.memory_space<hbm>> -> memref<2x8x128xf32, #tpu.memory_space<hbm>>
      tpu.enqueue_dma source(%dma_start3A_308 : memref<2x8x128xf32, #tpu.memory_space<hbm>>) target(%dma_start3A_305 : memref<2x8x128xf32, #tpu.memory_space<vmem>>) target_semaphore(%arg13 : memref<!tpu.dma_semaphore, #tpu.memory_space<semaphore_mem>>)
      %slice3A_309 = vector.extract_strided_slice %mul3A_74 {offsets = [7], sizes = [1], strides = [1]} : vector<16xi32> to vector<1xi32>
      %squeeze3A_310 = vector.extract %slice3A_309[0] : i32 from vector<1xi32>
      %multiple_of3A_311 = tpu.assume_multiple %squeeze3A_310, 128 : i32
      %dma_start3A_312 = arith.constant 0 : i32
      %dma_start3A_313 = arith.constant 0 : i32
      %dma_start3A_314 = arith.constant 896 : i32
      %dma_start3A_315 = tpu.memref_slice %arg9[%dma_start3A_312, %dma_start3A_313, %dma_start3A_314] : memref<2x8x2048xf32, #tpu.memory_space<vmem>> -> memref<2x8x128xf32, #tpu.memory_space<vmem>>
      %dma_start3A_316 = arith.constant 0 : i32
      %dma_start3A_317 = arith.constant 0 : i32
      %dma_start3A_318 = tpu.memref_slice %arg4[%dma_start3A_316, %dma_start3A_317, %multiple_of3A_311] : memref<2x8x1000000xf32, #tpu.memory_space<hbm>> -> memref<2x8x128xf32, #tpu.memory_space<hbm>>
      %dma_start3A_319 = arith.constant 0 : i32
      %dma_start3A_320 = arith.constant 0 : i32
      %dma_start3A_321 = arith.constant 896 : i32
      %dma_start3A_322 = tpu.memref_slice %arg9[%dma_start3A_319, %dma_start3A_320, %dma_start3A_321] : memref<2x8x2048xf32, #tpu.memory_space<vmem>> -> memref<2x8x128xf32, #tpu.memory_space<vmem>>
      %dma_start3A_323 = arith.constant 0 : i32
      %dma_start3A_324 = arith.constant 0 : i32
      %dma_start3A_325 = tpu.memref_slice %arg4[%dma_start3A_323, %dma_start3A_324, %multiple_of3A_311] : memref<2x8x1000000xf32, #tpu.memory_space<hbm>> -> memref<2x8x128xf32, #tpu.memory_space<hbm>>
      tpu.enqueue_dma source(%dma_start3A_325 : memref<2x8x128xf32, #tpu.memory_space<hbm>>) target(%dma_start3A_322 : memref<2x8x128xf32, #tpu.memory_space<vmem>>) target_semaphore(%arg12 : memref<!tpu.dma_semaphore, #tpu.memory_space<semaphore_mem>>)
      %slice3A_326 = vector.extract_strided_slice %mul3A_68 {offsets = [7], sizes = [1], strides = [1]} : vector<16xi32> to vector<1xi32>
      %squeeze3A_327 = vector.extract %slice3A_326[0] : i32 from vector<1xi32>
      %multiple_of3A_328 = tpu.assume_multiple %squeeze3A_327, 128 : i32
      %dma_start3A_329 = arith.constant 0 : i32
      %dma_start3A_330 = arith.constant 0 : i32
      %dma_start3A_331 = arith.constant 896 : i32
      %dma_start3A_332 = tpu.memref_slice %arg10[%dma_start3A_329, %dma_start3A_330, %dma_start3A_331] : memref<2x8x2048xf32, #tpu.memory_space<vmem>> -> memref<2x8x128xf32, #tpu.memory_space<vmem>>
      %dma_start3A_333 = arith.constant 0 : i32
      %dma_start3A_334 = arith.constant 0 : i32
      %dma_start3A_335 = tpu.memref_slice %arg5[%dma_start3A_333, %dma_start3A_334, %multiple_of3A_328] : memref<2x8x1000000xf32, #tpu.memory_space<hbm>> -> memref<2x8x128xf32, #tpu.memory_space<hbm>>
      %dma_start3A_336 = arith.constant 0 : i32
      %dma_start3A_337 = arith.constant 0 : i32
      %dma_start3A_338 = arith.constant 896 : i32
      %dma_start3A_339 = tpu.memref_slice %arg10[%dma_start3A_336, %dma_start3A_337, %dma_start3A_338] : memref<2x8x2048xf32, #tpu.memory_space<vmem>> -> memref<2x8x128xf32, #tpu.memory_space<vmem>>
      %dma_start3A_340 = arith.constant 0 : i32
      %dma_start3A_341 = arith.constant 0 : i32
      %dma_start3A_342 = tpu.memref_slice %arg5[%dma_start3A_340, %dma_start3A_341, %multiple_of3A_328] : memref<2x8x1000000xf32, #tpu.memory_space<hbm>> -> memref<2x8x128xf32, #tpu.memory_space<hbm>>
      tpu.enqueue_dma source(%dma_start3A_342 : memref<2x8x128xf32, #tpu.memory_space<hbm>>) target(%dma_start3A_339 : memref<2x8x128xf32, #tpu.memory_space<vmem>>) target_semaphore(%arg13 : memref<!tpu.dma_semaphore, #tpu.memory_space<semaphore_mem>>)
      %slice3A_343 = vector.extract_strided_slice %mul3A_74 {offsets = [8], sizes = [1], strides = [1]} : vector<16xi32> to vector<1xi32>
      %squeeze3A_344 = vector.extract %slice3A_343[0] : i32 from vector<1xi32>
      %multiple_of3A_345 = tpu.assume_multiple %squeeze3A_344, 128 : i32
      %dma_start3A_346 = arith.constant 0 : i32
      %dma_start3A_347 = arith.constant 0 : i32
      %dma_start3A_348 = arith.constant 1024 : i32
      %dma_start3A_349 = tpu.memref_slice %arg9[%dma_start3A_346, %dma_start3A_347, %dma_start3A_348] : memref<2x8x2048xf32, #tpu.memory_space<vmem>> -> memref<2x8x128xf32, #tpu.memory_space<vmem>>
      %dma_start3A_350 = arith.constant 0 : i32
      %dma_start3A_351 = arith.constant 0 : i32
      %dma_start3A_352 = tpu.memref_slice %arg4[%dma_start3A_350, %dma_start3A_351, %multiple_of3A_345] : memref<2x8x1000000xf32, #tpu.memory_space<hbm>> -> memref<2x8x128xf32, #tpu.memory_space<hbm>>
      %dma_start3A_353 = arith.constant 0 : i32
      %dma_start3A_354 = arith.constant 0 : i32
      %dma_start3A_355 = arith.constant 1024 : i32
      %dma_start3A_356 = tpu.memref_slice %arg9[%dma_start3A_353, %dma_start3A_354, %dma_start3A_355] : memref<2x8x2048xf32, #tpu.memory_space<vmem>> -> memref<2x8x128xf32, #tpu.memory_space<vmem>>
      %dma_start3A_357 = arith.constant 0 : i32
      %dma_start3A_358 = arith.constant 0 : i32
      %dma_start3A_359 = tpu.memref_slice %arg4[%dma_start3A_357, %dma_start3A_358, %multiple_of3A_345] : memref<2x8x1000000xf32, #tpu.memory_space<hbm>> -> memref<2x8x128xf32, #tpu.memory_space<hbm>>
      tpu.enqueue_dma source(%dma_start3A_359 : memref<2x8x128xf32, #tpu.memory_space<hbm>>) target(%dma_start3A_356 : memref<2x8x128xf32, #tpu.memory_space<vmem>>) target_semaphore(%arg12 : memref<!tpu.dma_semaphore, #tpu.memory_space<semaphore_mem>>)
      %slice3A_360 = vector.extract_strided_slice %mul3A_68 {offsets = [8], sizes = [1], strides = [1]} : vector<16xi32> to vector<1xi32>
      %squeeze3A_361 = vector.extract %slice3A_360[0] : i32 from vector<1xi32>
      %multiple_of3A_362 = tpu.assume_multiple %squeeze3A_361, 128 : i32
      %dma_start3A_363 = arith.constant 0 : i32
      %dma_start3A_364 = arith.constant 0 : i32
      %dma_start3A_365 = arith.constant 1024 : i32
      %dma_start3A_366 = tpu.memref_slice %arg10[%dma_start3A_363, %dma_start3A_364, %dma_start3A_365] : memref<2x8x2048xf32, #tpu.memory_space<vmem>> -> memref<2x8x128xf32, #tpu.memory_space<vmem>>
      %dma_start3A_367 = arith.constant 0 : i32
      %dma_start3A_368 = arith.constant 0 : i32
      %dma_start3A_369 = tpu.memref_slice %arg5[%dma_start3A_367, %dma_start3A_368, %multiple_of3A_362] : memref<2x8x1000000xf32, #tpu.memory_space<hbm>> -> memref<2x8x128xf32, #tpu.memory_space<hbm>>
      %dma_start3A_370 = arith.constant 0 : i32
      %dma_start3A_371 = arith.constant 0 : i32
      %dma_start3A_372 = arith.constant 1024 : i32
      %dma_start3A_373 = tpu.memref_slice %arg10[%dma_start3A_370, %dma_start3A_371, %dma_start3A_372] : memref<2x8x2048xf32, #tpu.memory_space<vmem>> -> memref<2x8x128xf32, #tpu.memory_space<vmem>>
      %dma_start3A_374 = arith.constant 0 : i32
      %dma_start3A_375 = arith.constant 0 : i32
      %dma_start3A_376 = tpu.memref_slice %arg5[%dma_start3A_374, %dma_start3A_375, %multiple_of3A_362] : memref<2x8x1000000xf32, #tpu.memory_space<hbm>> -> memref<2x8x128xf32, #tpu.memory_space<hbm>>
      tpu.enqueue_dma source(%dma_start3A_376 : memref<2x8x128xf32, #tpu.memory_space<hbm>>) target(%dma_start3A_373 : memref<2x8x128xf32, #tpu.memory_space<vmem>>) target_semaphore(%arg13 : memref<!tpu.dma_semaphore, #tpu.memory_space<semaphore_mem>>)
      %slice3A_377 = vector.extract_strided_slice %mul3A_74 {offsets = [9], sizes = [1], strides = [1]} : vector<16xi32> to vector<1xi32>
      %squeeze3A_378 = vector.extract %slice3A_377[0] : i32 from vector<1xi32>
      %multiple_of3A_379 = tpu.assume_multiple %squeeze3A_378, 128 : i32
      %dma_start3A_380 = arith.constant 0 : i32
      %dma_start3A_381 = arith.constant 0 : i32
      %dma_start3A_382 = arith.constant 1152 : i32
      %dma_start3A_383 = tpu.memref_slice %arg9[%dma_start3A_380, %dma_start3A_381, %dma_start3A_382] : memref<2x8x2048xf32, #tpu.memory_space<vmem>> -> memref<2x8x128xf32, #tpu.memory_space<vmem>>
      %dma_start3A_384 = arith.constant 0 : i32
      %dma_start3A_385 = arith.constant 0 : i32
      %dma_start3A_386 = tpu.memref_slice %arg4[%dma_start3A_384, %dma_start3A_385, %multiple_of3A_379] : memref<2x8x1000000xf32, #tpu.memory_space<hbm>> -> memref<2x8x128xf32, #tpu.memory_space<hbm>>
      %dma_start3A_387 = arith.constant 0 : i32
      %dma_start3A_388 = arith.constant 0 : i32
      %dma_start3A_389 = arith.constant 1152 : i32
      %dma_start3A_390 = tpu.memref_slice %arg9[%dma_start3A_387, %dma_start3A_388, %dma_start3A_389] : memref<2x8x2048xf32, #tpu.memory_space<vmem>> -> memref<2x8x128xf32, #tpu.memory_space<vmem>>
      %dma_start3A_391 = arith.constant 0 : i32
      %dma_start3A_392 = arith.constant 0 : i32
      %dma_start3A_393 = tpu.memref_slice %arg4[%dma_start3A_391, %dma_start3A_392, %multiple_of3A_379] : memref<2x8x1000000xf32, #tpu.memory_space<hbm>> -> memref<2x8x128xf32, #tpu.memory_space<hbm>>
      tpu.enqueue_dma source(%dma_start3A_393 : memref<2x8x128xf32, #tpu.memory_space<hbm>>) target(%dma_start3A_390 : memref<2x8x128xf32, #tpu.memory_space<vmem>>) target_semaphore(%arg12 : memref<!tpu.dma_semaphore, #tpu.memory_space<semaphore_mem>>)
      %slice3A_394 = vector.extract_strided_slice %mul3A_68 {offsets = [9], sizes = [1], strides = [1]} : vector<16xi32> to vector<1xi32>
      %squeeze3A_395 = vector.extract %slice3A_394[0] : i32 from vector<1xi32>
      %multiple_of3A_396 = tpu.assume_multiple %squeeze3A_395, 128 : i32
      %dma_start3A_397 = arith.constant 0 : i32
      %dma_start3A_398 = arith.constant 0 : i32
      %dma_start3A_399 = arith.constant 1152 : i32
      %dma_start3A_400 = tpu.memref_slice %arg10[%dma_start3A_397, %dma_start3A_398, %dma_start3A_399] : memref<2x8x2048xf32, #tpu.memory_space<vmem>> -> memref<2x8x128xf32, #tpu.memory_space<vmem>>
      %dma_start3A_401 = arith.constant 0 : i32
      %dma_start3A_402 = arith.constant 0 : i32
      %dma_start3A_403 = tpu.memref_slice %arg5[%dma_start3A_401, %dma_start3A_402, %multiple_of3A_396] : memref<2x8x1000000xf32, #tpu.memory_space<hbm>> -> memref<2x8x128xf32, #tpu.memory_space<hbm>>
      %dma_start3A_404 = arith.constant 0 : i32
      %dma_start3A_405 = arith.constant 0 : i32
      %dma_start3A_406 = arith.constant 1152 : i32
      %dma_start3A_407 = tpu.memref_slice %arg10[%dma_start3A_404, %dma_start3A_405, %dma_start3A_406] : memref<2x8x2048xf32, #tpu.memory_space<vmem>> -> memref<2x8x128xf32, #tpu.memory_space<vmem>>
      %dma_start3A_408 = arith.constant 0 : i32
      %dma_start3A_409 = arith.constant 0 : i32
      %dma_start3A_410 = tpu.memref_slice %arg5[%dma_start3A_408, %dma_start3A_409, %multiple_of3A_396] : memref<2x8x1000000xf32, #tpu.memory_space<hbm>> -> memref<2x8x128xf32, #tpu.memory_space<hbm>>
      tpu.enqueue_dma source(%dma_start3A_410 : memref<2x8x128xf32, #tpu.memory_space<hbm>>) target(%dma_start3A_407 : memref<2x8x128xf32, #tpu.memory_space<vmem>>) target_semaphore(%arg13 : memref<!tpu.dma_semaphore, #tpu.memory_space<semaphore_mem>>)
      %slice3A_411 = vector.extract_strided_slice %mul3A_74 {offsets = [10], sizes = [1], strides = [1]} : vector<16xi32> to vector<1xi32>
      %squeeze3A_412 = vector.extract %slice3A_411[0] : i32 from vector<1xi32>
      %multiple_of3A_413 = tpu.assume_multiple %squeeze3A_412, 128 : i32
      %dma_start3A_414 = arith.constant 0 : i32
      %dma_start3A_415 = arith.constant 0 : i32
      %dma_start3A_416 = arith.constant 1280 : i32
      %dma_start3A_417 = tpu.memref_slice %arg9[%dma_start3A_414, %dma_start3A_415, %dma_start3A_416] : memref<2x8x2048xf32, #tpu.memory_space<vmem>> -> memref<2x8x128xf32, #tpu.memory_space<vmem>>
      %dma_start3A_418 = arith.constant 0 : i32
      %dma_start3A_419 = arith.constant 0 : i32
      %dma_start3A_420 = tpu.memref_slice %arg4[%dma_start3A_418, %dma_start3A_419, %multiple_of3A_413] : memref<2x8x1000000xf32, #tpu.memory_space<hbm>> -> memref<2x8x128xf32, #tpu.memory_space<hbm>>
      %dma_start3A_421 = arith.constant 0 : i32
      %dma_start3A_422 = arith.constant 0 : i32
      %dma_start3A_423 = arith.constant 1280 : i32
      %dma_start3A_424 = tpu.memref_slice %arg9[%dma_start3A_421, %dma_start3A_422, %dma_start3A_423] : memref<2x8x2048xf32, #tpu.memory_space<vmem>> -> memref<2x8x128xf32, #tpu.memory_space<vmem>>
      %dma_start3A_425 = arith.constant 0 : i32
      %dma_start3A_426 = arith.constant 0 : i32
      %dma_start3A_427 = tpu.memref_slice %arg4[%dma_start3A_425, %dma_start3A_426, %multiple_of3A_413] : memref<2x8x1000000xf32, #tpu.memory_space<hbm>> -> memref<2x8x128xf32, #tpu.memory_space<hbm>>
      tpu.enqueue_dma source(%dma_start3A_427 : memref<2x8x128xf32, #tpu.memory_space<hbm>>) target(%dma_start3A_424 : memref<2x8x128xf32, #tpu.memory_space<vmem>>) target_semaphore(%arg12 : memref<!tpu.dma_semaphore, #tpu.memory_space<semaphore_mem>>)
      %slice3A_428 = vector.extract_strided_slice %mul3A_68 {offsets = [10], sizes = [1], strides = [1]} : vector<16xi32> to vector<1xi32>
      %squeeze3A_429 = vector.extract %slice3A_428[0] : i32 from vector<1xi32>
      %multiple_of3A_430 = tpu.assume_multiple %squeeze3A_429, 128 : i32
      %dma_start3A_431 = arith.constant 0 : i32
      %dma_start3A_432 = arith.constant 0 : i32
      %dma_start3A_433 = arith.constant 1280 : i32
      %dma_start3A_434 = tpu.memref_slice %arg10[%dma_start3A_431, %dma_start3A_432, %dma_start3A_433] : memref<2x8x2048xf32, #tpu.memory_space<vmem>> -> memref<2x8x128xf32, #tpu.memory_space<vmem>>
      %dma_start3A_435 = arith.constant 0 : i32
      %dma_start3A_436 = arith.constant 0 : i32
      %dma_start3A_437 = tpu.memref_slice %arg5[%dma_start3A_435, %dma_start3A_436, %multiple_of3A_430] : memref<2x8x1000000xf32, #tpu.memory_space<hbm>> -> memref<2x8x128xf32, #tpu.memory_space<hbm>>
      %dma_start3A_438 = arith.constant 0 : i32
      %dma_start3A_439 = arith.constant 0 : i32
      %dma_start3A_440 = arith.constant 1280 : i32
      %dma_start3A_441 = tpu.memref_slice %arg10[%dma_start3A_438, %dma_start3A_439, %dma_start3A_440] : memref<2x8x2048xf32, #tpu.memory_space<vmem>> -> memref<2x8x128xf32, #tpu.memory_space<vmem>>
      %dma_start3A_442 = arith.constant 0 : i32
      %dma_start3A_443 = arith.constant 0 : i32
      %dma_start3A_444 = tpu.memref_slice %arg5[%dma_start3A_442, %dma_start3A_443, %multiple_of3A_430] : memref<2x8x1000000xf32, #tpu.memory_space<hbm>> -> memref<2x8x128xf32, #tpu.memory_space<hbm>>
      tpu.enqueue_dma source(%dma_start3A_444 : memref<2x8x128xf32, #tpu.memory_space<hbm>>) target(%dma_start3A_441 : memref<2x8x128xf32, #tpu.memory_space<vmem>>) target_semaphore(%arg13 : memref<!tpu.dma_semaphore, #tpu.memory_space<semaphore_mem>>)
      %slice3A_445 = vector.extract_strided_slice %mul3A_74 {offsets = [11], sizes = [1], strides = [1]} : vector<16xi32> to vector<1xi32>
      %squeeze3A_446 = vector.extract %slice3A_445[0] : i32 from vector<1xi32>
      %multiple_of3A_447 = tpu.assume_multiple %squeeze3A_446, 128 : i32
      %dma_start3A_448 = arith.constant 0 : i32
      %dma_start3A_449 = arith.constant 0 : i32
      %dma_start3A_450 = arith.constant 1408 : i32
      %dma_start3A_451 = tpu.memref_slice %arg9[%dma_start3A_448, %dma_start3A_449, %dma_start3A_450] : memref<2x8x2048xf32, #tpu.memory_space<vmem>> -> memref<2x8x128xf32, #tpu.memory_space<vmem>>
      %dma_start3A_452 = arith.constant 0 : i32
      %dma_start3A_453 = arith.constant 0 : i32
      %dma_start3A_454 = tpu.memref_slice %arg4[%dma_start3A_452, %dma_start3A_453, %multiple_of3A_447] : memref<2x8x1000000xf32, #tpu.memory_space<hbm>> -> memref<2x8x128xf32, #tpu.memory_space<hbm>>
      %dma_start3A_455 = arith.constant 0 : i32
      %dma_start3A_456 = arith.constant 0 : i32
      %dma_start3A_457 = arith.constant 1408 : i32
      %dma_start3A_458 = tpu.memref_slice %arg9[%dma_start3A_455, %dma_start3A_456, %dma_start3A_457] : memref<2x8x2048xf32, #tpu.memory_space<vmem>> -> memref<2x8x128xf32, #tpu.memory_space<vmem>>
      %dma_start3A_459 = arith.constant 0 : i32
      %dma_start3A_460 = arith.constant 0 : i32
      %dma_start3A_461 = tpu.memref_slice %arg4[%dma_start3A_459, %dma_start3A_460, %multiple_of3A_447] : memref<2x8x1000000xf32, #tpu.memory_space<hbm>> -> memref<2x8x128xf32, #tpu.memory_space<hbm>>
      tpu.enqueue_dma source(%dma_start3A_461 : memref<2x8x128xf32, #tpu.memory_space<hbm>>) target(%dma_start3A_458 : memref<2x8x128xf32, #tpu.memory_space<vmem>>) target_semaphore(%arg12 : memref<!tpu.dma_semaphore, #tpu.memory_space<semaphore_mem>>)
      %slice3A_462 = vector.extract_strided_slice %mul3A_68 {offsets = [11], sizes = [1], strides = [1]} : vector<16xi32> to vector<1xi32>
      %squeeze3A_463 = vector.extract %slice3A_462[0] : i32 from vector<1xi32>
      %multiple_of3A_464 = tpu.assume_multiple %squeeze3A_463, 128 : i32
      %dma_start3A_465 = arith.constant 0 : i32
      %dma_start3A_466 = arith.constant 0 : i32
      %dma_start3A_467 = arith.constant 1408 : i32
      %dma_start3A_468 = tpu.memref_slice %arg10[%dma_start3A_465, %dma_start3A_466, %dma_start3A_467] : memref<2x8x2048xf32, #tpu.memory_space<vmem>> -> memref<2x8x128xf32, #tpu.memory_space<vmem>>
      %dma_start3A_469 = arith.constant 0 : i32
      %dma_start3A_470 = arith.constant 0 : i32
      %dma_start3A_471 = tpu.memref_slice %arg5[%dma_start3A_469, %dma_start3A_470, %multiple_of3A_464] : memref<2x8x1000000xf32, #tpu.memory_space<hbm>> -> memref<2x8x128xf32, #tpu.memory_space<hbm>>
      %dma_start3A_472 = arith.constant 0 : i32
      %dma_start3A_473 = arith.constant 0 : i32
      %dma_start3A_474 = arith.constant 1408 : i32
      %dma_start3A_475 = tpu.memref_slice %arg10[%dma_start3A_472, %dma_start3A_473, %dma_start3A_474] : memref<2x8x2048xf32, #tpu.memory_space<vmem>> -> memref<2x8x128xf32, #tpu.memory_space<vmem>>
      %dma_start3A_476 = arith.constant 0 : i32
      %dma_start3A_477 = arith.constant 0 : i32
      %dma_start3A_478 = tpu.memref_slice %arg5[%dma_start3A_476, %dma_start3A_477, %multiple_of3A_464] : memref<2x8x1000000xf32, #tpu.memory_space<hbm>> -> memref<2x8x128xf32, #tpu.memory_space<hbm>>
      tpu.enqueue_dma source(%dma_start3A_478 : memref<2x8x128xf32, #tpu.memory_space<hbm>>) target(%dma_start3A_475 : memref<2x8x128xf32, #tpu.memory_space<vmem>>) target_semaphore(%arg13 : memref<!tpu.dma_semaphore, #tpu.memory_space<semaphore_mem>>)
      %slice3A_479 = vector.extract_strided_slice %mul3A_74 {offsets = [12], sizes = [1], strides = [1]} : vector<16xi32> to vector<1xi32>
      %squeeze3A_480 = vector.extract %slice3A_479[0] : i32 from vector<1xi32>
      %multiple_of3A_481 = tpu.assume_multiple %squeeze3A_480, 128 : i32
      %dma_start3A_482 = arith.constant 0 : i32
      %dma_start3A_483 = arith.constant 0 : i32
      %dma_start3A_484 = arith.constant 1536 : i32
      %dma_start3A_485 = tpu.memref_slice %arg9[%dma_start3A_482, %dma_start3A_483, %dma_start3A_484] : memref<2x8x2048xf32, #tpu.memory_space<vmem>> -> memref<2x8x128xf32, #tpu.memory_space<vmem>>
      %dma_start3A_486 = arith.constant 0 : i32
      %dma_start3A_487 = arith.constant 0 : i32
      %dma_start3A_488 = tpu.memref_slice %arg4[%dma_start3A_486, %dma_start3A_487, %multiple_of3A_481] : memref<2x8x1000000xf32, #tpu.memory_space<hbm>> -> memref<2x8x128xf32, #tpu.memory_space<hbm>>
      %dma_start3A_489 = arith.constant 0 : i32
      %dma_start3A_490 = arith.constant 0 : i32
      %dma_start3A_491 = arith.constant 1536 : i32
      %dma_start3A_492 = tpu.memref_slice %arg9[%dma_start3A_489, %dma_start3A_490, %dma_start3A_491] : memref<2x8x2048xf32, #tpu.memory_space<vmem>> -> memref<2x8x128xf32, #tpu.memory_space<vmem>>
      %dma_start3A_493 = arith.constant 0 : i32
      %dma_start3A_494 = arith.constant 0 : i32
      %dma_start3A_495 = tpu.memref_slice %arg4[%dma_start3A_493, %dma_start3A_494, %multiple_of3A_481] : memref<2x8x1000000xf32, #tpu.memory_space<hbm>> -> memref<2x8x128xf32, #tpu.memory_space<hbm>>
      tpu.enqueue_dma source(%dma_start3A_495 : memref<2x8x128xf32, #tpu.memory_space<hbm>>) target(%dma_start3A_492 : memref<2x8x128xf32, #tpu.memory_space<vmem>>) target_semaphore(%arg12 : memref<!tpu.dma_semaphore, #tpu.memory_space<semaphore_mem>>)
      %slice3A_496 = vector.extract_strided_slice %mul3A_68 {offsets = [12], sizes = [1], strides = [1]} : vector<16xi32> to vector<1xi32>
      %squeeze3A_497 = vector.extract %slice3A_496[0] : i32 from vector<1xi32>
      %multiple_of3A_498 = tpu.assume_multiple %squeeze3A_497, 128 : i32
      %dma_start3A_499 = arith.constant 0 : i32
      %dma_start3A_500 = arith.constant 0 : i32
      %dma_start3A_501 = arith.constant 1536 : i32
      %dma_start3A_502 = tpu.memref_slice %arg10[%dma_start3A_499, %dma_start3A_500, %dma_start3A_501] : memref<2x8x2048xf32, #tpu.memory_space<vmem>> -> memref<2x8x128xf32, #tpu.memory_space<vmem>>
      %dma_start3A_503 = arith.constant 0 : i32
      %dma_start3A_504 = arith.constant 0 : i32
      %dma_start3A_505 = tpu.memref_slice %arg5[%dma_start3A_503, %dma_start3A_504, %multiple_of3A_498] : memref<2x8x1000000xf32, #tpu.memory_space<hbm>> -> memref<2x8x128xf32, #tpu.memory_space<hbm>>
      %dma_start3A_506 = arith.constant 0 : i32
      %dma_start3A_507 = arith.constant 0 : i32
      %dma_start3A_508 = arith.constant 1536 : i32
      %dma_start3A_509 = tpu.memref_slice %arg10[%dma_start3A_506, %dma_start3A_507, %dma_start3A_508] : memref<2x8x2048xf32, #tpu.memory_space<vmem>> -> memref<2x8x128xf32, #tpu.memory_space<vmem>>
      %dma_start3A_510 = arith.constant 0 : i32
      %dma_start3A_511 = arith.constant 0 : i32
      %dma_start3A_512 = tpu.memref_slice %arg5[%dma_start3A_510, %dma_start3A_511, %multiple_of3A_498] : memref<2x8x1000000xf32, #tpu.memory_space<hbm>> -> memref<2x8x128xf32, #tpu.memory_space<hbm>>
      tpu.enqueue_dma source(%dma_start3A_512 : memref<2x8x128xf32, #tpu.memory_space<hbm>>) target(%dma_start3A_509 : memref<2x8x128xf32, #tpu.memory_space<vmem>>) target_semaphore(%arg13 : memref<!tpu.dma_semaphore, #tpu.memory_space<semaphore_mem>>)
      %slice3A_513 = vector.extract_strided_slice %mul3A_74 {offsets = [13], sizes = [1], strides = [1]} : vector<16xi32> to vector<1xi32>
      %squeeze3A_514 = vector.extract %slice3A_513[0] : i32 from vector<1xi32>
      %multiple_of3A_515 = tpu.assume_multiple %squeeze3A_514, 128 : i32
      %dma_start3A_516 = arith.constant 0 : i32
      %dma_start3A_517 = arith.constant 0 : i32
      %dma_start3A_518 = arith.constant 1664 : i32
      %dma_start3A_519 = tpu.memref_slice %arg9[%dma_start3A_516, %dma_start3A_517, %dma_start3A_518] : memref<2x8x2048xf32, #tpu.memory_space<vmem>> -> memref<2x8x128xf32, #tpu.memory_space<vmem>>
      %dma_start3A_520 = arith.constant 0 : i32
      %dma_start3A_521 = arith.constant 0 : i32
      %dma_start3A_522 = tpu.memref_slice %arg4[%dma_start3A_520, %dma_start3A_521, %multiple_of3A_515] : memref<2x8x1000000xf32, #tpu.memory_space<hbm>> -> memref<2x8x128xf32, #tpu.memory_space<hbm>>
      %dma_start3A_523 = arith.constant 0 : i32
      %dma_start3A_524 = arith.constant 0 : i32
      %dma_start3A_525 = arith.constant 1664 : i32
      %dma_start3A_526 = tpu.memref_slice %arg9[%dma_start3A_523, %dma_start3A_524, %dma_start3A_525] : memref<2x8x2048xf32, #tpu.memory_space<vmem>> -> memref<2x8x128xf32, #tpu.memory_space<vmem>>
      %dma_start3A_527 = arith.constant 0 : i32
      %dma_start3A_528 = arith.constant 0 : i32
      %dma_start3A_529 = tpu.memref_slice %arg4[%dma_start3A_527, %dma_start3A_528, %multiple_of3A_515] : memref<2x8x1000000xf32, #tpu.memory_space<hbm>> -> memref<2x8x128xf32, #tpu.memory_space<hbm>>
      tpu.enqueue_dma source(%dma_start3A_529 : memref<2x8x128xf32, #tpu.memory_space<hbm>>) target(%dma_start3A_526 : memref<2x8x128xf32, #tpu.memory_space<vmem>>) target_semaphore(%arg12 : memref<!tpu.dma_semaphore, #tpu.memory_space<semaphore_mem>>)
      %slice3A_530 = vector.extract_strided_slice %mul3A_68 {offsets = [13], sizes = [1], strides = [1]} : vector<16xi32> to vector<1xi32>
      %squeeze3A_531 = vector.extract %slice3A_530[0] : i32 from vector<1xi32>
      %multiple_of3A_532 = tpu.assume_multiple %squeeze3A_531, 128 : i32
      %dma_start3A_533 = arith.constant 0 : i32
      %dma_start3A_534 = arith.constant 0 : i32
      %dma_start3A_535 = arith.constant 1664 : i32
      %dma_start3A_536 = tpu.memref_slice %arg10[%dma_start3A_533, %dma_start3A_534, %dma_start3A_535] : memref<2x8x2048xf32, #tpu.memory_space<vmem>> -> memref<2x8x128xf32, #tpu.memory_space<vmem>>
      %dma_start3A_537 = arith.constant 0 : i32
      %dma_start3A_538 = arith.constant 0 : i32
      %dma_start3A_539 = tpu.memref_slice %arg5[%dma_start3A_537, %dma_start3A_538, %multiple_of3A_532] : memref<2x8x1000000xf32, #tpu.memory_space<hbm>> -> memref<2x8x128xf32, #tpu.memory_space<hbm>>
      %dma_start3A_540 = arith.constant 0 : i32
      %dma_start3A_541 = arith.constant 0 : i32
      %dma_start3A_542 = arith.constant 1664 : i32
      %dma_start3A_543 = tpu.memref_slice %arg10[%dma_start3A_540, %dma_start3A_541, %dma_start3A_542] : memref<2x8x2048xf32, #tpu.memory_space<vmem>> -> memref<2x8x128xf32, #tpu.memory_space<vmem>>
      %dma_start3A_544 = arith.constant 0 : i32
      %dma_start3A_545 = arith.constant 0 : i32
      %dma_start3A_546 = tpu.memref_slice %arg5[%dma_start3A_544, %dma_start3A_545, %multiple_of3A_532] : memref<2x8x1000000xf32, #tpu.memory_space<hbm>> -> memref<2x8x128xf32, #tpu.memory_space<hbm>>
      tpu.enqueue_dma source(%dma_start3A_546 : memref<2x8x128xf32, #tpu.memory_space<hbm>>) target(%dma_start3A_543 : memref<2x8x128xf32, #tpu.memory_space<vmem>>) target_semaphore(%arg13 : memref<!tpu.dma_semaphore, #tpu.memory_space<semaphore_mem>>)
      %slice3A_547 = vector.extract_strided_slice %mul3A_74 {offsets = [14], sizes = [1], strides = [1]} : vector<16xi32> to vector<1xi32>
      %squeeze3A_548 = vector.extract %slice3A_547[0] : i32 from vector<1xi32>
      %multiple_of3A_549 = tpu.assume_multiple %squeeze3A_548, 128 : i32
      %dma_start3A_550 = arith.constant 0 : i32
      %dma_start3A_551 = arith.constant 0 : i32
      %dma_start3A_552 = arith.constant 1792 : i32
      %dma_start3A_553 = tpu.memref_slice %arg9[%dma_start3A_550, %dma_start3A_551, %dma_start3A_552] : memref<2x8x2048xf32, #tpu.memory_space<vmem>> -> memref<2x8x128xf32, #tpu.memory_space<vmem>>
      %dma_start3A_554 = arith.constant 0 : i32
      %dma_start3A_555 = arith.constant 0 : i32
      %dma_start3A_556 = tpu.memref_slice %arg4[%dma_start3A_554, %dma_start3A_555, %multiple_of3A_549] : memref<2x8x1000000xf32, #tpu.memory_space<hbm>> -> memref<2x8x128xf32, #tpu.memory_space<hbm>>
      %dma_start3A_557 = arith.constant 0 : i32
      %dma_start3A_558 = arith.constant 0 : i32
      %dma_start3A_559 = arith.constant 1792 : i32
      %dma_start3A_560 = tpu.memref_slice %arg9[%dma_start3A_557, %dma_start3A_558, %dma_start3A_559] : memref<2x8x2048xf32, #tpu.memory_space<vmem>> -> memref<2x8x128xf32, #tpu.memory_space<vmem>>
      %dma_start3A_561 = arith.constant 0 : i32
      %dma_start3A_562 = arith.constant 0 : i32
      %dma_start3A_563 = tpu.memref_slice %arg4[%dma_start3A_561, %dma_start3A_562, %multiple_of3A_549] : memref<2x8x1000000xf32, #tpu.memory_space<hbm>> -> memref<2x8x128xf32, #tpu.memory_space<hbm>>
      tpu.enqueue_dma source(%dma_start3A_563 : memref<2x8x128xf32, #tpu.memory_space<hbm>>) target(%dma_start3A_560 : memref<2x8x128xf32, #tpu.memory_space<vmem>>) target_semaphore(%arg12 : memref<!tpu.dma_semaphore, #tpu.memory_space<semaphore_mem>>)
      %slice3A_564 = vector.extract_strided_slice %mul3A_68 {offsets = [14], sizes = [1], strides = [1]} : vector<16xi32> to vector<1xi32>
      %squeeze3A_565 = vector.extract %slice3A_564[0] : i32 from vector<1xi32>
      %multiple_of3A_566 = tpu.assume_multiple %squeeze3A_565, 128 : i32
      %dma_start3A_567 = arith.constant 0 : i32
      %dma_start3A_568 = arith.constant 0 : i32
      %dma_start3A_569 = arith.constant 1792 : i32
      %dma_start3A_570 = tpu.memref_slice %arg10[%dma_start3A_567, %dma_start3A_568, %dma_start3A_569] : memref<2x8x2048xf32, #tpu.memory_space<vmem>> -> memref<2x8x128xf32, #tpu.memory_space<vmem>>
      %dma_start3A_571 = arith.constant 0 : i32
      %dma_start3A_572 = arith.constant 0 : i32
      %dma_start3A_573 = tpu.memref_slice %arg5[%dma_start3A_571, %dma_start3A_572, %multiple_of3A_566] : memref<2x8x1000000xf32, #tpu.memory_space<hbm>> -> memref<2x8x128xf32, #tpu.memory_space<hbm>>
      %dma_start3A_574 = arith.constant 0 : i32
      %dma_start3A_575 = arith.constant 0 : i32
      %dma_start3A_576 = arith.constant 1792 : i32
      %dma_start3A_577 = tpu.memref_slice %arg10[%dma_start3A_574, %dma_start3A_575, %dma_start3A_576] : memref<2x8x2048xf32, #tpu.memory_space<vmem>> -> memref<2x8x128xf32, #tpu.memory_space<vmem>>
      %dma_start3A_578 = arith.constant 0 : i32
      %dma_start3A_579 = arith.constant 0 : i32
      %dma_start3A_580 = tpu.memref_slice %arg5[%dma_start3A_578, %dma_start3A_579, %multiple_of3A_566] : memref<2x8x1000000xf32, #tpu.memory_space<hbm>> -> memref<2x8x128xf32, #tpu.memory_space<hbm>>
      tpu.enqueue_dma source(%dma_start3A_580 : memref<2x8x128xf32, #tpu.memory_space<hbm>>) target(%dma_start3A_577 : memref<2x8x128xf32, #tpu.memory_space<vmem>>) target_semaphore(%arg13 : memref<!tpu.dma_semaphore, #tpu.memory_space<semaphore_mem>>)
      %slice3A_581 = vector.extract_strided_slice %mul3A_74 {offsets = [15], sizes = [1], strides = [1]} : vector<16xi32> to vector<1xi32>
      %squeeze3A_582 = vector.extract %slice3A_581[0] : i32 from vector<1xi32>
      %multiple_of3A_583 = tpu.assume_multiple %squeeze3A_582, 128 : i32
      %dma_start3A_584 = arith.constant 0 : i32
      %dma_start3A_585 = arith.constant 0 : i32
      %dma_start3A_586 = arith.constant 1920 : i32
      %dma_start3A_587 = tpu.memref_slice %arg9[%dma_start3A_584, %dma_start3A_585, %dma_start3A_586] : memref<2x8x2048xf32, #tpu.memory_space<vmem>> -> memref<2x8x128xf32, #tpu.memory_space<vmem>>
      %dma_start3A_588 = arith.constant 0 : i32
      %dma_start3A_589 = arith.constant 0 : i32
      %dma_start3A_590 = tpu.memref_slice %arg4[%dma_start3A_588, %dma_start3A_589, %multiple_of3A_583] : memref<2x8x1000000xf32, #tpu.memory_space<hbm>> -> memref<2x8x128xf32, #tpu.memory_space<hbm>>
      %dma_start3A_591 = arith.constant 0 : i32
      %dma_start3A_592 = arith.constant 0 : i32
      %dma_start3A_593 = arith.constant 1920 : i32
      %dma_start3A_594 = tpu.memref_slice %arg9[%dma_start3A_591, %dma_start3A_592, %dma_start3A_593] : memref<2x8x2048xf32, #tpu.memory_space<vmem>> -> memref<2x8x128xf32, #tpu.memory_space<vmem>>
      %dma_start3A_595 = arith.constant 0 : i32
      %dma_start3A_596 = arith.constant 0 : i32
      %dma_start3A_597 = tpu.memref_slice %arg4[%dma_start3A_595, %dma_start3A_596, %multiple_of3A_583] : memref<2x8x1000000xf32, #tpu.memory_space<hbm>> -> memref<2x8x128xf32, #tpu.memory_space<hbm>>
      tpu.enqueue_dma source(%dma_start3A_597 : memref<2x8x128xf32, #tpu.memory_space<hbm>>) target(%dma_start3A_594 : memref<2x8x128xf32, #tpu.memory_space<vmem>>) target_semaphore(%arg12 : memref<!tpu.dma_semaphore, #tpu.memory_space<semaphore_mem>>)
      %slice3A_598 = vector.extract_strided_slice %mul3A_68 {offsets = [15], sizes = [1], strides = [1]} : vector<16xi32> to vector<1xi32>
      %squeeze3A_599 = vector.extract %slice3A_598[0] : i32 from vector<1xi32>
      %multiple_of3A_600 = tpu.assume_multiple %squeeze3A_599, 128 : i32
      %dma_start3A_601 = arith.constant 0 : i32
      %dma_start3A_602 = arith.constant 0 : i32
      %dma_start3A_603 = arith.constant 1920 : i32
      %dma_start3A_604 = tpu.memref_slice %arg10[%dma_start3A_601, %dma_start3A_602, %dma_start3A_603] : memref<2x8x2048xf32, #tpu.memory_space<vmem>> -> memref<2x8x128xf32, #tpu.memory_space<vmem>>
      %dma_start3A_605 = arith.constant 0 : i32
      %dma_start3A_606 = arith.constant 0 : i32
      %dma_start3A_607 = tpu.memref_slice %arg5[%dma_start3A_605, %dma_start3A_606, %multiple_of3A_600] : memref<2x8x1000000xf32, #tpu.memory_space<hbm>> -> memref<2x8x128xf32, #tpu.memory_space<hbm>>
      %dma_start3A_608 = arith.constant 0 : i32
      %dma_start3A_609 = arith.constant 0 : i32
      %dma_start3A_610 = arith.constant 1920 : i32
      %dma_start3A_611 = tpu.memref_slice %arg10[%dma_start3A_608, %dma_start3A_609, %dma_start3A_610] : memref<2x8x2048xf32, #tpu.memory_space<vmem>> -> memref<2x8x128xf32, #tpu.memory_space<vmem>>
      %dma_start3A_612 = arith.constant 0 : i32
      %dma_start3A_613 = arith.constant 0 : i32
      %dma_start3A_614 = tpu.memref_slice %arg5[%dma_start3A_612, %dma_start3A_613, %multiple_of3A_600] : memref<2x8x1000000xf32, #tpu.memory_space<hbm>> -> memref<2x8x128xf32, #tpu.memory_space<hbm>>
      tpu.enqueue_dma source(%dma_start3A_614 : memref<2x8x128xf32, #tpu.memory_space<hbm>>) target(%dma_start3A_611 : memref<2x8x128xf32, #tpu.memory_space<vmem>>) target_semaphore(%arg13 : memref<!tpu.dma_semaphore, #tpu.memory_space<semaphore_mem>>)
      %dma_wait3A = arith.constant 0 : i32
      %dma_wait3A_615 = arith.constant 0 : i32
      %dma_wait3A_616 = arith.constant 0 : i32
      %dma_wait3A_617 = tpu.memref_slice %arg9[%dma_wait3A, %dma_wait3A_615, %dma_wait3A_616] : memref<2x8x2048xf32, #tpu.memory_space<vmem>> -> memref<2x8x128xf32, #tpu.memory_space<vmem>>
      %dma_wait3A_618 = arith.constant 0 : i32
      %dma_wait3A_619 = arith.constant 0 : i32
      %dma_wait3A_620 = tpu.memref_slice %arg4[%dma_wait3A_618, %dma_wait3A_619, %multiple_of3A] : memref<2x8x1000000xf32, #tpu.memory_space<hbm>> -> memref<2x8x128xf32, #tpu.memory_space<hbm>>
      %dma_wait3A_621 = arith.constant 0 : i32
      %dma_wait3A_622 = arith.constant 0 : i32
      %dma_wait3A_623 = arith.constant 0 : i32
      %dma_wait3A_624 = tpu.memref_slice %arg9[%dma_wait3A_621, %dma_wait3A_622, %dma_wait3A_623] : memref<2x8x2048xf32, #tpu.memory_space<vmem>> -> memref<2x8x128xf32, #tpu.memory_space<vmem>>
      %dma_wait3A_625 = arith.constant 0 : i32
      %dma_wait3A_626 = arith.constant 0 : i32
      %dma_wait3A_627 = tpu.memref_slice %arg4[%dma_wait3A_625, %dma_wait3A_626, %multiple_of3A] : memref<2x8x1000000xf32, #tpu.memory_space<hbm>> -> memref<2x8x128xf32, #tpu.memory_space<hbm>>
      tpu.wait_dma2 semaphore(%arg12 : memref<!tpu.dma_semaphore, #tpu.memory_space<semaphore_mem>>) src(%dma_wait3A_627 : memref<2x8x128xf32, #tpu.memory_space<hbm>>) dst(%dma_wait3A_624 : memref<2x8x128xf32, #tpu.memory_space<vmem>>)
      %dma_wait3A_628 = arith.constant 0 : i32
      %dma_wait3A_629 = arith.constant 0 : i32
      %dma_wait3A_630 = arith.constant 0 : i32
      %dma_wait3A_631 = tpu.memref_slice %arg10[%dma_wait3A_628, %dma_wait3A_629, %dma_wait3A_630] : memref<2x8x2048xf32, #tpu.memory_space<vmem>> -> memref<2x8x128xf32, #tpu.memory_space<vmem>>
      %dma_wait3A_632 = arith.constant 0 : i32
      %dma_wait3A_633 = arith.constant 0 : i32
      %dma_wait3A_634 = tpu.memref_slice %arg5[%dma_wait3A_632, %dma_wait3A_633, %multiple_of3A_90] : memref<2x8x1000000xf32, #tpu.memory_space<hbm>> -> memref<2x8x128xf32, #tpu.memory_space<hbm>>
      %dma_wait3A_635 = arith.constant 0 : i32
      %dma_wait3A_636 = arith.constant 0 : i32
      %dma_wait3A_637 = arith.constant 0 : i32
      %dma_wait3A_638 = tpu.memref_slice %arg10[%dma_wait3A_635, %dma_wait3A_636, %dma_wait3A_637] : memref<2x8x2048xf32, #tpu.memory_space<vmem>> -> memref<2x8x128xf32, #tpu.memory_space<vmem>>
      %dma_wait3A_639 = arith.constant 0 : i32
      %dma_wait3A_640 = arith.constant 0 : i32
      %dma_wait3A_641 = tpu.memref_slice %arg5[%dma_wait3A_639, %dma_wait3A_640, %multiple_of3A_90] : memref<2x8x1000000xf32, #tpu.memory_space<hbm>> -> memref<2x8x128xf32, #tpu.memory_space<hbm>>
      tpu.wait_dma2 semaphore(%arg13 : memref<!tpu.dma_semaphore, #tpu.memory_space<semaphore_mem>>) src(%dma_wait3A_641 : memref<2x8x128xf32, #tpu.memory_space<hbm>>) dst(%dma_wait3A_638 : memref<2x8x128xf32, #tpu.memory_space<vmem>>)
      %dma_wait3A_642 = arith.constant 0 : i32
      %dma_wait3A_643 = arith.constant 0 : i32
      %dma_wait3A_644 = arith.constant 128 : i32
      %dma_wait3A_645 = tpu.memref_slice %arg9[%dma_wait3A_642, %dma_wait3A_643, %dma_wait3A_644] : memref<2x8x2048xf32, #tpu.memory_space<vmem>> -> memref<2x8x128xf32, #tpu.memory_space<vmem>>
      %dma_wait3A_646 = arith.constant 0 : i32
      %dma_wait3A_647 = arith.constant 0 : i32
      %dma_wait3A_648 = tpu.memref_slice %arg4[%dma_wait3A_646, %dma_wait3A_647, %multiple_of3A_107] : memref<2x8x1000000xf32, #tpu.memory_space<hbm>> -> memref<2x8x128xf32, #tpu.memory_space<hbm>>
      %dma_wait3A_649 = arith.constant 0 : i32
      %dma_wait3A_650 = arith.constant 0 : i32
      %dma_wait3A_651 = arith.constant 128 : i32
      %dma_wait3A_652 = tpu.memref_slice %arg9[%dma_wait3A_649, %dma_wait3A_650, %dma_wait3A_651] : memref<2x8x2048xf32, #tpu.memory_space<vmem>> -> memref<2x8x128xf32, #tpu.memory_space<vmem>>
      %dma_wait3A_653 = arith.constant 0 : i32
      %dma_wait3A_654 = arith.constant 0 : i32
      %dma_wait3A_655 = tpu.memref_slice %arg4[%dma_wait3A_653, %dma_wait3A_654, %multiple_of3A_107] : memref<2x8x1000000xf32, #tpu.memory_space<hbm>> -> memref<2x8x128xf32, #tpu.memory_space<hbm>>
      tpu.wait_dma2 semaphore(%arg12 : memref<!tpu.dma_semaphore, #tpu.memory_space<semaphore_mem>>) src(%dma_wait3A_655 : memref<2x8x128xf32, #tpu.memory_space<hbm>>) dst(%dma_wait3A_652 : memref<2x8x128xf32, #tpu.memory_space<vmem>>)
      %dma_wait3A_656 = arith.constant 0 : i32
      %dma_wait3A_657 = arith.constant 0 : i32
      %dma_wait3A_658 = arith.constant 128 : i32
      %dma_wait3A_659 = tpu.memref_slice %arg10[%dma_wait3A_656, %dma_wait3A_657, %dma_wait3A_658] : memref<2x8x2048xf32, #tpu.memory_space<vmem>> -> memref<2x8x128xf32, #tpu.memory_space<vmem>>
      %dma_wait3A_660 = arith.constant 0 : i32
      %dma_wait3A_661 = arith.constant 0 : i32
      %dma_wait3A_662 = tpu.memref_slice %arg5[%dma_wait3A_660, %dma_wait3A_661, %multiple_of3A_124] : memref<2x8x1000000xf32, #tpu.memory_space<hbm>> -> memref<2x8x128xf32, #tpu.memory_space<hbm>>
      %dma_wait3A_663 = arith.constant 0 : i32
      %dma_wait3A_664 = arith.constant 0 : i32
      %dma_wait3A_665 = arith.constant 128 : i32
      %dma_wait3A_666 = tpu.memref_slice %arg10[%dma_wait3A_663, %dma_wait3A_664, %dma_wait3A_665] : memref<2x8x2048xf32, #tpu.memory_space<vmem>> -> memref<2x8x128xf32, #tpu.memory_space<vmem>>
      %dma_wait3A_667 = arith.constant 0 : i32
      %dma_wait3A_668 = arith.constant 0 : i32
      %dma_wait3A_669 = tpu.memref_slice %arg5[%dma_wait3A_667, %dma_wait3A_668, %multiple_of3A_124] : memref<2x8x1000000xf32, #tpu.memory_space<hbm>> -> memref<2x8x128xf32, #tpu.memory_space<hbm>>
      tpu.wait_dma2 semaphore(%arg13 : memref<!tpu.dma_semaphore, #tpu.memory_space<semaphore_mem>>) src(%dma_wait3A_669 : memref<2x8x128xf32, #tpu.memory_space<hbm>>) dst(%dma_wait3A_666 : memref<2x8x128xf32, #tpu.memory_space<vmem>>)
      %dma_wait3A_670 = arith.constant 0 : i32
      %dma_wait3A_671 = arith.constant 0 : i32
      %dma_wait3A_672 = arith.constant 256 : i32
      %dma_wait3A_673 = tpu.memref_slice %arg9[%dma_wait3A_670, %dma_wait3A_671, %dma_wait3A_672] : memref<2x8x2048xf32, #tpu.memory_space<vmem>> -> memref<2x8x128xf32, #tpu.memory_space<vmem>>
      %dma_wait3A_674 = arith.constant 0 : i32
      %dma_wait3A_675 = arith.constant 0 : i32
      %dma_wait3A_676 = tpu.memref_slice %arg4[%dma_wait3A_674, %dma_wait3A_675, %multiple_of3A_141] : memref<2x8x1000000xf32, #tpu.memory_space<hbm>> -> memref<2x8x128xf32, #tpu.memory_space<hbm>>
      %dma_wait3A_677 = arith.constant 0 : i32
      %dma_wait3A_678 = arith.constant 0 : i32
      %dma_wait3A_679 = arith.constant 256 : i32
      %dma_wait3A_680 = tpu.memref_slice %arg9[%dma_wait3A_677, %dma_wait3A_678, %dma_wait3A_679] : memref<2x8x2048xf32, #tpu.memory_space<vmem>> -> memref<2x8x128xf32, #tpu.memory_space<vmem>>
      %dma_wait3A_681 = arith.constant 0 : i32
      %dma_wait3A_682 = arith.constant 0 : i32
      %dma_wait3A_683 = tpu.memref_slice %arg4[%dma_wait3A_681, %dma_wait3A_682, %multiple_of3A_141] : memref<2x8x1000000xf32, #tpu.memory_space<hbm>> -> memref<2x8x128xf32, #tpu.memory_space<hbm>>
      tpu.wait_dma2 semaphore(%arg12 : memref<!tpu.dma_semaphore, #tpu.memory_space<semaphore_mem>>) src(%dma_wait3A_683 : memref<2x8x128xf32, #tpu.memory_space<hbm>>) dst(%dma_wait3A_680 : memref<2x8x128xf32, #tpu.memory_space<vmem>>)
      %dma_wait3A_684 = arith.constant 0 : i32
      %dma_wait3A_685 = arith.constant 0 : i32
      %dma_wait3A_686 = arith.constant 256 : i32
      %dma_wait3A_687 = tpu.memref_slice %arg10[%dma_wait3A_684, %dma_wait3A_685, %dma_wait3A_686] : memref<2x8x2048xf32, #tpu.memory_space<vmem>> -> memref<2x8x128xf32, #tpu.memory_space<vmem>>
      %dma_wait3A_688 = arith.constant 0 : i32
      %dma_wait3A_689 = arith.constant 0 : i32
      %dma_wait3A_690 = tpu.memref_slice %arg5[%dma_wait3A_688, %dma_wait3A_689, %multiple_of3A_158] : memref<2x8x1000000xf32, #tpu.memory_space<hbm>> -> memref<2x8x128xf32, #tpu.memory_space<hbm>>
      %dma_wait3A_691 = arith.constant 0 : i32
      %dma_wait3A_692 = arith.constant 0 : i32
      %dma_wait3A_693 = arith.constant 256 : i32
      %dma_wait3A_694 = tpu.memref_slice %arg10[%dma_wait3A_691, %dma_wait3A_692, %dma_wait3A_693] : memref<2x8x2048xf32, #tpu.memory_space<vmem>> -> memref<2x8x128xf32, #tpu.memory_space<vmem>>
      %dma_wait3A_695 = arith.constant 0 : i32
      %dma_wait3A_696 = arith.constant 0 : i32
      %dma_wait3A_697 = tpu.memref_slice %arg5[%dma_wait3A_695, %dma_wait3A_696, %multiple_of3A_158] : memref<2x8x1000000xf32, #tpu.memory_space<hbm>> -> memref<2x8x128xf32, #tpu.memory_space<hbm>>
      tpu.wait_dma2 semaphore(%arg13 : memref<!tpu.dma_semaphore, #tpu.memory_space<semaphore_mem>>) src(%dma_wait3A_697 : memref<2x8x128xf32, #tpu.memory_space<hbm>>) dst(%dma_wait3A_694 : memref<2x8x128xf32, #tpu.memory_space<vmem>>)
      %dma_wait3A_698 = arith.constant 0 : i32
      %dma_wait3A_699 = arith.constant 0 : i32
      %dma_wait3A_700 = arith.constant 384 : i32
      %dma_wait3A_701 = tpu.memref_slice %arg9[%dma_wait3A_698, %dma_wait3A_699, %dma_wait3A_700] : memref<2x8x2048xf32, #tpu.memory_space<vmem>> -> memref<2x8x128xf32, #tpu.memory_space<vmem>>
      %dma_wait3A_702 = arith.constant 0 : i32
      %dma_wait3A_703 = arith.constant 0 : i32
      %dma_wait3A_704 = tpu.memref_slice %arg4[%dma_wait3A_702, %dma_wait3A_703, %multiple_of3A_175] : memref<2x8x1000000xf32, #tpu.memory_space<hbm>> -> memref<2x8x128xf32, #tpu.memory_space<hbm>>
      %dma_wait3A_705 = arith.constant 0 : i32
      %dma_wait3A_706 = arith.constant 0 : i32
      %dma_wait3A_707 = arith.constant 384 : i32
      %dma_wait3A_708 = tpu.memref_slice %arg9[%dma_wait3A_705, %dma_wait3A_706, %dma_wait3A_707] : memref<2x8x2048xf32, #tpu.memory_space<vmem>> -> memref<2x8x128xf32, #tpu.memory_space<vmem>>
      %dma_wait3A_709 = arith.constant 0 : i32
      %dma_wait3A_710 = arith.constant 0 : i32
      %dma_wait3A_711 = tpu.memref_slice %arg4[%dma_wait3A_709, %dma_wait3A_710, %multiple_of3A_175] : memref<2x8x1000000xf32, #tpu.memory_space<hbm>> -> memref<2x8x128xf32, #tpu.memory_space<hbm>>
      tpu.wait_dma2 semaphore(%arg12 : memref<!tpu.dma_semaphore, #tpu.memory_space<semaphore_mem>>) src(%dma_wait3A_711 : memref<2x8x128xf32, #tpu.memory_space<hbm>>) dst(%dma_wait3A_708 : memref<2x8x128xf32, #tpu.memory_space<vmem>>)
      %dma_wait3A_712 = arith.constant 0 : i32
      %dma_wait3A_713 = arith.constant 0 : i32
      %dma_wait3A_714 = arith.constant 384 : i32
      %dma_wait3A_715 = tpu.memref_slice %arg10[%dma_wait3A_712, %dma_wait3A_713, %dma_wait3A_714] : memref<2x8x2048xf32, #tpu.memory_space<vmem>> -> memref<2x8x128xf32, #tpu.memory_space<vmem>>
      %dma_wait3A_716 = arith.constant 0 : i32
      %dma_wait3A_717 = arith.constant 0 : i32
      %dma_wait3A_718 = tpu.memref_slice %arg5[%dma_wait3A_716, %dma_wait3A_717, %multiple_of3A_192] : memref<2x8x1000000xf32, #tpu.memory_space<hbm>> -> memref<2x8x128xf32, #tpu.memory_space<hbm>>
      %dma_wait3A_719 = arith.constant 0 : i32
      %dma_wait3A_720 = arith.constant 0 : i32
      %dma_wait3A_721 = arith.constant 384 : i32
      %dma_wait3A_722 = tpu.memref_slice %arg10[%dma_wait3A_719, %dma_wait3A_720, %dma_wait3A_721] : memref<2x8x2048xf32, #tpu.memory_space<vmem>> -> memref<2x8x128xf32, #tpu.memory_space<vmem>>
      %dma_wait3A_723 = arith.constant 0 : i32
      %dma_wait3A_724 = arith.constant 0 : i32
      %dma_wait3A_725 = tpu.memref_slice %arg5[%dma_wait3A_723, %dma_wait3A_724, %multiple_of3A_192] : memref<2x8x1000000xf32, #tpu.memory_space<hbm>> -> memref<2x8x128xf32, #tpu.memory_space<hbm>>
      tpu.wait_dma2 semaphore(%arg13 : memref<!tpu.dma_semaphore, #tpu.memory_space<semaphore_mem>>) src(%dma_wait3A_725 : memref<2x8x128xf32, #tpu.memory_space<hbm>>) dst(%dma_wait3A_722 : memref<2x8x128xf32, #tpu.memory_space<vmem>>)
      %dma_wait3A_726 = arith.constant 0 : i32
      %dma_wait3A_727 = arith.constant 0 : i32
      %dma_wait3A_728 = arith.constant 512 : i32
      %dma_wait3A_729 = tpu.memref_slice %arg9[%dma_wait3A_726, %dma_wait3A_727, %dma_wait3A_728] : memref<2x8x2048xf32, #tpu.memory_space<vmem>> -> memref<2x8x128xf32, #tpu.memory_space<vmem>>
      %dma_wait3A_730 = arith.constant 0 : i32
      %dma_wait3A_731 = arith.constant 0 : i32
      %dma_wait3A_732 = tpu.memref_slice %arg4[%dma_wait3A_730, %dma_wait3A_731, %multiple_of3A_209] : memref<2x8x1000000xf32, #tpu.memory_space<hbm>> -> memref<2x8x128xf32, #tpu.memory_space<hbm>>
      %dma_wait3A_733 = arith.constant 0 : i32
      %dma_wait3A_734 = arith.constant 0 : i32
      %dma_wait3A_735 = arith.constant 512 : i32
      %dma_wait3A_736 = tpu.memref_slice %arg9[%dma_wait3A_733, %dma_wait3A_734, %dma_wait3A_735] : memref<2x8x2048xf32, #tpu.memory_space<vmem>> -> memref<2x8x128xf32, #tpu.memory_space<vmem>>
      %dma_wait3A_737 = arith.constant 0 : i32
      %dma_wait3A_738 = arith.constant 0 : i32
      %dma_wait3A_739 = tpu.memref_slice %arg4[%dma_wait3A_737, %dma_wait3A_738, %multiple_of3A_209] : memref<2x8x1000000xf32, #tpu.memory_space<hbm>> -> memref<2x8x128xf32, #tpu.memory_space<hbm>>
      tpu.wait_dma2 semaphore(%arg12 : memref<!tpu.dma_semaphore, #tpu.memory_space<semaphore_mem>>) src(%dma_wait3A_739 : memref<2x8x128xf32, #tpu.memory_space<hbm>>) dst(%dma_wait3A_736 : memref<2x8x128xf32, #tpu.memory_space<vmem>>)
      %dma_wait3A_740 = arith.constant 0 : i32
      %dma_wait3A_741 = arith.constant 0 : i32
      %dma_wait3A_742 = arith.constant 512 : i32
      %dma_wait3A_743 = tpu.memref_slice %arg10[%dma_wait3A_740, %dma_wait3A_741, %dma_wait3A_742] : memref<2x8x2048xf32, #tpu.memory_space<vmem>> -> memref<2x8x128xf32, #tpu.memory_space<vmem>>
      %dma_wait3A_744 = arith.constant 0 : i32
      %dma_wait3A_745 = arith.constant 0 : i32
      %dma_wait3A_746 = tpu.memref_slice %arg5[%dma_wait3A_744, %dma_wait3A_745, %multiple_of3A_226] : memref<2x8x1000000xf32, #tpu.memory_space<hbm>> -> memref<2x8x128xf32, #tpu.memory_space<hbm>>
      %dma_wait3A_747 = arith.constant 0 : i32
      %dma_wait3A_748 = arith.constant 0 : i32
      %dma_wait3A_749 = arith.constant 512 : i32
      %dma_wait3A_750 = tpu.memref_slice %arg10[%dma_wait3A_747, %dma_wait3A_748, %dma_wait3A_749] : memref<2x8x2048xf32, #tpu.memory_space<vmem>> -> memref<2x8x128xf32, #tpu.memory_space<vmem>>
      %dma_wait3A_751 = arith.constant 0 : i32
      %dma_wait3A_752 = arith.constant 0 : i32
      %dma_wait3A_753 = tpu.memref_slice %arg5[%dma_wait3A_751, %dma_wait3A_752, %multiple_of3A_226] : memref<2x8x1000000xf32, #tpu.memory_space<hbm>> -> memref<2x8x128xf32, #tpu.memory_space<hbm>>
      tpu.wait_dma2 semaphore(%arg13 : memref<!tpu.dma_semaphore, #tpu.memory_space<semaphore_mem>>) src(%dma_wait3A_753 : memref<2x8x128xf32, #tpu.memory_space<hbm>>) dst(%dma_wait3A_750 : memref<2x8x128xf32, #tpu.memory_space<vmem>>)
      %dma_wait3A_754 = arith.constant 0 : i32
      %dma_wait3A_755 = arith.constant 0 : i32
      %dma_wait3A_756 = arith.constant 640 : i32
      %dma_wait3A_757 = tpu.memref_slice %arg9[%dma_wait3A_754, %dma_wait3A_755, %dma_wait3A_756] : memref<2x8x2048xf32, #tpu.memory_space<vmem>> -> memref<2x8x128xf32, #tpu.memory_space<vmem>>
      %dma_wait3A_758 = arith.constant 0 : i32
      %dma_wait3A_759 = arith.constant 0 : i32
      %dma_wait3A_760 = tpu.memref_slice %arg4[%dma_wait3A_758, %dma_wait3A_759, %multiple_of3A_243] : memref<2x8x1000000xf32, #tpu.memory_space<hbm>> -> memref<2x8x128xf32, #tpu.memory_space<hbm>>
      %dma_wait3A_761 = arith.constant 0 : i32
      %dma_wait3A_762 = arith.constant 0 : i32
      %dma_wait3A_763 = arith.constant 640 : i32
      %dma_wait3A_764 = tpu.memref_slice %arg9[%dma_wait3A_761, %dma_wait3A_762, %dma_wait3A_763] : memref<2x8x2048xf32, #tpu.memory_space<vmem>> -> memref<2x8x128xf32, #tpu.memory_space<vmem>>
      %dma_wait3A_765 = arith.constant 0 : i32
      %dma_wait3A_766 = arith.constant 0 : i32
      %dma_wait3A_767 = tpu.memref_slice %arg4[%dma_wait3A_765, %dma_wait3A_766, %multiple_of3A_243] : memref<2x8x1000000xf32, #tpu.memory_space<hbm>> -> memref<2x8x128xf32, #tpu.memory_space<hbm>>
      tpu.wait_dma2 semaphore(%arg12 : memref<!tpu.dma_semaphore, #tpu.memory_space<semaphore_mem>>) src(%dma_wait3A_767 : memref<2x8x128xf32, #tpu.memory_space<hbm>>) dst(%dma_wait3A_764 : memref<2x8x128xf32, #tpu.memory_space<vmem>>)
      %dma_wait3A_768 = arith.constant 0 : i32
      %dma_wait3A_769 = arith.constant 0 : i32
      %dma_wait3A_770 = arith.constant 640 : i32
      %dma_wait3A_771 = tpu.memref_slice %arg10[%dma_wait3A_768, %dma_wait3A_769, %dma_wait3A_770] : memref<2x8x2048xf32, #tpu.memory_space<vmem>> -> memref<2x8x128xf32, #tpu.memory_space<vmem>>
      %dma_wait3A_772 = arith.constant 0 : i32
      %dma_wait3A_773 = arith.constant 0 : i32
      %dma_wait3A_774 = tpu.memref_slice %arg5[%dma_wait3A_772, %dma_wait3A_773, %multiple_of3A_260] : memref<2x8x1000000xf32, #tpu.memory_space<hbm>> -> memref<2x8x128xf32, #tpu.memory_space<hbm>>
      %dma_wait3A_775 = arith.constant 0 : i32
      %dma_wait3A_776 = arith.constant 0 : i32
      %dma_wait3A_777 = arith.constant 640 : i32
      %dma_wait3A_778 = tpu.memref_slice %arg10[%dma_wait3A_775, %dma_wait3A_776, %dma_wait3A_777] : memref<2x8x2048xf32, #tpu.memory_space<vmem>> -> memref<2x8x128xf32, #tpu.memory_space<vmem>>
      %dma_wait3A_779 = arith.constant 0 : i32
      %dma_wait3A_780 = arith.constant 0 : i32
      %dma_wait3A_781 = tpu.memref_slice %arg5[%dma_wait3A_779, %dma_wait3A_780, %multiple_of3A_260] : memref<2x8x1000000xf32, #tpu.memory_space<hbm>> -> memref<2x8x128xf32, #tpu.memory_space<hbm>>
      tpu.wait_dma2 semaphore(%arg13 : memref<!tpu.dma_semaphore, #tpu.memory_space<semaphore_mem>>) src(%dma_wait3A_781 : memref<2x8x128xf32, #tpu.memory_space<hbm>>) dst(%dma_wait3A_778 : memref<2x8x128xf32, #tpu.memory_space<vmem>>)
      %dma_wait3A_782 = arith.constant 0 : i32
      %dma_wait3A_783 = arith.constant 0 : i32
      %dma_wait3A_784 = arith.constant 768 : i32
      %dma_wait3A_785 = tpu.memref_slice %arg9[%dma_wait3A_782, %dma_wait3A_783, %dma_wait3A_784] : memref<2x8x2048xf32, #tpu.memory_space<vmem>> -> memref<2x8x128xf32, #tpu.memory_space<vmem>>
      %dma_wait3A_786 = arith.constant 0 : i32
      %dma_wait3A_787 = arith.constant 0 : i32
      %dma_wait3A_788 = tpu.memref_slice %arg4[%dma_wait3A_786, %dma_wait3A_787, %multiple_of3A_277] : memref<2x8x1000000xf32, #tpu.memory_space<hbm>> -> memref<2x8x128xf32, #tpu.memory_space<hbm>>
      %dma_wait3A_789 = arith.constant 0 : i32
      %dma_wait3A_790 = arith.constant 0 : i32
      %dma_wait3A_791 = arith.constant 768 : i32
      %dma_wait3A_792 = tpu.memref_slice %arg9[%dma_wait3A_789, %dma_wait3A_790, %dma_wait3A_791] : memref<2x8x2048xf32, #tpu.memory_space<vmem>> -> memref<2x8x128xf32, #tpu.memory_space<vmem>>
      %dma_wait3A_793 = arith.constant 0 : i32
      %dma_wait3A_794 = arith.constant 0 : i32
      %dma_wait3A_795 = tpu.memref_slice %arg4[%dma_wait3A_793, %dma_wait3A_794, %multiple_of3A_277] : memref<2x8x1000000xf32, #tpu.memory_space<hbm>> -> memref<2x8x128xf32, #tpu.memory_space<hbm>>
      tpu.wait_dma2 semaphore(%arg12 : memref<!tpu.dma_semaphore, #tpu.memory_space<semaphore_mem>>) src(%dma_wait3A_795 : memref<2x8x128xf32, #tpu.memory_space<hbm>>) dst(%dma_wait3A_792 : memref<2x8x128xf32, #tpu.memory_space<vmem>>)
      %dma_wait3A_796 = arith.constant 0 : i32
      %dma_wait3A_797 = arith.constant 0 : i32
      %dma_wait3A_798 = arith.constant 768 : i32
      %dma_wait3A_799 = tpu.memref_slice %arg10[%dma_wait3A_796, %dma_wait3A_797, %dma_wait3A_798] : memref<2x8x2048xf32, #tpu.memory_space<vmem>> -> memref<2x8x128xf32, #tpu.memory_space<vmem>>
      %dma_wait3A_800 = arith.constant 0 : i32
      %dma_wait3A_801 = arith.constant 0 : i32
      %dma_wait3A_802 = tpu.memref_slice %arg5[%dma_wait3A_800, %dma_wait3A_801, %multiple_of3A_294] : memref<2x8x1000000xf32, #tpu.memory_space<hbm>> -> memref<2x8x128xf32, #tpu.memory_space<hbm>>
      %dma_wait3A_803 = arith.constant 0 : i32
      %dma_wait3A_804 = arith.constant 0 : i32
      %dma_wait3A_805 = arith.constant 768 : i32
      %dma_wait3A_806 = tpu.memref_slice %arg10[%dma_wait3A_803, %dma_wait3A_804, %dma_wait3A_805] : memref<2x8x2048xf32, #tpu.memory_space<vmem>> -> memref<2x8x128xf32, #tpu.memory_space<vmem>>
      %dma_wait3A_807 = arith.constant 0 : i32
      %dma_wait3A_808 = arith.constant 0 : i32
      %dma_wait3A_809 = tpu.memref_slice %arg5[%dma_wait3A_807, %dma_wait3A_808, %multiple_of3A_294] : memref<2x8x1000000xf32, #tpu.memory_space<hbm>> -> memref<2x8x128xf32, #tpu.memory_space<hbm>>
      tpu.wait_dma2 semaphore(%arg13 : memref<!tpu.dma_semaphore, #tpu.memory_space<semaphore_mem>>) src(%dma_wait3A_809 : memref<2x8x128xf32, #tpu.memory_space<hbm>>) dst(%dma_wait3A_806 : memref<2x8x128xf32, #tpu.memory_space<vmem>>)
      %dma_wait3A_810 = arith.constant 0 : i32
      %dma_wait3A_811 = arith.constant 0 : i32
      %dma_wait3A_812 = arith.constant 896 : i32
      %dma_wait3A_813 = tpu.memref_slice %arg9[%dma_wait3A_810, %dma_wait3A_811, %dma_wait3A_812] : memref<2x8x2048xf32, #tpu.memory_space<vmem>> -> memref<2x8x128xf32, #tpu.memory_space<vmem>>
      %dma_wait3A_814 = arith.constant 0 : i32
      %dma_wait3A_815 = arith.constant 0 : i32
      %dma_wait3A_816 = tpu.memref_slice %arg4[%dma_wait3A_814, %dma_wait3A_815, %multiple_of3A_311] : memref<2x8x1000000xf32, #tpu.memory_space<hbm>> -> memref<2x8x128xf32, #tpu.memory_space<hbm>>
      %dma_wait3A_817 = arith.constant 0 : i32
      %dma_wait3A_818 = arith.constant 0 : i32
      %dma_wait3A_819 = arith.constant 896 : i32
      %dma_wait3A_820 = tpu.memref_slice %arg9[%dma_wait3A_817, %dma_wait3A_818, %dma_wait3A_819] : memref<2x8x2048xf32, #tpu.memory_space<vmem>> -> memref<2x8x128xf32, #tpu.memory_space<vmem>>
      %dma_wait3A_821 = arith.constant 0 : i32
      %dma_wait3A_822 = arith.constant 0 : i32
      %dma_wait3A_823 = tpu.memref_slice %arg4[%dma_wait3A_821, %dma_wait3A_822, %multiple_of3A_311] : memref<2x8x1000000xf32, #tpu.memory_space<hbm>> -> memref<2x8x128xf32, #tpu.memory_space<hbm>>
      tpu.wait_dma2 semaphore(%arg12 : memref<!tpu.dma_semaphore, #tpu.memory_space<semaphore_mem>>) src(%dma_wait3A_823 : memref<2x8x128xf32, #tpu.memory_space<hbm>>) dst(%dma_wait3A_820 : memref<2x8x128xf32, #tpu.memory_space<vmem>>)
      %dma_wait3A_824 = arith.constant 0 : i32
      %dma_wait3A_825 = arith.constant 0 : i32
      %dma_wait3A_826 = arith.constant 896 : i32
      %dma_wait3A_827 = tpu.memref_slice %arg10[%dma_wait3A_824, %dma_wait3A_825, %dma_wait3A_826] : memref<2x8x2048xf32, #tpu.memory_space<vmem>> -> memref<2x8x128xf32, #tpu.memory_space<vmem>>
      %dma_wait3A_828 = arith.constant 0 : i32
      %dma_wait3A_829 = arith.constant 0 : i32
      %dma_wait3A_830 = tpu.memref_slice %arg5[%dma_wait3A_828, %dma_wait3A_829, %multiple_of3A_328] : memref<2x8x1000000xf32, #tpu.memory_space<hbm>> -> memref<2x8x128xf32, #tpu.memory_space<hbm>>
      %dma_wait3A_831 = arith.constant 0 : i32
      %dma_wait3A_832 = arith.constant 0 : i32
      %dma_wait3A_833 = arith.constant 896 : i32
      %dma_wait3A_834 = tpu.memref_slice %arg10[%dma_wait3A_831, %dma_wait3A_832, %dma_wait3A_833] : memref<2x8x2048xf32, #tpu.memory_space<vmem>> -> memref<2x8x128xf32, #tpu.memory_space<vmem>>
      %dma_wait3A_835 = arith.constant 0 : i32
      %dma_wait3A_836 = arith.constant 0 : i32
      %dma_wait3A_837 = tpu.memref_slice %arg5[%dma_wait3A_835, %dma_wait3A_836, %multiple_of3A_328] : memref<2x8x1000000xf32, #tpu.memory_space<hbm>> -> memref<2x8x128xf32, #tpu.memory_space<hbm>>
      tpu.wait_dma2 semaphore(%arg13 : memref<!tpu.dma_semaphore, #tpu.memory_space<semaphore_mem>>) src(%dma_wait3A_837 : memref<2x8x128xf32, #tpu.memory_space<hbm>>) dst(%dma_wait3A_834 : memref<2x8x128xf32, #tpu.memory_space<vmem>>)
      %dma_wait3A_838 = arith.constant 0 : i32
      %dma_wait3A_839 = arith.constant 0 : i32
      %dma_wait3A_840 = arith.constant 1024 : i32
      %dma_wait3A_841 = tpu.memref_slice %arg9[%dma_wait3A_838, %dma_wait3A_839, %dma_wait3A_840] : memref<2x8x2048xf32, #tpu.memory_space<vmem>> -> memref<2x8x128xf32, #tpu.memory_space<vmem>>
      %dma_wait3A_842 = arith.constant 0 : i32
      %dma_wait3A_843 = arith.constant 0 : i32
      %dma_wait3A_844 = tpu.memref_slice %arg4[%dma_wait3A_842, %dma_wait3A_843, %multiple_of3A_345] : memref<2x8x1000000xf32, #tpu.memory_space<hbm>> -> memref<2x8x128xf32, #tpu.memory_space<hbm>>
      %dma_wait3A_845 = arith.constant 0 : i32
      %dma_wait3A_846 = arith.constant 0 : i32
      %dma_wait3A_847 = arith.constant 1024 : i32
      %dma_wait3A_848 = tpu.memref_slice %arg9[%dma_wait3A_845, %dma_wait3A_846, %dma_wait3A_847] : memref<2x8x2048xf32, #tpu.memory_space<vmem>> -> memref<2x8x128xf32, #tpu.memory_space<vmem>>
      %dma_wait3A_849 = arith.constant 0 : i32
      %dma_wait3A_850 = arith.constant 0 : i32
      %dma_wait3A_851 = tpu.memref_slice %arg4[%dma_wait3A_849, %dma_wait3A_850, %multiple_of3A_345] : memref<2x8x1000000xf32, #tpu.memory_space<hbm>> -> memref<2x8x128xf32, #tpu.memory_space<hbm>>
      tpu.wait_dma2 semaphore(%arg12 : memref<!tpu.dma_semaphore, #tpu.memory_space<semaphore_mem>>) src(%dma_wait3A_851 : memref<2x8x128xf32, #tpu.memory_space<hbm>>) dst(%dma_wait3A_848 : memref<2x8x128xf32, #tpu.memory_space<vmem>>)
      %dma_wait3A_852 = arith.constant 0 : i32
      %dma_wait3A_853 = arith.constant 0 : i32
      %dma_wait3A_854 = arith.constant 1024 : i32
      %dma_wait3A_855 = tpu.memref_slice %arg10[%dma_wait3A_852, %dma_wait3A_853, %dma_wait3A_854] : memref<2x8x2048xf32, #tpu.memory_space<vmem>> -> memref<2x8x128xf32, #tpu.memory_space<vmem>>
      %dma_wait3A_856 = arith.constant 0 : i32
      %dma_wait3A_857 = arith.constant 0 : i32
      %dma_wait3A_858 = tpu.memref_slice %arg5[%dma_wait3A_856, %dma_wait3A_857, %multiple_of3A_362] : memref<2x8x1000000xf32, #tpu.memory_space<hbm>> -> memref<2x8x128xf32, #tpu.memory_space<hbm>>
      %dma_wait3A_859 = arith.constant 0 : i32
      %dma_wait3A_860 = arith.constant 0 : i32
      %dma_wait3A_861 = arith.constant 1024 : i32
      %dma_wait3A_862 = tpu.memref_slice %arg10[%dma_wait3A_859, %dma_wait3A_860, %dma_wait3A_861] : memref<2x8x2048xf32, #tpu.memory_space<vmem>> -> memref<2x8x128xf32, #tpu.memory_space<vmem>>
      %dma_wait3A_863 = arith.constant 0 : i32
      %dma_wait3A_864 = arith.constant 0 : i32
      %dma_wait3A_865 = tpu.memref_slice %arg5[%dma_wait3A_863, %dma_wait3A_864, %multiple_of3A_362] : memref<2x8x1000000xf32, #tpu.memory_space<hbm>> -> memref<2x8x128xf32, #tpu.memory_space<hbm>>
      tpu.wait_dma2 semaphore(%arg13 : memref<!tpu.dma_semaphore, #tpu.memory_space<semaphore_mem>>) src(%dma_wait3A_865 : memref<2x8x128xf32, #tpu.memory_space<hbm>>) dst(%dma_wait3A_862 : memref<2x8x128xf32, #tpu.memory_space<vmem>>)
      %dma_wait3A_866 = arith.constant 0 : i32
      %dma_wait3A_867 = arith.constant 0 : i32
      %dma_wait3A_868 = arith.constant 1152 : i32
      %dma_wait3A_869 = tpu.memref_slice %arg9[%dma_wait3A_866, %dma_wait3A_867, %dma_wait3A_868] : memref<2x8x2048xf32, #tpu.memory_space<vmem>> -> memref<2x8x128xf32, #tpu.memory_space<vmem>>
      %dma_wait3A_870 = arith.constant 0 : i32
      %dma_wait3A_871 = arith.constant 0 : i32
      %dma_wait3A_872 = tpu.memref_slice %arg4[%dma_wait3A_870, %dma_wait3A_871, %multiple_of3A_379] : memref<2x8x1000000xf32, #tpu.memory_space<hbm>> -> memref<2x8x128xf32, #tpu.memory_space<hbm>>
      %dma_wait3A_873 = arith.constant 0 : i32
      %dma_wait3A_874 = arith.constant 0 : i32
      %dma_wait3A_875 = arith.constant 1152 : i32
      %dma_wait3A_876 = tpu.memref_slice %arg9[%dma_wait3A_873, %dma_wait3A_874, %dma_wait3A_875] : memref<2x8x2048xf32, #tpu.memory_space<vmem>> -> memref<2x8x128xf32, #tpu.memory_space<vmem>>
      %dma_wait3A_877 = arith.constant 0 : i32
      %dma_wait3A_878 = arith.constant 0 : i32
      %dma_wait3A_879 = tpu.memref_slice %arg4[%dma_wait3A_877, %dma_wait3A_878, %multiple_of3A_379] : memref<2x8x1000000xf32, #tpu.memory_space<hbm>> -> memref<2x8x128xf32, #tpu.memory_space<hbm>>
      tpu.wait_dma2 semaphore(%arg12 : memref<!tpu.dma_semaphore, #tpu.memory_space<semaphore_mem>>) src(%dma_wait3A_879 : memref<2x8x128xf32, #tpu.memory_space<hbm>>) dst(%dma_wait3A_876 : memref<2x8x128xf32, #tpu.memory_space<vmem>>)
      %dma_wait3A_880 = arith.constant 0 : i32
      %dma_wait3A_881 = arith.constant 0 : i32
      %dma_wait3A_882 = arith.constant 1152 : i32
      %dma_wait3A_883 = tpu.memref_slice %arg10[%dma_wait3A_880, %dma_wait3A_881, %dma_wait3A_882] : memref<2x8x2048xf32, #tpu.memory_space<vmem>> -> memref<2x8x128xf32, #tpu.memory_space<vmem>>
      %dma_wait3A_884 = arith.constant 0 : i32
      %dma_wait3A_885 = arith.constant 0 : i32
      %dma_wait3A_886 = tpu.memref_slice %arg5[%dma_wait3A_884, %dma_wait3A_885, %multiple_of3A_396] : memref<2x8x1000000xf32, #tpu.memory_space<hbm>> -> memref<2x8x128xf32, #tpu.memory_space<hbm>>
      %dma_wait3A_887 = arith.constant 0 : i32
      %dma_wait3A_888 = arith.constant 0 : i32
      %dma_wait3A_889 = arith.constant 1152 : i32
      %dma_wait3A_890 = tpu.memref_slice %arg10[%dma_wait3A_887, %dma_wait3A_888, %dma_wait3A_889] : memref<2x8x2048xf32, #tpu.memory_space<vmem>> -> memref<2x8x128xf32, #tpu.memory_space<vmem>>
      %dma_wait3A_891 = arith.constant 0 : i32
      %dma_wait3A_892 = arith.constant 0 : i32
      %dma_wait3A_893 = tpu.memref_slice %arg5[%dma_wait3A_891, %dma_wait3A_892, %multiple_of3A_396] : memref<2x8x1000000xf32, #tpu.memory_space<hbm>> -> memref<2x8x128xf32, #tpu.memory_space<hbm>>
      tpu.wait_dma2 semaphore(%arg13 : memref<!tpu.dma_semaphore, #tpu.memory_space<semaphore_mem>>) src(%dma_wait3A_893 : memref<2x8x128xf32, #tpu.memory_space<hbm>>) dst(%dma_wait3A_890 : memref<2x8x128xf32, #tpu.memory_space<vmem>>)
      %dma_wait3A_894 = arith.constant 0 : i32
      %dma_wait3A_895 = arith.constant 0 : i32
      %dma_wait3A_896 = arith.constant 1280 : i32
      %dma_wait3A_897 = tpu.memref_slice %arg9[%dma_wait3A_894, %dma_wait3A_895, %dma_wait3A_896] : memref<2x8x2048xf32, #tpu.memory_space<vmem>> -> memref<2x8x128xf32, #tpu.memory_space<vmem>>
      %dma_wait3A_898 = arith.constant 0 : i32
      %dma_wait3A_899 = arith.constant 0 : i32
      %dma_wait3A_900 = tpu.memref_slice %arg4[%dma_wait3A_898, %dma_wait3A_899, %multiple_of3A_413] : memref<2x8x1000000xf32, #tpu.memory_space<hbm>> -> memref<2x8x128xf32, #tpu.memory_space<hbm>>
      %dma_wait3A_901 = arith.constant 0 : i32
      %dma_wait3A_902 = arith.constant 0 : i32
      %dma_wait3A_903 = arith.constant 1280 : i32
      %dma_wait3A_904 = tpu.memref_slice %arg9[%dma_wait3A_901, %dma_wait3A_902, %dma_wait3A_903] : memref<2x8x2048xf32, #tpu.memory_space<vmem>> -> memref<2x8x128xf32, #tpu.memory_space<vmem>>
      %dma_wait3A_905 = arith.constant 0 : i32
      %dma_wait3A_906 = arith.constant 0 : i32
      %dma_wait3A_907 = tpu.memref_slice %arg4[%dma_wait3A_905, %dma_wait3A_906, %multiple_of3A_413] : memref<2x8x1000000xf32, #tpu.memory_space<hbm>> -> memref<2x8x128xf32, #tpu.memory_space<hbm>>
      tpu.wait_dma2 semaphore(%arg12 : memref<!tpu.dma_semaphore, #tpu.memory_space<semaphore_mem>>) src(%dma_wait3A_907 : memref<2x8x128xf32, #tpu.memory_space<hbm>>) dst(%dma_wait3A_904 : memref<2x8x128xf32, #tpu.memory_space<vmem>>)
      %dma_wait3A_908 = arith.constant 0 : i32
      %dma_wait3A_909 = arith.constant 0 : i32
      %dma_wait3A_910 = arith.constant 1280 : i32
      %dma_wait3A_911 = tpu.memref_slice %arg10[%dma_wait3A_908, %dma_wait3A_909, %dma_wait3A_910] : memref<2x8x2048xf32, #tpu.memory_space<vmem>> -> memref<2x8x128xf32, #tpu.memory_space<vmem>>
      %dma_wait3A_912 = arith.constant 0 : i32
      %dma_wait3A_913 = arith.constant 0 : i32
      %dma_wait3A_914 = tpu.memref_slice %arg5[%dma_wait3A_912, %dma_wait3A_913, %multiple_of3A_430] : memref<2x8x1000000xf32, #tpu.memory_space<hbm>> -> memref<2x8x128xf32, #tpu.memory_space<hbm>>
      %dma_wait3A_915 = arith.constant 0 : i32
      %dma_wait3A_916 = arith.constant 0 : i32
      %dma_wait3A_917 = arith.constant 1280 : i32
      %dma_wait3A_918 = tpu.memref_slice %arg10[%dma_wait3A_915, %dma_wait3A_916, %dma_wait3A_917] : memref<2x8x2048xf32, #tpu.memory_space<vmem>> -> memref<2x8x128xf32, #tpu.memory_space<vmem>>
      %dma_wait3A_919 = arith.constant 0 : i32
      %dma_wait3A_920 = arith.constant 0 : i32
      %dma_wait3A_921 = tpu.memref_slice %arg5[%dma_wait3A_919, %dma_wait3A_920, %multiple_of3A_430] : memref<2x8x1000000xf32, #tpu.memory_space<hbm>> -> memref<2x8x128xf32, #tpu.memory_space<hbm>>
      tpu.wait_dma2 semaphore(%arg13 : memref<!tpu.dma_semaphore, #tpu.memory_space<semaphore_mem>>) src(%dma_wait3A_921 : memref<2x8x128xf32, #tpu.memory_space<hbm>>) dst(%dma_wait3A_918 : memref<2x8x128xf32, #tpu.memory_space<vmem>>)
      %dma_wait3A_922 = arith.constant 0 : i32
      %dma_wait3A_923 = arith.constant 0 : i32
      %dma_wait3A_924 = arith.constant 1408 : i32
      %dma_wait3A_925 = tpu.memref_slice %arg9[%dma_wait3A_922, %dma_wait3A_923, %dma_wait3A_924] : memref<2x8x2048xf32, #tpu.memory_space<vmem>> -> memref<2x8x128xf32, #tpu.memory_space<vmem>>
      %dma_wait3A_926 = arith.constant 0 : i32
      %dma_wait3A_927 = arith.constant 0 : i32
      %dma_wait3A_928 = tpu.memref_slice %arg4[%dma_wait3A_926, %dma_wait3A_927, %multiple_of3A_447] : memref<2x8x1000000xf32, #tpu.memory_space<hbm>> -> memref<2x8x128xf32, #tpu.memory_space<hbm>>
      %dma_wait3A_929 = arith.constant 0 : i32
      %dma_wait3A_930 = arith.constant 0 : i32
      %dma_wait3A_931 = arith.constant 1408 : i32
      %dma_wait3A_932 = tpu.memref_slice %arg9[%dma_wait3A_929, %dma_wait3A_930, %dma_wait3A_931] : memref<2x8x2048xf32, #tpu.memory_space<vmem>> -> memref<2x8x128xf32, #tpu.memory_space<vmem>>
      %dma_wait3A_933 = arith.constant 0 : i32
      %dma_wait3A_934 = arith.constant 0 : i32
      %dma_wait3A_935 = tpu.memref_slice %arg4[%dma_wait3A_933, %dma_wait3A_934, %multiple_of3A_447] : memref<2x8x1000000xf32, #tpu.memory_space<hbm>> -> memref<2x8x128xf32, #tpu.memory_space<hbm>>
      tpu.wait_dma2 semaphore(%arg12 : memref<!tpu.dma_semaphore, #tpu.memory_space<semaphore_mem>>) src(%dma_wait3A_935 : memref<2x8x128xf32, #tpu.memory_space<hbm>>) dst(%dma_wait3A_932 : memref<2x8x128xf32, #tpu.memory_space<vmem>>)
      %dma_wait3A_936 = arith.constant 0 : i32
      %dma_wait3A_937 = arith.constant 0 : i32
      %dma_wait3A_938 = arith.constant 1408 : i32
      %dma_wait3A_939 = tpu.memref_slice %arg10[%dma_wait3A_936, %dma_wait3A_937, %dma_wait3A_938] : memref<2x8x2048xf32, #tpu.memory_space<vmem>> -> memref<2x8x128xf32, #tpu.memory_space<vmem>>
      %dma_wait3A_940 = arith.constant 0 : i32
      %dma_wait3A_941 = arith.constant 0 : i32
      %dma_wait3A_942 = tpu.memref_slice %arg5[%dma_wait3A_940, %dma_wait3A_941, %multiple_of3A_464] : memref<2x8x1000000xf32, #tpu.memory_space<hbm>> -> memref<2x8x128xf32, #tpu.memory_space<hbm>>
      %dma_wait3A_943 = arith.constant 0 : i32
      %dma_wait3A_944 = arith.constant 0 : i32
      %dma_wait3A_945 = arith.constant 1408 : i32
      %dma_wait3A_946 = tpu.memref_slice %arg10[%dma_wait3A_943, %dma_wait3A_944, %dma_wait3A_945] : memref<2x8x2048xf32, #tpu.memory_space<vmem>> -> memref<2x8x128xf32, #tpu.memory_space<vmem>>
      %dma_wait3A_947 = arith.constant 0 : i32
      %dma_wait3A_948 = arith.constant 0 : i32
      %dma_wait3A_949 = tpu.memref_slice %arg5[%dma_wait3A_947, %dma_wait3A_948, %multiple_of3A_464] : memref<2x8x1000000xf32, #tpu.memory_space<hbm>> -> memref<2x8x128xf32, #tpu.memory_space<hbm>>
      tpu.wait_dma2 semaphore(%arg13 : memref<!tpu.dma_semaphore, #tpu.memory_space<semaphore_mem>>) src(%dma_wait3A_949 : memref<2x8x128xf32, #tpu.memory_space<hbm>>) dst(%dma_wait3A_946 : memref<2x8x128xf32, #tpu.memory_space<vmem>>)
      %dma_wait3A_950 = arith.constant 0 : i32
      %dma_wait3A_951 = arith.constant 0 : i32
      %dma_wait3A_952 = arith.constant 1536 : i32
      %dma_wait3A_953 = tpu.memref_slice %arg9[%dma_wait3A_950, %dma_wait3A_951, %dma_wait3A_952] : memref<2x8x2048xf32, #tpu.memory_space<vmem>> -> memref<2x8x128xf32, #tpu.memory_space<vmem>>
      %dma_wait3A_954 = arith.constant 0 : i32
      %dma_wait3A_955 = arith.constant 0 : i32
      %dma_wait3A_956 = tpu.memref_slice %arg4[%dma_wait3A_954, %dma_wait3A_955, %multiple_of3A_481] : memref<2x8x1000000xf32, #tpu.memory_space<hbm>> -> memref<2x8x128xf32, #tpu.memory_space<hbm>>
      %dma_wait3A_957 = arith.constant 0 : i32
      %dma_wait3A_958 = arith.constant 0 : i32
      %dma_wait3A_959 = arith.constant 1536 : i32
      %dma_wait3A_960 = tpu.memref_slice %arg9[%dma_wait3A_957, %dma_wait3A_958, %dma_wait3A_959] : memref<2x8x2048xf32, #tpu.memory_space<vmem>> -> memref<2x8x128xf32, #tpu.memory_space<vmem>>
      %dma_wait3A_961 = arith.constant 0 : i32
      %dma_wait3A_962 = arith.constant 0 : i32
      %dma_wait3A_963 = tpu.memref_slice %arg4[%dma_wait3A_961, %dma_wait3A_962, %multiple_of3A_481] : memref<2x8x1000000xf32, #tpu.memory_space<hbm>> -> memref<2x8x128xf32, #tpu.memory_space<hbm>>
      tpu.wait_dma2 semaphore(%arg12 : memref<!tpu.dma_semaphore, #tpu.memory_space<semaphore_mem>>) src(%dma_wait3A_963 : memref<2x8x128xf32, #tpu.memory_space<hbm>>) dst(%dma_wait3A_960 : memref<2x8x128xf32, #tpu.memory_space<vmem>>)
      %dma_wait3A_964 = arith.constant 0 : i32
      %dma_wait3A_965 = arith.constant 0 : i32
      %dma_wait3A_966 = arith.constant 1536 : i32
      %dma_wait3A_967 = tpu.memref_slice %arg10[%dma_wait3A_964, %dma_wait3A_965, %dma_wait3A_966] : memref<2x8x2048xf32, #tpu.memory_space<vmem>> -> memref<2x8x128xf32, #tpu.memory_space<vmem>>
      %dma_wait3A_968 = arith.constant 0 : i32
      %dma_wait3A_969 = arith.constant 0 : i32
      %dma_wait3A_970 = tpu.memref_slice %arg5[%dma_wait3A_968, %dma_wait3A_969, %multiple_of3A_498] : memref<2x8x1000000xf32, #tpu.memory_space<hbm>> -> memref<2x8x128xf32, #tpu.memory_space<hbm>>
      %dma_wait3A_971 = arith.constant 0 : i32
      %dma_wait3A_972 = arith.constant 0 : i32
      %dma_wait3A_973 = arith.constant 1536 : i32
      %dma_wait3A_974 = tpu.memref_slice %arg10[%dma_wait3A_971, %dma_wait3A_972, %dma_wait3A_973] : memref<2x8x2048xf32, #tpu.memory_space<vmem>> -> memref<2x8x128xf32, #tpu.memory_space<vmem>>
      %dma_wait3A_975 = arith.constant 0 : i32
      %dma_wait3A_976 = arith.constant 0 : i32
      %dma_wait3A_977 = tpu.memref_slice %arg5[%dma_wait3A_975, %dma_wait3A_976, %multiple_of3A_498] : memref<2x8x1000000xf32, #tpu.memory_space<hbm>> -> memref<2x8x128xf32, #tpu.memory_space<hbm>>
      tpu.wait_dma2 semaphore(%arg13 : memref<!tpu.dma_semaphore, #tpu.memory_space<semaphore_mem>>) src(%dma_wait3A_977 : memref<2x8x128xf32, #tpu.memory_space<hbm>>) dst(%dma_wait3A_974 : memref<2x8x128xf32, #tpu.memory_space<vmem>>)
      %dma_wait3A_978 = arith.constant 0 : i32
      %dma_wait3A_979 = arith.constant 0 : i32
      %dma_wait3A_980 = arith.constant 1664 : i32
      %dma_wait3A_981 = tpu.memref_slice %arg9[%dma_wait3A_978, %dma_wait3A_979, %dma_wait3A_980] : memref<2x8x2048xf32, #tpu.memory_space<vmem>> -> memref<2x8x128xf32, #tpu.memory_space<vmem>>
      %dma_wait3A_982 = arith.constant 0 : i32
      %dma_wait3A_983 = arith.constant 0 : i32
      %dma_wait3A_984 = tpu.memref_slice %arg4[%dma_wait3A_982, %dma_wait3A_983, %multiple_of3A_515] : memref<2x8x1000000xf32, #tpu.memory_space<hbm>> -> memref<2x8x128xf32, #tpu.memory_space<hbm>>
      %dma_wait3A_985 = arith.constant 0 : i32
      %dma_wait3A_986 = arith.constant 0 : i32
      %dma_wait3A_987 = arith.constant 1664 : i32
      %dma_wait3A_988 = tpu.memref_slice %arg9[%dma_wait3A_985, %dma_wait3A_986, %dma_wait3A_987] : memref<2x8x2048xf32, #tpu.memory_space<vmem>> -> memref<2x8x128xf32, #tpu.memory_space<vmem>>
      %dma_wait3A_989 = arith.constant 0 : i32
      %dma_wait3A_990 = arith.constant 0 : i32
      %dma_wait3A_991 = tpu.memref_slice %arg4[%dma_wait3A_989, %dma_wait3A_990, %multiple_of3A_515] : memref<2x8x1000000xf32, #tpu.memory_space<hbm>> -> memref<2x8x128xf32, #tpu.memory_space<hbm>>
      tpu.wait_dma2 semaphore(%arg12 : memref<!tpu.dma_semaphore, #tpu.memory_space<semaphore_mem>>) src(%dma_wait3A_991 : memref<2x8x128xf32, #tpu.memory_space<hbm>>) dst(%dma_wait3A_988 : memref<2x8x128xf32, #tpu.memory_space<vmem>>)
      %dma_wait3A_992 = arith.constant 0 : i32
      %dma_wait3A_993 = arith.constant 0 : i32
      %dma_wait3A_994 = arith.constant 1664 : i32
      %dma_wait3A_995 = tpu.memref_slice %arg10[%dma_wait3A_992, %dma_wait3A_993, %dma_wait3A_994] : memref<2x8x2048xf32, #tpu.memory_space<vmem>> -> memref<2x8x128xf32, #tpu.memory_space<vmem>>
      %dma_wait3A_996 = arith.constant 0 : i32
      %dma_wait3A_997 = arith.constant 0 : i32
      %dma_wait3A_998 = tpu.memref_slice %arg5[%dma_wait3A_996, %dma_wait3A_997, %multiple_of3A_532] : memref<2x8x1000000xf32, #tpu.memory_space<hbm>> -> memref<2x8x128xf32, #tpu.memory_space<hbm>>
      %dma_wait3A_999 = arith.constant 0 : i32
      %dma_wait3A_1000 = arith.constant 0 : i32
      %dma_wait3A_1001 = arith.constant 1664 : i32
      %dma_wait3A_1002 = tpu.memref_slice %arg10[%dma_wait3A_999, %dma_wait3A_1000, %dma_wait3A_1001] : memref<2x8x2048xf32, #tpu.memory_space<vmem>> -> memref<2x8x128xf32, #tpu.memory_space<vmem>>
      %dma_wait3A_1003 = arith.constant 0 : i32
      %dma_wait3A_1004 = arith.constant 0 : i32
      %dma_wait3A_1005 = tpu.memref_slice %arg5[%dma_wait3A_1003, %dma_wait3A_1004, %multiple_of3A_532] : memref<2x8x1000000xf32, #tpu.memory_space<hbm>> -> memref<2x8x128xf32, #tpu.memory_space<hbm>>
      tpu.wait_dma2 semaphore(%arg13 : memref<!tpu.dma_semaphore, #tpu.memory_space<semaphore_mem>>) src(%dma_wait3A_1005 : memref<2x8x128xf32, #tpu.memory_space<hbm>>) dst(%dma_wait3A_1002 : memref<2x8x128xf32, #tpu.memory_space<vmem>>)
      %dma_wait3A_1006 = arith.constant 0 : i32
      %dma_wait3A_1007 = arith.constant 0 : i32
      %dma_wait3A_1008 = arith.constant 1792 : i32
      %dma_wait3A_1009 = tpu.memref_slice %arg9[%dma_wait3A_1006, %dma_wait3A_1007, %dma_wait3A_1008] : memref<2x8x2048xf32, #tpu.memory_space<vmem>> -> memref<2x8x128xf32, #tpu.memory_space<vmem>>
      %dma_wait3A_1010 = arith.constant 0 : i32
      %dma_wait3A_1011 = arith.constant 0 : i32
      %dma_wait3A_1012 = tpu.memref_slice %arg4[%dma_wait3A_1010, %dma_wait3A_1011, %multiple_of3A_549] : memref<2x8x1000000xf32, #tpu.memory_space<hbm>> -> memref<2x8x128xf32, #tpu.memory_space<hbm>>
      %dma_wait3A_1013 = arith.constant 0 : i32
      %dma_wait3A_1014 = arith.constant 0 : i32
      %dma_wait3A_1015 = arith.constant 1792 : i32
      %dma_wait3A_1016 = tpu.memref_slice %arg9[%dma_wait3A_1013, %dma_wait3A_1014, %dma_wait3A_1015] : memref<2x8x2048xf32, #tpu.memory_space<vmem>> -> memref<2x8x128xf32, #tpu.memory_space<vmem>>
      %dma_wait3A_1017 = arith.constant 0 : i32
      %dma_wait3A_1018 = arith.constant 0 : i32
      %dma_wait3A_1019 = tpu.memref_slice %arg4[%dma_wait3A_1017, %dma_wait3A_1018, %multiple_of3A_549] : memref<2x8x1000000xf32, #tpu.memory_space<hbm>> -> memref<2x8x128xf32, #tpu.memory_space<hbm>>
      tpu.wait_dma2 semaphore(%arg12 : memref<!tpu.dma_semaphore, #tpu.memory_space<semaphore_mem>>) src(%dma_wait3A_1019 : memref<2x8x128xf32, #tpu.memory_space<hbm>>) dst(%dma_wait3A_1016 : memref<2x8x128xf32, #tpu.memory_space<vmem>>)
      %dma_wait3A_1020 = arith.constant 0 : i32
      %dma_wait3A_1021 = arith.constant 0 : i32
      %dma_wait3A_1022 = arith.constant 1792 : i32
      %dma_wait3A_1023 = tpu.memref_slice %arg10[%dma_wait3A_1020, %dma_wait3A_1021, %dma_wait3A_1022] : memref<2x8x2048xf32, #tpu.memory_space<vmem>> -> memref<2x8x128xf32, #tpu.memory_space<vmem>>
      %dma_wait3A_1024 = arith.constant 0 : i32
      %dma_wait3A_1025 = arith.constant 0 : i32
      %dma_wait3A_1026 = tpu.memref_slice %arg5[%dma_wait3A_1024, %dma_wait3A_1025, %multiple_of3A_566] : memref<2x8x1000000xf32, #tpu.memory_space<hbm>> -> memref<2x8x128xf32, #tpu.memory_space<hbm>>
      %dma_wait3A_1027 = arith.constant 0 : i32
      %dma_wait3A_1028 = arith.constant 0 : i32
      %dma_wait3A_1029 = arith.constant 1792 : i32
      %dma_wait3A_1030 = tpu.memref_slice %arg10[%dma_wait3A_1027, %dma_wait3A_1028, %dma_wait3A_1029] : memref<2x8x2048xf32, #tpu.memory_space<vmem>> -> memref<2x8x128xf32, #tpu.memory_space<vmem>>
      %dma_wait3A_1031 = arith.constant 0 : i32
      %dma_wait3A_1032 = arith.constant 0 : i32
      %dma_wait3A_1033 = tpu.memref_slice %arg5[%dma_wait3A_1031, %dma_wait3A_1032, %multiple_of3A_566] : memref<2x8x1000000xf32, #tpu.memory_space<hbm>> -> memref<2x8x128xf32, #tpu.memory_space<hbm>>
      tpu.wait_dma2 semaphore(%arg13 : memref<!tpu.dma_semaphore, #tpu.memory_space<semaphore_mem>>) src(%dma_wait3A_1033 : memref<2x8x128xf32, #tpu.memory_space<hbm>>) dst(%dma_wait3A_1030 : memref<2x8x128xf32, #tpu.memory_space<vmem>>)
      %dma_wait3A_1034 = arith.constant 0 : i32
      %dma_wait3A_1035 = arith.constant 0 : i32
      %dma_wait3A_1036 = arith.constant 1920 : i32
      %dma_wait3A_1037 = tpu.memref_slice %arg9[%dma_wait3A_1034, %dma_wait3A_1035, %dma_wait3A_1036] : memref<2x8x2048xf32, #tpu.memory_space<vmem>> -> memref<2x8x128xf32, #tpu.memory_space<vmem>>
      %dma_wait3A_1038 = arith.constant 0 : i32
      %dma_wait3A_1039 = arith.constant 0 : i32
      %dma_wait3A_1040 = tpu.memref_slice %arg4[%dma_wait3A_1038, %dma_wait3A_1039, %multiple_of3A_583] : memref<2x8x1000000xf32, #tpu.memory_space<hbm>> -> memref<2x8x128xf32, #tpu.memory_space<hbm>>
      %dma_wait3A_1041 = arith.constant 0 : i32
      %dma_wait3A_1042 = arith.constant 0 : i32
      %dma_wait3A_1043 = arith.constant 1920 : i32
      %dma_wait3A_1044 = tpu.memref_slice %arg9[%dma_wait3A_1041, %dma_wait3A_1042, %dma_wait3A_1043] : memref<2x8x2048xf32, #tpu.memory_space<vmem>> -> memref<2x8x128xf32, #tpu.memory_space<vmem>>
      %dma_wait3A_1045 = arith.constant 0 : i32
      %dma_wait3A_1046 = arith.constant 0 : i32
      %dma_wait3A_1047 = tpu.memref_slice %arg4[%dma_wait3A_1045, %dma_wait3A_1046, %multiple_of3A_583] : memref<2x8x1000000xf32, #tpu.memory_space<hbm>> -> memref<2x8x128xf32, #tpu.memory_space<hbm>>
      tpu.wait_dma2 semaphore(%arg12 : memref<!tpu.dma_semaphore, #tpu.memory_space<semaphore_mem>>) src(%dma_wait3A_1047 : memref<2x8x128xf32, #tpu.memory_space<hbm>>) dst(%dma_wait3A_1044 : memref<2x8x128xf32, #tpu.memory_space<vmem>>)
      %dma_wait3A_1048 = arith.constant 0 : i32
      %dma_wait3A_1049 = arith.constant 0 : i32
      %dma_wait3A_1050 = arith.constant 1920 : i32
      %dma_wait3A_1051 = tpu.memref_slice %arg10[%dma_wait3A_1048, %dma_wait3A_1049, %dma_wait3A_1050] : memref<2x8x2048xf32, #tpu.memory_space<vmem>> -> memref<2x8x128xf32, #tpu.memory_space<vmem>>
      %dma_wait3A_1052 = arith.constant 0 : i32
      %dma_wait3A_1053 = arith.constant 0 : i32
      %dma_wait3A_1054 = tpu.memref_slice %arg5[%dma_wait3A_1052, %dma_wait3A_1053, %multiple_of3A_600] : memref<2x8x1000000xf32, #tpu.memory_space<hbm>> -> memref<2x8x128xf32, #tpu.memory_space<hbm>>
      %dma_wait3A_1055 = arith.constant 0 : i32
      %dma_wait3A_1056 = arith.constant 0 : i32
      %dma_wait3A_1057 = arith.constant 1920 : i32
      %dma_wait3A_1058 = tpu.memref_slice %arg10[%dma_wait3A_1055, %dma_wait3A_1056, %dma_wait3A_1057] : memref<2x8x2048xf32, #tpu.memory_space<vmem>> -> memref<2x8x128xf32, #tpu.memory_space<vmem>>
      %dma_wait3A_1059 = arith.constant 0 : i32
      %dma_wait3A_1060 = arith.constant 0 : i32
      %dma_wait3A_1061 = tpu.memref_slice %arg5[%dma_wait3A_1059, %dma_wait3A_1060, %multiple_of3A_600] : memref<2x8x1000000xf32, #tpu.memory_space<hbm>> -> memref<2x8x128xf32, #tpu.memory_space<hbm>>
      tpu.wait_dma2 semaphore(%arg13 : memref<!tpu.dma_semaphore, #tpu.memory_space<semaphore_mem>>) src(%dma_wait3A_1061 : memref<2x8x128xf32, #tpu.memory_space<hbm>>) dst(%dma_wait3A_1058 : memref<2x8x128xf32, #tpu.memory_space<vmem>>)
      %broadcast_in_dim3A = arith.constant 0.000000e+00 : f32
      %broadcast_in_dim3A_1062 = vector.broadcast %broadcast_in_dim3A : f32 to vector<16xf32>
      %broadcast_in_dim3A_1063 = arith.constant 0 : i32
      %broadcast_in_dim3A_1064 = vector.broadcast %broadcast_in_dim3A_1063 : i32 to vector<16xi32>
      %broadcast_in_dim3A_1065 = arith.constant 0 : i32
      %broadcast_in_dim3A_1066 = vector.broadcast %broadcast_in_dim3A_1065 : i32 to vector<16xi32>
      %gather3A = tpu.vector_load_idx %arg9[%broadcast_in_dim3A_1064, %broadcast_in_dim3A_1066, %add3A_63] : memref<2x8x2048xf32, #tpu.memory_space<vmem>>[vector<16xi32>, vector<16xi32>, vector<16xi32>], vector<16xf32>,
      %gather3A_1067 = tpu.vector_load_idx %arg10[%broadcast_in_dim3A_1064, %broadcast_in_dim3A_1066, %add3A_56] : memref<2x8x2048xf32, #tpu.memory_space<vmem>>[vector<16xi32>, vector<16xi32>, vector<16xi32>], vector<16xf32>,
      %mul3A_1068 = arith.mulf %gather3A, %gather3A_1067 : vector<16xf32>
      %add3A_1069 = arith.addf %broadcast_in_dim3A_1062, %mul3A_1068 : vector<16xf32>
      %broadcast_in_dim3A_1070 = arith.constant 0 : i32
      %broadcast_in_dim3A_1071 = vector.broadcast %broadcast_in_dim3A_1070 : i32 to vector<16xi32>
      %broadcast_in_dim3A_1072 = arith.constant 1 : i32
      %broadcast_in_dim3A_1073 = vector.broadcast %broadcast_in_dim3A_1072 : i32 to vector<16xi32>
      %gather3A_1074 = tpu.vector_load_idx %arg9[%broadcast_in_dim3A_1071, %broadcast_in_dim3A_1073, %add3A_63] : memref<2x8x2048xf32, #tpu.memory_space<vmem>>[vector<16xi32>, vector<16xi32>, vector<16xi32>], vector<16xf32>,
      %gather3A_1075 = tpu.vector_load_idx %arg10[%broadcast_in_dim3A_1071, %broadcast_in_dim3A_1073, %add3A_56] : memref<2x8x2048xf32, #tpu.memory_space<vmem>>[vector<16xi32>, vector<16xi32>, vector<16xi32>], vector<16xf32>,
      %mul3A_1076 = arith.mulf %gather3A_1074, %gather3A_1075 : vector<16xf32>
      %add3A_1077 = arith.addf %add3A_1069, %mul3A_1076 : vector<16xf32>
      %broadcast_in_dim3A_1078 = arith.constant 0 : i32
      %broadcast_in_dim3A_1079 = vector.broadcast %broadcast_in_dim3A_1078 : i32 to vector<16xi32>
      %broadcast_in_dim3A_1080 = arith.constant 2 : i32
      %broadcast_in_dim3A_1081 = vector.broadcast %broadcast_in_dim3A_1080 : i32 to vector<16xi32>
      %gather3A_1082 = tpu.vector_load_idx %arg9[%broadcast_in_dim3A_1079, %broadcast_in_dim3A_1081, %add3A_63] : memref<2x8x2048xf32, #tpu.memory_space<vmem>>[vector<16xi32>, vector<16xi32>, vector<16xi32>], vector<16xf32>,
      %gather3A_1083 = tpu.vector_load_idx %arg10[%broadcast_in_dim3A_1079, %broadcast_in_dim3A_1081, %add3A_56] : memref<2x8x2048xf32, #tpu.memory_space<vmem>>[vector<16xi32>, vector<16xi32>, vector<16xi32>], vector<16xf32>,
      %mul3A_1084 = arith.mulf %gather3A_1082, %gather3A_1083 : vector<16xf32>
      %add3A_1085 = arith.addf %add3A_1077, %mul3A_1084 : vector<16xf32>
      %broadcast_in_dim3A_1086 = arith.constant 0 : i32
      %broadcast_in_dim3A_1087 = vector.broadcast %broadcast_in_dim3A_1086 : i32 to vector<16xi32>
      %broadcast_in_dim3A_1088 = arith.constant 3 : i32
      %broadcast_in_dim3A_1089 = vector.broadcast %broadcast_in_dim3A_1088 : i32 to vector<16xi32>
      %gather3A_1090 = tpu.vector_load_idx %arg9[%broadcast_in_dim3A_1087, %broadcast_in_dim3A_1089, %add3A_63] : memref<2x8x2048xf32, #tpu.memory_space<vmem>>[vector<16xi32>, vector<16xi32>, vector<16xi32>], vector<16xf32>,
      %gather3A_1091 = tpu.vector_load_idx %arg10[%broadcast_in_dim3A_1087, %broadcast_in_dim3A_1089, %add3A_56] : memref<2x8x2048xf32, #tpu.memory_space<vmem>>[vector<16xi32>, vector<16xi32>, vector<16xi32>], vector<16xf32>,
      %mul3A_1092 = arith.mulf %gather3A_1090, %gather3A_1091 : vector<16xf32>
      %add3A_1093 = arith.addf %add3A_1085, %mul3A_1092 : vector<16xf32>
      %broadcast_in_dim3A_1094 = arith.constant 0 : i32
      %broadcast_in_dim3A_1095 = vector.broadcast %broadcast_in_dim3A_1094 : i32 to vector<16xi32>
      %broadcast_in_dim3A_1096 = arith.constant 4 : i32
      %broadcast_in_dim3A_1097 = vector.broadcast %broadcast_in_dim3A_1096 : i32 to vector<16xi32>
      %gather3A_1098 = tpu.vector_load_idx %arg9[%broadcast_in_dim3A_1095, %broadcast_in_dim3A_1097, %add3A_63] : memref<2x8x2048xf32, #tpu.memory_space<vmem>>[vector<16xi32>, vector<16xi32>, vector<16xi32>], vector<16xf32>,
      %gather3A_1099 = tpu.vector_load_idx %arg10[%broadcast_in_dim3A_1095, %broadcast_in_dim3A_1097, %add3A_56] : memref<2x8x2048xf32, #tpu.memory_space<vmem>>[vector<16xi32>, vector<16xi32>, vector<16xi32>], vector<16xf32>,
      %mul3A_1100 = arith.mulf %gather3A_1098, %gather3A_1099 : vector<16xf32>
      %add3A_1101 = arith.addf %add3A_1093, %mul3A_1100 : vector<16xf32>
      %broadcast_in_dim3A_1102 = arith.constant 0 : i32
      %broadcast_in_dim3A_1103 = vector.broadcast %broadcast_in_dim3A_1102 : i32 to vector<16xi32>
      %broadcast_in_dim3A_1104 = arith.constant 5 : i32
      %broadcast_in_dim3A_1105 = vector.broadcast %broadcast_in_dim3A_1104 : i32 to vector<16xi32>
      %gather3A_1106 = tpu.vector_load_idx %arg9[%broadcast_in_dim3A_1103, %broadcast_in_dim3A_1105, %add3A_63] : memref<2x8x2048xf32, #tpu.memory_space<vmem>>[vector<16xi32>, vector<16xi32>, vector<16xi32>], vector<16xf32>,
      %gather3A_1107 = tpu.vector_load_idx %arg10[%broadcast_in_dim3A_1103, %broadcast_in_dim3A_1105, %add3A_56] : memref<2x8x2048xf32, #tpu.memory_space<vmem>>[vector<16xi32>, vector<16xi32>, vector<16xi32>], vector<16xf32>,
      %mul3A_1108 = arith.mulf %gather3A_1106, %gather3A_1107 : vector<16xf32>
      %add3A_1109 = arith.addf %add3A_1101, %mul3A_1108 : vector<16xf32>
      %broadcast_in_dim3A_1110 = arith.constant 0 : i32
      %broadcast_in_dim3A_1111 = vector.broadcast %broadcast_in_dim3A_1110 : i32 to vector<16xi32>
      %broadcast_in_dim3A_1112 = arith.constant 6 : i32
      %broadcast_in_dim3A_1113 = vector.broadcast %broadcast_in_dim3A_1112 : i32 to vector<16xi32>
      %gather3A_1114 = tpu.vector_load_idx %arg9[%broadcast_in_dim3A_1111, %broadcast_in_dim3A_1113, %add3A_63] : memref<2x8x2048xf32, #tpu.memory_space<vmem>>[vector<16xi32>, vector<16xi32>, vector<16xi32>], vector<16xf32>,
      %gather3A_1115 = tpu.vector_load_idx %arg10[%broadcast_in_dim3A_1111, %broadcast_in_dim3A_1113, %add3A_56] : memref<2x8x2048xf32, #tpu.memory_space<vmem>>[vector<16xi32>, vector<16xi32>, vector<16xi32>], vector<16xf32>,
      %mul3A_1116 = arith.mulf %gather3A_1114, %gather3A_1115 : vector<16xf32>
      %add3A_1117 = arith.addf %add3A_1109, %mul3A_1116 : vector<16xf32>
      %broadcast_in_dim3A_1118 = arith.constant 0 : i32
      %broadcast_in_dim3A_1119 = vector.broadcast %broadcast_in_dim3A_1118 : i32 to vector<16xi32>
      %broadcast_in_dim3A_1120 = arith.constant 7 : i32
      %broadcast_in_dim3A_1121 = vector.broadcast %broadcast_in_dim3A_1120 : i32 to vector<16xi32>
      %gather3A_1122 = tpu.vector_load_idx %arg9[%broadcast_in_dim3A_1119, %broadcast_in_dim3A_1121, %add3A_63] : memref<2x8x2048xf32, #tpu.memory_space<vmem>>[vector<16xi32>, vector<16xi32>, vector<16xi32>], vector<16xf32>,
      %gather3A_1123 = tpu.vector_load_idx %arg10[%broadcast_in_dim3A_1119, %broadcast_in_dim3A_1121, %add3A_56] : memref<2x8x2048xf32, #tpu.memory_space<vmem>>[vector<16xi32>, vector<16xi32>, vector<16xi32>], vector<16xf32>,
      %mul3A_1124 = arith.mulf %gather3A_1122, %gather3A_1123 : vector<16xf32>
      %add3A_1125 = arith.addf %add3A_1117, %mul3A_1124 : vector<16xf32>
      %broadcast_in_dim3A_1126 = arith.constant 1 : i32
      %broadcast_in_dim3A_1127 = vector.broadcast %broadcast_in_dim3A_1126 : i32 to vector<16xi32>
      %broadcast_in_dim3A_1128 = arith.constant 0 : i32
      %broadcast_in_dim3A_1129 = vector.broadcast %broadcast_in_dim3A_1128 : i32 to vector<16xi32>
      %gather3A_1130 = tpu.vector_load_idx %arg9[%broadcast_in_dim3A_1127, %broadcast_in_dim3A_1129, %add3A_63] : memref<2x8x2048xf32, #tpu.memory_space<vmem>>[vector<16xi32>, vector<16xi32>, vector<16xi32>], vector<16xf32>,
      %gather3A_1131 = tpu.vector_load_idx %arg10[%broadcast_in_dim3A_1127, %broadcast_in_dim3A_1129, %add3A_56] : memref<2x8x2048xf32, #tpu.memory_space<vmem>>[vector<16xi32>, vector<16xi32>, vector<16xi32>], vector<16xf32>,
      %mul3A_1132 = arith.mulf %gather3A_1130, %gather3A_1131 : vector<16xf32>
      %add3A_1133 = arith.addf %add3A_1125, %mul3A_1132 : vector<16xf32>
      %broadcast_in_dim3A_1134 = arith.constant 1 : i32
      %broadcast_in_dim3A_1135 = vector.broadcast %broadcast_in_dim3A_1134 : i32 to vector<16xi32>
      %broadcast_in_dim3A_1136 = arith.constant 1 : i32
      %broadcast_in_dim3A_1137 = vector.broadcast %broadcast_in_dim3A_1136 : i32 to vector<16xi32>
      %gather3A_1138 = tpu.vector_load_idx %arg9[%broadcast_in_dim3A_1135, %broadcast_in_dim3A_1137, %add3A_63] : memref<2x8x2048xf32, #tpu.memory_space<vmem>>[vector<16xi32>, vector<16xi32>, vector<16xi32>], vector<16xf32>,
      %gather3A_1139 = tpu.vector_load_idx %arg10[%broadcast_in_dim3A_1135, %broadcast_in_dim3A_1137, %add3A_56] : memref<2x8x2048xf32, #tpu.memory_space<vmem>>[vector<16xi32>, vector<16xi32>, vector<16xi32>], vector<16xf32>,
      %mul3A_1140 = arith.mulf %gather3A_1138, %gather3A_1139 : vector<16xf32>
      %add3A_1141 = arith.addf %add3A_1133, %mul3A_1140 : vector<16xf32>
      %broadcast_in_dim3A_1142 = arith.constant 1 : i32
      %broadcast_in_dim3A_1143 = vector.broadcast %broadcast_in_dim3A_1142 : i32 to vector<16xi32>
      %broadcast_in_dim3A_1144 = arith.constant 2 : i32
      %broadcast_in_dim3A_1145 = vector.broadcast %broadcast_in_dim3A_1144 : i32 to vector<16xi32>
      %gather3A_1146 = tpu.vector_load_idx %arg9[%broadcast_in_dim3A_1143, %broadcast_in_dim3A_1145, %add3A_63] : memref<2x8x2048xf32, #tpu.memory_space<vmem>>[vector<16xi32>, vector<16xi32>, vector<16xi32>], vector<16xf32>,
      %gather3A_1147 = tpu.vector_load_idx %arg10[%broadcast_in_dim3A_1143, %broadcast_in_dim3A_1145, %add3A_56] : memref<2x8x2048xf32, #tpu.memory_space<vmem>>[vector<16xi32>, vector<16xi32>, vector<16xi32>], vector<16xf32>,
      %mul3A_1148 = arith.mulf %gather3A_1146, %gather3A_1147 : vector<16xf32>
      %add3A_1149 = arith.addf %add3A_1141, %mul3A_1148 : vector<16xf32>
      %broadcast_in_dim3A_1150 = arith.constant 1 : i32
      %broadcast_in_dim3A_1151 = vector.broadcast %broadcast_in_dim3A_1150 : i32 to vector<16xi32>
      %broadcast_in_dim3A_1152 = arith.constant 3 : i32
      %broadcast_in_dim3A_1153 = vector.broadcast %broadcast_in_dim3A_1152 : i32 to vector<16xi32>
      %gather3A_1154 = tpu.vector_load_idx %arg9[%broadcast_in_dim3A_1151, %broadcast_in_dim3A_1153, %add3A_63] : memref<2x8x2048xf32, #tpu.memory_space<vmem>>[vector<16xi32>, vector<16xi32>, vector<16xi32>], vector<16xf32>,
      %gather3A_1155 = tpu.vector_load_idx %arg10[%broadcast_in_dim3A_1151, %broadcast_in_dim3A_1153, %add3A_56] : memref<2x8x2048xf32, #tpu.memory_space<vmem>>[vector<16xi32>, vector<16xi32>, vector<16xi32>], vector<16xf32>,
      %mul3A_1156 = arith.mulf %gather3A_1154, %gather3A_1155 : vector<16xf32>
      %add3A_1157 = arith.addf %add3A_1149, %mul3A_1156 : vector<16xf32>
      %broadcast_in_dim3A_1158 = arith.constant 1 : i32
      %broadcast_in_dim3A_1159 = vector.broadcast %broadcast_in_dim3A_1158 : i32 to vector<16xi32>
      %broadcast_in_dim3A_1160 = arith.constant 4 : i32
      %broadcast_in_dim3A_1161 = vector.broadcast %broadcast_in_dim3A_1160 : i32 to vector<16xi32>
      %gather3A_1162 = tpu.vector_load_idx %arg9[%broadcast_in_dim3A_1159, %broadcast_in_dim3A_1161, %add3A_63] : memref<2x8x2048xf32, #tpu.memory_space<vmem>>[vector<16xi32>, vector<16xi32>, vector<16xi32>], vector<16xf32>,
      %gather3A_1163 = tpu.vector_load_idx %arg10[%broadcast_in_dim3A_1159, %broadcast_in_dim3A_1161, %add3A_56] : memref<2x8x2048xf32, #tpu.memory_space<vmem>>[vector<16xi32>, vector<16xi32>, vector<16xi32>], vector<16xf32>,
      %mul3A_1164 = arith.mulf %gather3A_1162, %gather3A_1163 : vector<16xf32>
      %add3A_1165 = arith.addf %add3A_1157, %mul3A_1164 : vector<16xf32>
      %broadcast_in_dim3A_1166 = arith.constant 1 : i32
      %broadcast_in_dim3A_1167 = vector.broadcast %broadcast_in_dim3A_1166 : i32 to vector<16xi32>
      %broadcast_in_dim3A_1168 = arith.constant 5 : i32
      %broadcast_in_dim3A_1169 = vector.broadcast %broadcast_in_dim3A_1168 : i32 to vector<16xi32>
      %gather3A_1170 = tpu.vector_load_idx %arg9[%broadcast_in_dim3A_1167, %broadcast_in_dim3A_1169, %add3A_63] : memref<2x8x2048xf32, #tpu.memory_space<vmem>>[vector<16xi32>, vector<16xi32>, vector<16xi32>], vector<16xf32>,
      %gather3A_1171 = tpu.vector_load_idx %arg10[%broadcast_in_dim3A_1167, %broadcast_in_dim3A_1169, %add3A_56] : memref<2x8x2048xf32, #tpu.memory_space<vmem>>[vector<16xi32>, vector<16xi32>, vector<16xi32>], vector<16xf32>,
      %mul3A_1172 = arith.mulf %gather3A_1170, %gather3A_1171 : vector<16xf32>
      %add3A_1173 = arith.addf %add3A_1165, %mul3A_1172 : vector<16xf32>
      %broadcast_in_dim3A_1174 = arith.constant 1 : i32
      %broadcast_in_dim3A_1175 = vector.broadcast %broadcast_in_dim3A_1174 : i32 to vector<16xi32>
      %broadcast_in_dim3A_1176 = arith.constant 6 : i32
      %broadcast_in_dim3A_1177 = vector.broadcast %broadcast_in_dim3A_1176 : i32 to vector<16xi32>
      %gather3A_1178 = tpu.vector_load_idx %arg9[%broadcast_in_dim3A_1175, %broadcast_in_dim3A_1177, %add3A_63] : memref<2x8x2048xf32, #tpu.memory_space<vmem>>[vector<16xi32>, vector<16xi32>, vector<16xi32>], vector<16xf32>,
      %gather3A_1179 = tpu.vector_load_idx %arg10[%broadcast_in_dim3A_1175, %broadcast_in_dim3A_1177, %add3A_56] : memref<2x8x2048xf32, #tpu.memory_space<vmem>>[vector<16xi32>, vector<16xi32>, vector<16xi32>], vector<16xf32>,
      %mul3A_1180 = arith.mulf %gather3A_1178, %gather3A_1179 : vector<16xf32>
      %add3A_1181 = arith.addf %add3A_1173, %mul3A_1180 : vector<16xf32>
      %broadcast_in_dim3A_1182 = arith.constant 1 : i32
      %broadcast_in_dim3A_1183 = vector.broadcast %broadcast_in_dim3A_1182 : i32 to vector<16xi32>
      %broadcast_in_dim3A_1184 = arith.constant 7 : i32
      %broadcast_in_dim3A_1185 = vector.broadcast %broadcast_in_dim3A_1184 : i32 to vector<16xi32>
      %gather3A_1186 = tpu.vector_load_idx %arg9[%broadcast_in_dim3A_1183, %broadcast_in_dim3A_1185, %add3A_63] : memref<2x8x2048xf32, #tpu.memory_space<vmem>>[vector<16xi32>, vector<16xi32>, vector<16xi32>], vector<16xf32>,
      %gather3A_1187 = tpu.vector_load_idx %arg10[%broadcast_in_dim3A_1183, %broadcast_in_dim3A_1185, %add3A_56] : memref<2x8x2048xf32, #tpu.memory_space<vmem>>[vector<16xi32>, vector<16xi32>, vector<16xi32>], vector<16xf32>,
      %mul3A_1188 = arith.mulf %gather3A_1186, %gather3A_1187 : vector<16xf32>
      %add3A_1189 = arith.addf %add3A_1181, %mul3A_1188 : vector<16xf32>
      %mul3A_1190 = arith.constant 16 : i32
      %mul3A_1191 = arith.muli %scan3A_12, %mul3A_1190 : i32
      %swap3A = arith.index_cast %mul3A_1191 : i32 to index
      %swap3A_1192 = tpu.vector_load %arg11[%swap3A] {strides = array<i32>} : memref<512xf32, #tpu.memory_space<vmem>>, vector<16xf32>,
      tpu.vector_store %arg11[%swap3A], %add3A_1189 {strides = array<i32>} : memref<512xf32, #tpu.memory_space<vmem>>, vector<16xf32>,
    }
    %scan3A_11 = arith.constant 32 : i32
    "tpu.region"() ({
      %run_scoped3A = tpu.sem_alloc : memref<!tpu.dma_semaphore, #tpu.memory_space<semaphore_mem>>
      %dma_start3A = tpu.memref_slice %arg6[%mul3A_2] : memref<16384xf32, #tpu.memory_space<hbm>> -> memref<512xf32, #tpu.memory_space<hbm>>
      %dma_start3A_12 = tpu.memref_slice %arg6[%mul3A_2] : memref<16384xf32, #tpu.memory_space<hbm>> -> memref<512xf32, #tpu.memory_space<hbm>>
      tpu.enqueue_dma source(%arg11 : memref<512xf32, #tpu.memory_space<vmem>>) target(%dma_start3A_12 : memref<512xf32, #tpu.memory_space<hbm>>) target_semaphore(%run_scoped3A : memref<!tpu.dma_semaphore, #tpu.memory_space<semaphore_mem>>)
      %dma_wait3A = tpu.memref_slice %arg6[%mul3A_2] : memref<16384xf32, #tpu.memory_space<hbm>> -> memref<512xf32, #tpu.memory_space<hbm>>
      %dma_wait3A_13 = tpu.memref_slice %arg6[%mul3A_2] : memref<16384xf32, #tpu.memory_space<hbm>> -> memref<512xf32, #tpu.memory_space<hbm>>
      tpu.wait_dma2 semaphore(%run_scoped3A : memref<!tpu.dma_semaphore, #tpu.memory_space<semaphore_mem>>) src(%arg11 : memref<512xf32, #tpu.memory_space<vmem>>) dst(%dma_wait3A_13 : memref<512xf32, #tpu.memory_space<hbm>>)
      tpu.yield
    }) : () -> ()
    return
  }
}

</mosaic_0001>

<sc_bundles>
// kernel: _skipgram_sc.3.cloned.1.call-start
scs
__scs_entry_jumppad:
0x0: {  	(pc) =	sbr.rel $0x88, $3  }
0x1: {  	(tag) =	ssettag $0x0;
	lr =	simm.s32 $0x1  }
0x2: {  	[smem:$0x3F9D] =	sst lr;
	_ =	strace $0xD0000000  }
0x3: {  	_ = 	snop  }
0x4: {  	_ = 	snop  }
0x5: {  	_ = 	snop  }
0x6: {  	_ = 	snop  }
0x7: {  	_ = 	snop  }
__scs_overlays_trampoline_lowered:
0x8: {  	[smem:$0x3FAC] =	sst s0  }
0x9: {  	[smem:$0x3FAD] =	sst s1  }
0xa: {  	[smem:$0x3FAE] =	sst s2  }
0xb: {  	[smem:$0x3FAF] =	sst s3  }
0xc: {  	[smem:$0x3FB0] =	sst s4  }
0xd: {  	[smem:$0x3FB1] =	sst s5  }
0xe: {  	[smem:$0x3FB2] =	sst s6  }
0xf: {  	[smem:$0x3FB3] =	sst s7  }
0x10: {  	[smem:$0x3FB4] =	sst s8  }
0x11: {  	[smem:$0x3FB5] =	sst s9;
	s0 =	simm.s32 @!p0 $0x0  }
0x12: {  	s1 =	sld [smem:$0x3F9B];
	s0 =	simm.s32 @p0 $0x1  }
0x13: {  	[smem:$0x3FB6] =	sst s0;
	s0 =	simm.s32 @!p1 $0x0  }
0x14: {  	s2 =	sld [smem:$0x3F9A];
	s0 =	simm.s32 @p1 $0x1  }
0x15: {  	[smem:$0x3FB7] =	sst s0;
	s0 =	simm.s32 @!p2 $0x0  }
0x16: {  	s3 =	sld [smem:$0x3FDB];
	s0 =	simm.s32 @p2 $0x1  }
0x17: {  	s4 =	simm.s32 $0x1BF5;
	[smem:$0x3FB9] =	sst s0  }
0x18: {  	s0 =	sld [smem:$0x3F9C];
	_ =	swait.ge [sflag:s4], $0x0  }
0x19: {  	s7 =	sld [smem:$0x3F9D]  }
0x1a: {  	s8 =	sadd.s32 $0xFFFFE003, lr  }
0x1b: {  	s9 =	sadd.s32 $0xFFFFFEF7, lr;
	s5 =	simm.s32 $0xFFFFFFFF;
	p2 =	slt.u32 s8, $0xFFFFF086  }
0x1c: {  	p1 =	slt.u32 s9, $0xF7A;
	s5 =	simm.s32 @!p2 $0x0  }
0x1d: {  	s5 =	simm.s32 @p1 $0x1;
	p0 =	seq.s32 s7, s2  }
0x1e: {  	s7 =	smul.u32 @!p0 $0xF7A, s2;
	p2 =	seq.s32 @!p0 s5, $0x0  }
0x1f: {  	s9 =	smul.u32 $0xF7A, s1;
	s8 =	simm.s32 @!p0 $0x1BF5;
	p2 =	por !p2, p0  }
0x20: {  	[sflag:s8] =	ssyncset.s32 @!p0 $0xFFFFF086;
	s6 =	sadd.s32 @!p0 s3, s7;
	s7 =	simm.s32 @!p0 $0x108  }
0x21: {  	s3 =	sadd.s32 s3, s9;
	s6 =	sadd.s32 @!p0 $0x88, s6;
	s7 =	simm.s32 @p2 $0x1082  }
0x22: {  	[simem:s7], [sflag:s8] =	dma.local @!p0 [hbm:s6], $0xF7A  }
0x23: {  	s9 =	sor.u32 $0xD0000000, s2;
	s6 =	simm.s32 $0x108;
	_ =	swait.ge @!p0 [sflag:s8], $0x0  }
0x24: {  	s3 =	sadd.s32 $0x88, s3;
	s6 =	simm.s32 @!p1 $0x1082;
	[sflag:s4] =	ssyncset.s32 $0xFFFFF086  }
0x25: {  	[simem:s6], [sflag:s4] =	dma.local [hbm:s3], $0xF7A  }
0x26: {  	[smem:$0x3F9D] =	sst s1;
	(tag) =	ssettag s2;
	_ =	strace s9  }
0x27: {  	s1 =	sld [smem:$0x3FAD]  }
0x28: {  	s2 =	sld [smem:$0x3FAE]  }
0x29: {  	s4 =	sld [smem:$0x3FB0]  }
0x2a: {  	p0 =	seq.s32 s5, $0x0;
	s5 =	sld [smem:$0x3FB1]  }
0x2b: {  	s6 =	sld [smem:$0x3FB2]  }
0x2c: {  	s7 =	sld [smem:$0x3FB3]  }
0x2d: {  	s3 =	simm.s32 $0x108;
	s8 =	sld [smem:$0x3FB4]  }
0x2e: {  	s3 =	simm.s32 @!p0 $0x1082;
	s9 =	sld [smem:$0x3FB5]  }
0x2f: {  	lr =	sadd.s32 s0, s3;
	s0 =	sld [smem:$0x3FAC]  }
0x30: {  	s3 =	sld [smem:$0x3FAF]  }
0x31: {  	[smem:$0x3FB8] =	sst s10  }
0x32: {  	s10 =	sld [smem:$0x3FB6];
	_ =	sdelay $0x3  }
0x33: {  	p0 =	seq.s32 s10, $0x1;
	s10 =	sld [smem:$0x3FB8];
	_ =	sdelay $0x3  }
0x34: {  	[smem:$0x3FB8] =	sst s10  }
0x35: {  	s10 =	sld [smem:$0x3FB7];
	_ =	sdelay $0x3  }
0x36: {  	p1 =	seq.s32 s10, $0x1;
	s10 =	sld [smem:$0x3FB8];
	_ =	sdelay $0x3  }
0x37: {  	[smem:$0x3FB8] =	sst s10  }
0x38: {  	s10 =	sld [smem:$0x3FB9]  }
0x39: {  	_ = 	snop;
	(pc) =	sbr.ind lr, $3  }
0x3a: {  	_ = 	snop  }
0x3b: {  	_ = 	snop  }
0x3c: {  	p2 =	seq.s32 s10, $0x1;
	s10 =	sld [smem:$0x3FB8]  }
0x3d: {  	_ =	shalt  }
0x3e: {  	_ =	shalt  }
0x3f: {  	_ =	shalt  }
0x40: {  	_ =	shalt  }
0x41: {  	_ =	shalt  }
0x42: {  	_ =	shalt  }
0x43: {  	_ =	shalt  }
0x44: {  	_ =	shalt  }
0x45: {  	_ =	shalt  }
0x46: {  	_ =	shalt  }
0x47: {  	_ =	shalt  }
0x48: {  	_ =	shalt  }
0x49: {  	_ =	shalt  }
0x4a: {  	_ =	shalt  }
0x4b: {  	_ =	shalt  }
0x4c: {  	_ =	shalt  }
0x4d: {  	_ =	shalt  }
0x4e: {  	_ =	shalt  }
0x4f: {  	_ =	shalt  }
0x50: {  	_ =	shalt  }
0x51: {  	_ =	shalt  }
0x52: {  	_ =	shalt  }
0x53: {  	_ =	shalt  }
0x54: {  	_ =	shalt  }
0x55: {  	_ =	shalt  }
0x56: {  	_ =	shalt  }
0x57: {  	_ =	shalt  }
0x58: {  	_ =	shalt  }
0x59: {  	_ =	shalt  }
0x5a: {  	_ =	shalt  }
0x5b: {  	_ =	shalt  }
0x5c: {  	_ =	shalt  }
0x5d: {  	_ =	shalt  }
0x5e: {  	_ =	shalt  }
0x5f: {  	_ =	shalt  }
0x60: {  	_ =	shalt  }
0x61: {  	_ =	shalt  }
0x62: {  	_ =	shalt  }
0x63: {  	_ =	shalt  }
0x64: {  	_ =	shalt  }
0x65: {  	_ =	shalt  }
0x66: {  	_ =	shalt  }
0x67: {  	_ =	shalt  }
0x68: {  	_ =	shalt  }
0x69: {  	_ =	shalt  }
0x6a: {  	_ =	shalt  }
0x6b: {  	_ =	shalt  }
0x6c: {  	_ =	shalt  }
0x6d: {  	_ =	shalt  }
0x6e: {  	_ =	shalt  }
0x6f: {  	_ =	shalt  }
0x70: {  	_ =	shalt  }
0x71: {  	_ =	shalt  }
0x72: {  	_ =	shalt  }
0x73: {  	_ =	shalt  }
0x74: {  	_ =	shalt  }
0x75: {  	_ =	shalt  }
0x76: {  	_ =	shalt  }
0x77: {  	_ =	shalt  }
0x78: {  	_ =	shalt  }
0x79: {  	_ =	shalt  }
0x7a: {  	_ =	shalt  }
0x7b: {  	_ =	shalt  }
0x7c: {  	_ =	shalt  }
0x7d: {  	_ =	shalt  }
0x7e: {  	_ =	shalt  }
0x7f: {  	_ =	shalt  }
0x80: {  	_ =	shalt  }
0x81: {  	_ =	shalt  }
0x82: {  	_ =	shalt  }
0x83: {  	_ =	shalt  }
0x84: {  	_ =	shalt  }
0x85: {  	_ =	shalt  }
0x86: {  	_ =	shalt  }
0x87: {  	_ =	shalt  }
.Lfunc_end0:
.L_simem_size_0:
called_computation_lowered:
.L_overlay_start_0:
0x88: {  	s2 =	sld [smem:$0x3FD9]  }
0x89: {  	s3 =	sld [smem:$0x3FFE];
	_ =	sdelay $0x1  }
0x8a: {  	s1 =	srdreg.scid  }
0x8b: {  	s0 =	sand.u32 $0x1, s1  }
0x8c: {  	s18 =	sshll.u32 s0, $0xA;
	s2 =	sadd.s32 s3, s2  }
0x8d: {  	s2 =	sadd.s32 s2, s18  }
0x8e: {  	[smem:$0x3FC4] =	sst s2  }
0x8f: {  	_ = 	snop  }
0x90: {  	s2 =	sld [smem:$0x3FC9]  }
0x91: {  	s19 =	sld [smem:$0x3FC8]  }
0x92: {  	s4 =	sld [smem:$0x3FC7]  }
0x93: {  	s5 =	sld [smem:$0x3FC6]  }
0x94: {  	s6 =	sld [smem:$0x3FD0];
	(tm) =	ssettm $0x1  }
0x95: {  	s7 =	sld [smem:$0x3FFB];
	_ =	sdelay $0x3  }
0x96: {  	_ =	strace s7  }
0x97: {  	s7 =	sld [smem:$0x3FFC];
	_ =	sdelay $0x3  }
0x98: {  	_ =	strace s7  }
0x99: {  	s7 =	sld [smem:$0x3FFD];
	_ =	sdelay $0x3  }
0x9a: {  	_ =	strace s7  }
0x9b: {  	_ =	strace $0x8FFFFFFF  }
0x9c: {  	s20 =	sld [smem:$0x3FDB];
	_ =	sdelay $0x1  }
0x9d: {  	s8 =	simm.s32 $_scs_section_size  }
0x9e: {  	s9 =	simm.s32 $_size__tile_overlayer_lowered;
	s10 =	simm.s32 $_tile_overlayer_lowered  }
0x9f: {  	s23 =	simm.s32 $0x1BFF;
	s22 =	sshll.u32 s10, $0x1;
	s7 =	sadd.s32 s8, s20  }
0xa0: {  	s11 =	simm.s32 $0x0;
	s21 =	sshll.u32 s9, $0x1;
	s9 =	sadd.s32 s22, s7  }
0xa1: {  	[timem:s11], [sflag:s23] =	dma.local [hbm:s9], s21  }
0xa2: {  	_ =	swait.ge [sflag:s23], s21  }
0xa3: {  	s8 =	ssub.s32 $0x0, s21;
	[sflag:s23] =	ssyncset.done $0x0  }
0xa4: {  	[sflag:s23] =	ssyncadd.s32 s8;
	_ =	sdelay $0x1  }
0xa5: {  	s24 =	simm.s32 $0x1B8B  }
0xa6: {  	_ =	swait.ge [sflag:s24], $0x1  }
0xa7: {  	[sflag:s24] =	ssyncset.done $0x0  }
0xa8: {  	s25 =	simm.s32 $0x1B8E;
	[sflag:s24] =	ssyncadd.s32 $0xFFFFFFFF  }
0xa9: {  	s26 =	simm.s32 $execute0_lowered;
	[smem:$0x3FD2] =	sst s25  }
0xaa: {  	s8 =	sshll.u32 s26, $0x1;
	_ =	strace $0x80000046;
	[dreg:$0x1] =	wrdreg $0xFFFFFFFF  }
0xab: {  	s28 =	simm.s32 $_size_execute0_lowered;
	s7 =	sadd.s32 s7, s8;
	[dreg:$0x0] =	wrdreg $0x0  }
0xac: {  	s8 =	sshll.u32 s28, $0x1;
	[dreg:$0x2] =	wrdreg s7  }
0xad: {  	[dreg:$0x3] =	wrdreg s8  }
0xae: {  	[dreg:$0x4] =	wrdreg $0xC0  }
0xaf: {  	_ =	task [dreg:s11], $0x5FFFF  }
0xb0: {  	[dreg:$0x1] =	wrdreg $0xFFFFFFFF  }
0xb1: {  	[dreg:$0x0] =	wrdreg $0x60  }
0xb2: {  	[dreg:$0x2] =	wrdreg s2  }
0xb3: {  	[dreg:$0x3] =	wrdreg s19  }
0xb4: {  	[dreg:$0x4] =	wrdreg s4  }
0xb5: {  	[dreg:$0x5] =	wrdreg s5  }
0xb6: {  	[dreg:$0x6] =	wrdreg s6  }
0xb7: {  	[dreg:$0x7] =	wrdreg $0x9  }
0xb8: {  	_ =	task.clear_ibuf [dreg:s11], $0x8FFFF;
	_ =	strace $0x90000046  }
0xb9: {  	s29 =	simm.s32 $0x9;
	_ =	strace $0x80000048  }
0xba: {  	_ =	swait.ge [sflag:s29], $0x1  }
0xbb: {  	[sflag:s29] =	ssyncadd.s32 $0xFFFFFFFF  }
0xbc: {  	_ =	strace $0x90000048  }
0xbd: {  	_ =	sfence  }
0xbe: {  	s30 =	sld [smem:$0x0];
	_ =	sdelay $0x2  }
0xbf: {  	s31 =	sshll.u32 s1, $0xD;
	s1 =	sshrl.u32 s1, $0x2  }
0xc0: {  	s3 =	sand.u32 $0x4000, s31;
	s1 =	sadd.s32 s1, s30  }
0xc1: {  	s0 =	sor.u32 s3, s0;
	s1 =	sshll.u32 s1, $0x11  }
0xc2: {  	s0 =	sor.u32 s1, s0  }
0xc3: {  	s0 =	sadd.s32 $0x8F2B, s0  }
0xc4: {  	[sflag:s0] =	ssyncadd.remote.s32 $0x1  }
0xc5: {  	_ =	sfence.sel $0xFFFF  }
0xc6: {  	[dreg:$0x0] =	wrdreg $0xFFFFFFFF;
	(pc) =	sbr.abs _section_cstart, $3  }
0xc7: {  	[dreg:$0x1] =	wrdreg $0xFFFFFFFF  }
0xc8: {  	_ =	task.clear_ibuf [dreg:s11], $0x2FFFF;
	_ =	strace $0x9FFFFFFF  }
0xc9: {  	(tm) =	ssettm $0x7FFFFFFF  }
tec
execute0_lowered:
.L_overlay_start_1:
0x0: {  	(tag) =	ssettag $0x1  }
0x1: {  	s3 =	rddreg [dreg:$0x0]  }
0x2: {  	s4 =	rddreg [dreg:$0x1]  }
0x3: {  	s0 =	rddreg [dreg:$0x2]  }
0x4: {  	s20 =	rddreg [dreg:$0x3]  }
0x5: {  	s5 =	rddreg [dreg:$0x4]  }
0x6: {  	[dreg:$0x6] =	wrdreg s0  }
0x7: {  	[dreg:$0x7] =	wrdreg s20  }
0x8: {  	s1 =	simm.s32 $0x0;
	s0 =	rddreg [dreg:$0x5]  }
0x9: {  	s2 =	simm.s32 $0x4400;
	[smem:$0x7FF] =	sst s1  }
0xa: {  	s21 =	simm.s32 $0xC400;
	_ =	strace $0x80000047;
	[dreg:$0x8] =	wrdreg s2  }
0xb: {  	s22 =	simm.s32 $0x800;
	[dreg:$0x9] =	wrdreg s21  }
0xc: {  	s23 =	simm.s32 $0x4800;
	[dreg:$0xa] =	wrdreg s22  }
0xd: {  	s24 =	simm.s32 $0x8800;
	[dreg:$0xb] =	wrdreg s23  }
0xe: {  	s25 =	simm.s32 $0xC800;
	[dreg:$0xc] =	wrdreg s24  }
0xf: {  	s26 =	simm.s32 $0xC00;
	[dreg:$0xd] =	wrdreg s25  }
0x10: {  	s28 =	simm.s32 $0x4C00;
	[dreg:$0xe] =	wrdreg s26  }
0x11: {  	s29 =	simm.s32 $0x8C00;
	[dreg:$0xf] =	wrdreg s28  }
0x12: {  	s30 =	simm.s32 $0xCC00;
	[dreg:$0x10] =	wrdreg s29  }
0x13: {  	s31 =	simm.s32 $0x1000;
	[dreg:$0x11] =	wrdreg s30  }
0x14: {  	s6 =	simm.s32 $0x5000;
	[dreg:$0x12] =	wrdreg s31  }
0x15: {  	s7 =	simm.s32 $0x9000;
	[dreg:$0x13] =	wrdreg s6  }
0x16: {  	s8 =	simm.s32 $0xD000;
	[dreg:$0x14] =	wrdreg s7  }
0x17: {  	s9 =	simm.s32 $0x1400;
	[dreg:$0x15] =	wrdreg s8  }
0x18: {  	s10 =	simm.s32 $0x5400;
	[dreg:$0x16] =	wrdreg s9  }
0x19: {  	s11 =	simm.s32 $0x9400;
	[dreg:$0x17] =	wrdreg s10  }
0x1a: {  	s12 =	simm.s32 $0xD400;
	[dreg:$0x18] =	wrdreg s11  }
0x1b: {  	s13 =	simm.s32 $0x1800;
	[dreg:$0x19] =	wrdreg s12  }
0x1c: {  	s14 =	simm.s32 $0x5800;
	[dreg:$0x1a] =	wrdreg s13  }
0x1d: {  	s15 =	simm.s32 $0x9800;
	[dreg:$0x1b] =	wrdreg s14  }
0x1e: {  	s16 =	simm.s32 $0xD800;
	[dreg:$0x1c] =	wrdreg s15  }
0x1f: {  	s17 =	simm.s32 $0x1C00;
	[dreg:$0x1d] =	wrdreg s16  }
0x20: {  	s18 =	simm.s32 $0x5C00;
	[dreg:$0x1e] =	wrdreg s17  }
0x21: {  	s19 =	simm.s32 $0x9C00;
	[dreg:$0x1f] =	wrdreg s18  }
0x22: {  	s20 =	simm.s32 $0xDC00;
	[smem:$0x7D8] =	sst s19  }
0x23: {  	[smem:$0x7D9] =	sst s20;
	s21 =	simm.s32 $0x2000  }
0x24: {  	s22 =	simm.s32 $0x6000;
	[smem:$0x7DA] =	sst s21  }
0x25: {  	s23 =	simm.s32 $0xA000;
	[smem:$0x7DB] =	sst s22  }
0x26: {  	s24 =	simm.s32 $0xE000;
	[smem:$0x7DC] =	sst s23  }
0x27: {  	s25 =	simm.s32 $0x2400;
	[smem:$0x7DD] =	sst s24  }
0x28: {  	s26 =	simm.s32 $0x6400;
	[smem:$0x7DE] =	sst s25  }
0x29: {  	s28 =	simm.s32 $0xA400;
	[smem:$0x7DF] =	sst s26  }
0x2a: {  	s29 =	simm.s32 $0xE400;
	[smem:$0x7E0] =	sst s28  }
0x2b: {  	s30 =	simm.s32 $0x2800;
	[smem:$0x7E1] =	sst s29  }
0x2c: {  	s31 =	simm.s32 $0x6800;
	[smem:$0x7E2] =	sst s30  }
0x2d: {  	s6 =	simm.s32 $0xA800;
	[smem:$0x7E3] =	sst s31  }
0x2e: {  	s7 =	simm.s32 $0xE800;
	[smem:$0x7E4] =	sst s6  }
0x2f: {  	s8 =	simm.s32 $0x2C00;
	[smem:$0x7E5] =	sst s7  }
0x30: {  	s9 =	simm.s32 $0x6C00;
	[smem:$0x7E6] =	sst s8  }
0x31: {  	s10 =	simm.s32 $0xEC00;
	[smem:$0x7E7] =	sst s9  }
0x32: {  	s11 =	simm.s32 $0x3000;
	[smem:$0x7E9] =	sst s10  }
0x33: {  	s12 =	simm.s32 $0x7000;
	[smem:$0x7EA] =	sst s11  }
0x34: {  	s13 =	simm.s32 $0xB000;
	[smem:$0x7EB] =	sst s12  }
0x35: {  	s14 =	simm.s32 $0xF000;
	[smem:$0x7EC] =	sst s13  }
0x36: {  	s16 =	simm.s32 $0x3400;
	[smem:$0x7ED] =	sst s14  }
0x37: {  	s17 =	simm.s32 $0x7400;
	[smem:$0x7EE] =	sst s16  }
0x38: {  	s19 =	simm.s32 $0xB400;
	[smem:$0x7EF] =	sst s17  }
0x39: {  	s20 =	simm.s32 $0xF400;
	[smem:$0x7F0] =	sst s19  }
0x3a: {  	s7 =	simm.s32 $0xAC00;
	[smem:$0x7F1] =	sst s20  }
0x3b: {  	s21 =	simm.s32 $0x3800;
	[smem:$0x7E8] =	sst s7  }
0x3c: {  	s22 =	simm.s32 $0x7800;
	[smem:$0x7F2] =	sst s21  }
0x3d: {  	s23 =	simm.s32 $0xB800;
	[smem:$0x7F3] =	sst s22  }
0x3e: {  	s24 =	simm.s32 $0xF800;
	[smem:$0x7F4] =	sst s23  }
0x3f: {  	s25 =	simm.s32 $0x3C00;
	[smem:$0x7F5] =	sst s24  }
0x40: {  	s2 =	stileid.u32;
	s26 =	simm.s32 $0x7C00;
	[smem:$0x7F6] =	sst s25  }
0x41: {  	s6 =	srdreg.scid;
	s28 =	simm.s32 $0xBC00;
	[smem:$0x7F7] =	sst s26  }
0x42: {  	s15 =	sshll.u32 s2, $0x1;
	s29 =	simm.s32 $0xFC00;
	[smem:$0x7F8] =	sst s28  }
0x43: {  	s18 =	sshll.u32 s2, $0x7;
	s30 =	simm.s32 $0x4000;
	[smem:$0x7F9] =	sst s29  }
0x44: {  	s31 =	simm.s32 $0x8000;
	s11 =	simm.s32 $0xC000;
	[smem:$0x7FA] =	sst s30  }
0x45: {  	s12 =	simm.s32 $0x10000;
	s13 =	simm.s32 $0x2;
	[smem:$0x7FB] =	sst s31  }
0x46: {  	v0 =	vlaneseq.u32;
	s14 =	simm.s32 $0x10400;
	s6 =	sand.u32 $0x1, s6;
	[smem:$0x7FC] =	sst s11  }
0x47: {  	v0 =	vmul.u32 $0x400, v0;
	s7 =	simm.s32 $0x100;
	s11 =	simm.s32 $0x8400;
	[smem:$0x7FD] =	sst s12  }
0x48: {  	s12 =	simm.s32 $0x1;
	s8 =	ssub.s32 $0x2, s6;
	s6 =	sor.u32 s6, s15  }
0x49: {  	v1 =	vor.u32 $0x80, v0;
	v2 =	vor.u32 $0x100, v0;
	v3 =	vor.u32 $0x180, v0;
	s9 =	sshrl.u32 s8, $0x1;
	s10 =	sshll.u32 s6, $0x5;
	s6 =	sshll.u32 s6, $0x6  }
0x4a: {  	v4 =	vor.u32 $0x200, v0;
	v5 =	vor.u32 $0x280, v0;
	v6 =	vor.u32 $0x300, v0;
	s8 =	ssub.s32 s8, s9;
	s9 =	sand.u32 $0x700, s18;
	s10 =	sand.u32 $0x60, s10  }
0x4b: {  	v7 =	vor.u32 $0x380, v0;
	v8 =	vor.u32 $0x4000, v0;
	v9 =	vor.u32 $0x4080, v0;
	s15 =	simm.s32 $0x0;
	s5 =	sadd.s32 s5, s6;
	s9 =	sor.u32 s9, s10  }
0x4c: {  	v10 =	vor.u32 $0x4100, v0;
	v11 =	vor.u32 $0x4180, v0;
	v12 =	vor.u32 $0x4200, v0;
	s6 =	smax.u32 s8, $0x1;
	s8 =	simm.s32 $0x400;
	s10 =	simm.s32 $0x200  }
0x4d: {  	v13 =	vor.u32 $0x4280, v0;
	v14 =	vor.u32 $0x4300, v0;
	v15 =	vor.u32 $0x4380, v0;
	s3 =	sadd.s32 s3, s9;
	s4 =	sadd.s32 s4, s9;
	s9 =	simm.s32 $0x3  }
.LBB2_1:
0x4e: {  	[tilespmem:s1], [sflag:$0x3] =	stream.strided.gather [hbm4b:s3+s7], $0x200, s8, s7, $0x38;
	[tilespmem:$0x10600] =	vst v63  }
0x4f: {  	_ =	swait.ge [sflag:s9], $0x200  }
0x50: {  	[sflag:s9] =	ssyncset.done $0x0  }
0x51: {  	[sflag:s9] =	ssyncadd.s32 $0xFFFFFE00  }
0x52: {  	[tilespmem:s10], [sflag:$0x3] =	stream.strided.gather [hbm4b:s4+s7], $0x200, s8, s7, $0x38;
	[tilespmem:$0x10600] =	vst v63  }
0x53: {  	s16 =	sand.u32 $0x80, s1;
	s17 =	sand.u32 $0x100, s1;
	_ =	swait.ge [sflag:s9], $0x200  }
0x54: {  	s18 =	sand.u32 $0x70, s1;
	s16 =	sor.u32 s16, s17;
	[sflag:s9] =	ssyncset.done $0x0  }
0x55: {  	s16 =	sor.u32 s18, s16;
	[sflag:s9] =	ssyncadd.s32 $0xFFFFFE00  }
0x56: {  	v16 =	vld [tilespmem:s16+$0x200];
	_ =	sdelay $0x3  }
0x57: {  	v17 =	vld [tilespmem:s16+$0x0]  }
0x58: {  	s18 =	rddreg [dreg:$0x6];
	v18 =	vand.u32 $0xFFFFFF80, v16  }
0x59: {  	v19 =	vadd.s32 s18, v18  }
0x5a: {  	(v2sf) =	vpush v19, $0x0;
	_ =	sdelay $0x1  }
0x5b: {  	s19 =	rddreg [dreg:$0x7];
	v18 =	vand.u32 $0xFFFFFF80, v17  }
0x5c: {  	v18 =	vadd.s32 s19, v18  }
0x5d: {  	(v2sf) =	vpush v18, $0x0;
	_ =	sdelay $0x3  }
0x5e: {  	(v2sf) =	vpush v19, $0x1;
	_ =	sdelay $0x3  }
0x5f: {  	(v2sf) =	vpush v18, $0x1;
	_ =	sdelay $0x2  }
0x60: {  	s21 =	spop (v2sf)  }
0x61: {  	(v2sf) =	vpush v19, $0x2;
	[tilespmem:s8], [sflag:$0x1] =	stream.linear.gather [hbm4b:s21+s1], $0x400, $0x38;
	[tilespmem:$0x10600] =	vst v63  }
0x62: {  	s20 =	rddreg [dreg:$0x8];
	s17 =	sadd.s32 $0xF4280, s21  }
0x63: {  	[tilespmem:s20], [sflag:$0x1] =	stream.linear.gather [hbm4b:s17+s1], $0x400, $0x38;
	[tilespmem:$0x10600] =	vst v63  }
0x64: {  	s22 =	rddreg [dreg:$0x9];
	s23 =	spop (v2sf)  }
0x65: {  	(v2sf) =	vpush v18, $0x2;
	[tilespmem:s11], [sflag:$0x2] =	stream.linear.gather [hbm4b:s23+s1], $0x400, $0x38;
	[tilespmem:$0x10600] =	vst v63  }
0x66: {  	s24 =	rddreg [dreg:$0xa];
	s17 =	sadd.s32 $0xF4280, s23  }
0x67: {  	[tilespmem:s22], [sflag:$0x2] =	stream.linear.gather [hbm4b:s17+s1], $0x400, $0x38;
	[tilespmem:$0x10600] =	vst v63  }
0x68: {  	s25 =	rddreg [dreg:$0xb];
	s26 =	spop (v2sf)  }
0x69: {  	(v2sf) =	vpush v19, $0x3;
	[tilespmem:s24], [sflag:$0x1] =	stream.linear.gather [hbm4b:s26+s1], $0x400, $0x38;
	[tilespmem:$0x10600] =	vst v63  }
0x6a: {  	s28 =	rddreg [dreg:$0xc];
	s17 =	sadd.s32 $0xF4280, s26  }
0x6b: {  	[tilespmem:s25], [sflag:$0x1] =	stream.linear.gather [hbm4b:s17+s1], $0x400, $0x38;
	[tilespmem:$0x10600] =	vst v63  }
0x6c: {  	s29 =	rddreg [dreg:$0xd];
	s30 =	spop (v2sf)  }
0x6d: {  	(v2sf) =	vpush v18, $0x3;
	[tilespmem:s28], [sflag:$0x2] =	stream.linear.gather [hbm4b:s30+s1], $0x400, $0x38;
	[tilespmem:$0x10600] =	vst v63  }
0x6e: {  	s31 =	rddreg [dreg:$0xe];
	s17 =	sadd.s32 $0xF4280, s30  }
0x6f: {  	[tilespmem:s29], [sflag:$0x2] =	stream.linear.gather [hbm4b:s17+s1], $0x400, $0x38;
	[tilespmem:$0x10600] =	vst v63  }
0x70: {  	s19 =	rddreg [dreg:$0xf];
	s20 =	spop (v2sf)  }
0x71: {  	(v2sf) =	vpush v19, $0x4;
	[tilespmem:s31], [sflag:$0x1] =	stream.linear.gather [hbm4b:s20+s1], $0x400, $0x38;
	[tilespmem:$0x10600] =	vst v63  }
0x72: {  	s21 =	rddreg [dreg:$0x10];
	s17 =	sadd.s32 $0xF4280, s20  }
0x73: {  	[tilespmem:s19], [sflag:$0x1] =	stream.linear.gather [hbm4b:s17+s1], $0x400, $0x38;
	[tilespmem:$0x10600] =	vst v63  }
0x74: {  	s22 =	rddreg [dreg:$0x11];
	s23 =	spop (v2sf)  }
0x75: {  	(v2sf) =	vpush v18, $0x4;
	[tilespmem:s21], [sflag:$0x2] =	stream.linear.gather [hbm4b:s23+s1], $0x400, $0x38;
	[tilespmem:$0x10600] =	vst v63  }
0x76: {  	s24 =	rddreg [dreg:$0x12];
	s17 =	sadd.s32 $0xF4280, s23  }
0x77: {  	[tilespmem:s22], [sflag:$0x2] =	stream.linear.gather [hbm4b:s17+s1], $0x400, $0x38;
	[tilespmem:$0x10600] =	vst v63  }
0x78: {  	s25 =	rddreg [dreg:$0x13];
	s26 =	spop (v2sf)  }
0x79: {  	(v2sf) =	vpush v19, $0x5;
	[tilespmem:s24], [sflag:$0x1] =	stream.linear.gather [hbm4b:s26+s1], $0x400, $0x38;
	[tilespmem:$0x10600] =	vst v63  }
0x7a: {  	s28 =	rddreg [dreg:$0x14];
	s17 =	sadd.s32 $0xF4280, s26  }
0x7b: {  	[tilespmem:s25], [sflag:$0x1] =	stream.linear.gather [hbm4b:s17+s1], $0x400, $0x38;
	[tilespmem:$0x10600] =	vst v63  }
0x7c: {  	s29 =	rddreg [dreg:$0x15];
	s30 =	spop (v2sf)  }
0x7d: {  	(v2sf) =	vpush v18, $0x5;
	[tilespmem:s28], [sflag:$0x2] =	stream.linear.gather [hbm4b:s30+s1], $0x400, $0x38;
	[tilespmem:$0x10600] =	vst v63  }
0x7e: {  	s31 =	rddreg [dreg:$0x16];
	s17 =	sadd.s32 $0xF4280, s30  }
0x7f: {  	[tilespmem:s29], [sflag:$0x2] =	stream.linear.gather [hbm4b:s17+s1], $0x400, $0x38;
	[tilespmem:$0x10600] =	vst v63  }
0x80: {  	s19 =	rddreg [dreg:$0x17];
	s20 =	spop (v2sf)  }
0x81: {  	(v2sf) =	vpush v19, $0x6;
	[tilespmem:s31], [sflag:$0x1] =	stream.linear.gather [hbm4b:s20+s1], $0x400, $0x38;
	[tilespmem:$0x10600] =	vst v63  }
0x82: {  	s21 =	rddreg [dreg:$0x18];
	s17 =	sadd.s32 $0xF4280, s20  }
0x83: {  	[tilespmem:s19], [sflag:$0x1] =	stream.linear.gather [hbm4b:s17+s1], $0x400, $0x38;
	[tilespmem:$0x10600] =	vst v63  }
0x84: {  	s22 =	rddreg [dreg:$0x19];
	s23 =	spop (v2sf)  }
0x85: {  	(v2sf) =	vpush v18, $0x6;
	[tilespmem:s21], [sflag:$0x2] =	stream.linear.gather [hbm4b:s23+s1], $0x400, $0x38;
	[tilespmem:$0x10600] =	vst v63  }
0x86: {  	s24 =	rddreg [dreg:$0x1a];
	s17 =	sadd.s32 $0xF4280, s23  }
0x87: {  	[tilespmem:s22], [sflag:$0x2] =	stream.linear.gather [hbm4b:s17+s1], $0x400, $0x38;
	[tilespmem:$0x10600] =	vst v63  }
0x88: {  	s25 =	rddreg [dreg:$0x1b];
	s26 =	spop (v2sf)  }
0x89: {  	(v2sf) =	vpush v19, $0x7;
	[tilespmem:s24], [sflag:$0x1] =	stream.linear.gather [hbm4b:s26+s1], $0x400, $0x38;
	[tilespmem:$0x10600] =	vst v63  }
0x8a: {  	s28 =	rddreg [dreg:$0x1c];
	s17 =	sadd.s32 $0xF4280, s26  }
0x8b: {  	[tilespmem:s25], [sflag:$0x1] =	stream.linear.gather [hbm4b:s17+s1], $0x400, $0x38;
	[tilespmem:$0x10600] =	vst v63  }
0x8c: {  	s29 =	rddreg [dreg:$0x1d];
	s30 =	spop (v2sf)  }
0x8d: {  	(v2sf) =	vpush v18, $0x7;
	[tilespmem:s28], [sflag:$0x2] =	stream.linear.gather [hbm4b:s30+s1], $0x400, $0x38;
	[tilespmem:$0x10600] =	vst v63  }
0x8e: {  	s31 =	rddreg [dreg:$0x1e];
	s17 =	sadd.s32 $0xF4280, s30  }
0x8f: {  	[tilespmem:s29], [sflag:$0x2] =	stream.linear.gather [hbm4b:s17+s1], $0x400, $0x38;
	[tilespmem:$0x10600] =	vst v63  }
0x90: {  	s19 =	rddreg [dreg:$0x1f];
	s20 =	spop (v2sf)  }
0x91: {  	(v2sf) =	vpush v19, $0x8;
	[tilespmem:s31], [sflag:$0x1] =	stream.linear.gather [hbm4b:s20+s1], $0x400, $0x38;
	[tilespmem:$0x10600] =	vst v63  }
0x92: {  	s21 =	sld [smem:$0x7D8];
	s17 =	sadd.s32 $0xF4280, s20  }
0x93: {  	[tilespmem:s19], [sflag:$0x1] =	stream.linear.gather [hbm4b:s17+s1], $0x400, $0x38;
	[tilespmem:$0x10600] =	vst v63  }
0x94: {  	s22 =	sld [smem:$0x7D9];
	s23 =	spop (v2sf)  }
0x95: {  	(v2sf) =	vpush v18, $0x8;
	[tilespmem:s21], [sflag:$0x2] =	stream.linear.gather [hbm4b:s23+s1], $0x400, $0x38;
	[tilespmem:$0x10600] =	vst v63  }
0x96: {  	s24 =	sld [smem:$0x7DA];
	s17 =	sadd.s32 $0xF4280, s23  }
0x97: {  	[tilespmem:s22], [sflag:$0x2] =	stream.linear.gather [hbm4b:s17+s1], $0x400, $0x38;
	[tilespmem:$0x10600] =	vst v63  }
0x98: {  	s25 =	sld [smem:$0x7DB];
	s26 =	spop (v2sf)  }
0x99: {  	(v2sf) =	vpush v19, $0x9;
	[tilespmem:s24], [sflag:$0x1] =	stream.linear.gather [hbm4b:s26+s1], $0x400, $0x38;
	[tilespmem:$0x10600] =	vst v63  }
0x9a: {  	s28 =	sld [smem:$0x7DC];
	s17 =	sadd.s32 $0xF4280, s26  }
0x9b: {  	[tilespmem:s25], [sflag:$0x1] =	stream.linear.gather [hbm4b:s17+s1], $0x400, $0x38;
	[tilespmem:$0x10600] =	vst v63  }
0x9c: {  	s29 =	sld [smem:$0x7DD];
	s30 =	spop (v2sf)  }
0x9d: {  	(v2sf) =	vpush v18, $0x9;
	[tilespmem:s28], [sflag:$0x2] =	stream.linear.gather [hbm4b:s30+s1], $0x400, $0x38;
	[tilespmem:$0x10600] =	vst v63  }
0x9e: {  	s31 =	sld [smem:$0x7DE];
	s17 =	sadd.s32 $0xF4280, s30  }
0x9f: {  	[tilespmem:s29], [sflag:$0x2] =	stream.linear.gather [hbm4b:s17+s1], $0x400, $0x38;
	[tilespmem:$0x10600] =	vst v63  }
0xa0: {  	s19 =	sld [smem:$0x7DF];
	s20 =	spop (v2sf)  }
0xa1: {  	(v2sf) =	vpush v19, $0xA;
	[tilespmem:s31], [sflag:$0x1] =	stream.linear.gather [hbm4b:s20+s1], $0x400, $0x38;
	[tilespmem:$0x10600] =	vst v63  }
0xa2: {  	s21 =	sld [smem:$0x7E0];
	s17 =	sadd.s32 $0xF4280, s20  }
0xa3: {  	[tilespmem:s19], [sflag:$0x1] =	stream.linear.gather [hbm4b:s17+s1], $0x400, $0x38;
	[tilespmem:$0x10600] =	vst v63  }
0xa4: {  	s22 =	sld [smem:$0x7E1];
	s23 =	spop (v2sf)  }
0xa5: {  	(v2sf) =	vpush v18, $0xA;
	[tilespmem:s21], [sflag:$0x2] =	stream.linear.gather [hbm4b:s23+s1], $0x400, $0x38;
	[tilespmem:$0x10600] =	vst v63  }
0xa6: {  	s24 =	sld [smem:$0x7E2];
	s17 =	sadd.s32 $0xF4280, s23  }
0xa7: {  	[tilespmem:s22], [sflag:$0x2] =	stream.linear.gather [hbm4b:s17+s1], $0x400, $0x38;
	[tilespmem:$0x10600] =	vst v63  }
0xa8: {  	s25 =	sld [smem:$0x7E3];
	s26 =	spop (v2sf)  }
0xa9: {  	(v2sf) =	vpush v19, $0xB;
	[tilespmem:s24], [sflag:$0x1] =	stream.linear.gather [hbm4b:s26+s1], $0x400, $0x38;
	[tilespmem:$0x10600] =	vst v63  }
0xaa: {  	s28 =	sld [smem:$0x7E4];
	s17 =	sadd.s32 $0xF4280, s26  }
0xab: {  	[tilespmem:s25], [sflag:$0x1] =	stream.linear.gather [hbm4b:s17+s1], $0x400, $0x38;
	[tilespmem:$0x10600] =	vst v63  }
0xac: {  	s29 =	sld [smem:$0x7E5];
	s30 =	spop (v2sf)  }
0xad: {  	(v2sf) =	vpush v18, $0xB;
	[tilespmem:s28], [sflag:$0x2] =	stream.linear.gather [hbm4b:s30+s1], $0x400, $0x38;
	[tilespmem:$0x10600] =	vst v63  }
0xae: {  	s31 =	sld [smem:$0x7E6];
	s17 =	sadd.s32 $0xF4280, s30  }
0xaf: {  	[tilespmem:s29], [sflag:$0x2] =	stream.linear.gather [hbm4b:s17+s1], $0x400, $0x38;
	[tilespmem:$0x10600] =	vst v63  }
0xb0: {  	s19 =	sld [smem:$0x7E7];
	s20 =	spop (v2sf)  }
0xb1: {  	(v2sf) =	vpush v19, $0xC;
	[tilespmem:s31], [sflag:$0x1] =	stream.linear.gather [hbm4b:s20+s1], $0x400, $0x38;
	[tilespmem:$0x10600] =	vst v63  }
0xb2: {  	s21 =	sld [smem:$0x7E8];
	s17 =	sadd.s32 $0xF4280, s20  }
0xb3: {  	[tilespmem:s19], [sflag:$0x1] =	stream.linear.gather [hbm4b:s17+s1], $0x400, $0x38;
	[tilespmem:$0x10600] =	vst v63  }
0xb4: {  	s22 =	sld [smem:$0x7E9];
	s23 =	spop (v2sf)  }
0xb5: {  	(v2sf) =	vpush v18, $0xC;
	[tilespmem:s21], [sflag:$0x2] =	stream.linear.gather [hbm4b:s23+s1], $0x400, $0x38;
	[tilespmem:$0x10600] =	vst v63  }
0xb6: {  	s24 =	sld [smem:$0x7EA];
	s17 =	sadd.s32 $0xF4280, s23  }
0xb7: {  	[tilespmem:s22], [sflag:$0x2] =	stream.linear.gather [hbm4b:s17+s1], $0x400, $0x38;
	[tilespmem:$0x10600] =	vst v63  }
0xb8: {  	s25 =	sld [smem:$0x7EB];
	s26 =	spop (v2sf)  }
0xb9: {  	(v2sf) =	vpush v19, $0xD;
	[tilespmem:s24], [sflag:$0x1] =	stream.linear.gather [hbm4b:s26+s1], $0x400, $0x38;
	[tilespmem:$0x10600] =	vst v63  }
0xba: {  	s28 =	sld [smem:$0x7EC];
	s17 =	sadd.s32 $0xF4280, s26  }
0xbb: {  	[tilespmem:s25], [sflag:$0x1] =	stream.linear.gather [hbm4b:s17+s1], $0x400, $0x38;
	[tilespmem:$0x10600] =	vst v63  }
0xbc: {  	s30 =	spop (v2sf);
	s29 =	sld [smem:$0x7ED]  }
0xbd: {  	(v2sf) =	vpush v18, $0xD;
	[tilespmem:s28], [sflag:$0x2] =	stream.linear.gather [hbm4b:s30+s1], $0x400, $0x38;
	[tilespmem:$0x10600] =	vst v63  }
0xbe: {  	s31 =	sld [smem:$0x7EE];
	s17 =	sadd.s32 $0xF4280, s30  }
0xbf: {  	[tilespmem:s29], [sflag:$0x2] =	stream.linear.gather [hbm4b:s17+s1], $0x400, $0x38;
	[tilespmem:$0x10600] =	vst v63  }
0xc0: {  	s19 =	sld [smem:$0x7EF];
	s20 =	spop (v2sf)  }
0xc1: {  	(v2sf) =	vpush v19, $0xE;
	[tilespmem:s31], [sflag:$0x1] =	stream.linear.gather [hbm4b:s20+s1], $0x400, $0x38;
	[tilespmem:$0x10600] =	vst v63  }
0xc2: {  	s21 =	sld [smem:$0x7F0];
	s17 =	sadd.s32 $0xF4280, s20  }
0xc3: {  	[tilespmem:s19], [sflag:$0x1] =	stream.linear.gather [hbm4b:s17+s1], $0x400, $0x38;
	[tilespmem:$0x10600] =	vst v63  }
0xc4: {  	s22 =	sld [smem:$0x7F1];
	s23 =	spop (v2sf)  }
0xc5: {  	(v2sf) =	vpush v18, $0xE;
	[tilespmem:s21], [sflag:$0x2] =	stream.linear.gather [hbm4b:s23+s1], $0x400, $0x38;
	[tilespmem:$0x10600] =	vst v63  }
0xc6: {  	s24 =	sld [smem:$0x7F2];
	s17 =	sadd.s32 $0xF4280, s23  }
0xc7: {  	[tilespmem:s22], [sflag:$0x2] =	stream.linear.gather [hbm4b:s17+s1], $0x400, $0x38;
	[tilespmem:$0x10600] =	vst v63  }
0xc8: {  	s25 =	sld [smem:$0x7F3];
	s26 =	spop (v2sf)  }
0xc9: {  	(v2sf) =	vpush v19, $0xF;
	[tilespmem:s24], [sflag:$0x1] =	stream.linear.gather [hbm4b:s26+s1], $0x400, $0x38;
	[tilespmem:$0x10600] =	vst v63  }
0xca: {  	s28 =	sld [smem:$0x7F4];
	s17 =	sadd.s32 $0xF4280, s26  }
0xcb: {  	[tilespmem:s25], [sflag:$0x1] =	stream.linear.gather [hbm4b:s17+s1], $0x400, $0x38;
	[tilespmem:$0x10600] =	vst v63  }
0xcc: {  	s30 =	spop (v2sf);
	s29 =	sld [smem:$0x7F5]  }
0xcd: {  	(v2sf) =	vpush v18, $0xF;
	[tilespmem:s28], [sflag:$0x2] =	stream.linear.gather [hbm4b:s30+s1], $0x400, $0x38;
	[tilespmem:$0x10600] =	vst v63  }
0xce: {  	s31 =	sld [smem:$0x7F6];
	s17 =	sadd.s32 $0xF4280, s30  }
0xcf: {  	[tilespmem:s29], [sflag:$0x2] =	stream.linear.gather [hbm4b:s17+s1], $0x400, $0x38;
	[tilespmem:$0x10600] =	vst v63  }
0xd0: {  	s19 =	sld [smem:$0x7F7];
	s20 =	spop (v2sf)  }
0xd1: {  	[tilespmem:s31], [sflag:$0x1] =	stream.linear.gather [hbm4b:s20+s1], $0x400, $0x38;
	[tilespmem:$0x10600] =	vst v63  }
0xd2: {  	s21 =	sld [smem:$0x7F8];
	s17 =	sadd.s32 $0xF4280, s20  }
0xd3: {  	[tilespmem:s19], [sflag:$0x1] =	stream.linear.gather [hbm4b:s17+s1], $0x400, $0x38;
	[tilespmem:$0x10600] =	vst v63  }
0xd4: {  	s22 =	sld [smem:$0x7F9];
	s23 =	spop (v2sf)  }
0xd5: {  	[tilespmem:s21], [sflag:$0x2] =	stream.linear.gather [hbm4b:s23+s1], $0x400, $0x38;
	[tilespmem:$0x10600] =	vst v63  }
0xd6: {  	s24 =	sld [smem:$0x7FA];
	s17 =	sadd.s32 $0xF4280, s23  }
0xd7: {  	[tilespmem:s22], [sflag:$0x2] =	stream.linear.gather [hbm4b:s17+s1], $0x400, $0x38;
	[tilespmem:$0x10600] =	vst v63  }
0xd8: {  	s25 =	sld [smem:$0x7FB];
	s26 =	spop (v2sf)  }
0xd9: {  	[tilespmem:s24], [sflag:$0x1] =	stream.linear.gather [hbm4b:s26+s1], $0x400, $0x38;
	[tilespmem:$0x10600] =	vst v63  }
0xda: {  	s28 =	sld [smem:$0x7FC];
	s17 =	sadd.s32 $0xF4280, s26  }
0xdb: {  	[tilespmem:s25], [sflag:$0x1] =	stream.linear.gather [hbm4b:s17+s1], $0x400, $0x38;
	[tilespmem:$0x10600] =	vst v63  }
0xdc: {  	s30 =	spop (v2sf);
	s29 =	sld [smem:$0x7FD]  }
0xdd: {  	[tilespmem:s28], [sflag:$0x2] =	stream.linear.gather [hbm4b:s30+s1], $0x400, $0x38;
	[tilespmem:$0x10600] =	vst v63  }
0xde: {  	s17 =	sadd.s32 $0xF4280, s30  }
0xdf: {  	[tilespmem:s29], [sflag:$0x2] =	stream.linear.gather [hbm4b:s17+s1], $0x400, $0x38;
	[tilespmem:$0x10600] =	vst v63  }
0xe0: {  	_ =	swait.ge [sflag:s12], $0x800  }
0xe1: {  	[sflag:s12] =	ssyncset.done $0x0  }
0xe2: {  	[sflag:s12] =	ssyncadd.s32 $0xFFFFF800  }
0xe3: {  	_ =	swait.ge [sflag:s13], $0x800  }
0xe4: {  	[sflag:s13] =	ssyncset.done $0x0  }
0xe5: {  	[sflag:s13] =	ssyncadd.s32 $0xFFFFF800  }
0xe6: {  	_ =	swait.ge [sflag:s12], $0x800  }
0xe7: {  	[sflag:s12] =	ssyncset.done $0x0  }
0xe8: {  	[sflag:s12] =	ssyncadd.s32 $0xFFFFF800  }
0xe9: {  	_ =	swait.ge [sflag:s13], $0x800  }
0xea: {  	[sflag:s13] =	ssyncset.done $0x0  }
0xeb: {  	[sflag:s13] =	ssyncadd.s32 $0xFFFFF800  }
0xec: {  	_ =	swait.ge [sflag:s12], $0x800  }
0xed: {  	[sflag:s12] =	ssyncset.done $0x0  }
0xee: {  	[sflag:s12] =	ssyncadd.s32 $0xFFFFF800  }
0xef: {  	_ =	swait.ge [sflag:s13], $0x800  }
0xf0: {  	[sflag:s13] =	ssyncset.done $0x0  }
0xf1: {  	[sflag:s13] =	ssyncadd.s32 $0xFFFFF800  }
0xf2: {  	_ =	swait.ge [sflag:s12], $0x800  }
0xf3: {  	[sflag:s12] =	ssyncset.done $0x0  }
0xf4: {  	[sflag:s12] =	ssyncadd.s32 $0xFFFFF800  }
0xf5: {  	_ =	swait.ge [sflag:s13], $0x800  }
0xf6: {  	[sflag:s13] =	ssyncset.done $0x0  }
0xf7: {  	[sflag:s13] =	ssyncadd.s32 $0xFFFFF800  }
0xf8: {  	_ =	swait.ge [sflag:s12], $0x800  }
0xf9: {  	[sflag:s12] =	ssyncset.done $0x0  }
0xfa: {  	[sflag:s12] =	ssyncadd.s32 $0xFFFFF800  }
0xfb: {  	_ =	swait.ge [sflag:s13], $0x800  }
0xfc: {  	[sflag:s13] =	ssyncset.done $0x0  }
0xfd: {  	[sflag:s13] =	ssyncadd.s32 $0xFFFFF800  }
0xfe: {  	_ =	swait.ge [sflag:s12], $0x800  }
0xff: {  	[sflag:s12] =	ssyncset.done $0x0  }
0x100: {  	[sflag:s12] =	ssyncadd.s32 $0xFFFFF800  }
0x101: {  	_ =	swait.ge [sflag:s13], $0x800  }
0x102: {  	[sflag:s13] =	ssyncset.done $0x0  }
0x103: {  	[sflag:s13] =	ssyncadd.s32 $0xFFFFF800  }
0x104: {  	_ =	swait.ge [sflag:s12], $0x800  }
0x105: {  	[sflag:s12] =	ssyncset.done $0x0  }
0x106: {  	[sflag:s12] =	ssyncadd.s32 $0xFFFFF800  }
0x107: {  	_ =	swait.ge [sflag:s13], $0x800  }
0x108: {  	[sflag:s13] =	ssyncset.done $0x0  }
0x109: {  	[sflag:s13] =	ssyncadd.s32 $0xFFFFF800  }
0x10a: {  	_ =	swait.ge [sflag:s12], $0x800  }
0x10b: {  	[sflag:s12] =	ssyncset.done $0x0  }
0x10c: {  	[sflag:s12] =	ssyncadd.s32 $0xFFFFF800  }
0x10d: {  	_ =	swait.ge [sflag:s13], $0x800  }
0x10e: {  	[sflag:s13] =	ssyncset.done $0x0  }
0x10f: {  	[sflag:s13] =	ssyncadd.s32 $0xFFFFF800  }
0x110: {  	_ =	swait.ge [sflag:s12], $0x800  }
0x111: {  	[sflag:s12] =	ssyncset.done $0x0  }
0x112: {  	[sflag:s12] =	ssyncadd.s32 $0xFFFFF800  }
0x113: {  	_ =	swait.ge [sflag:s13], $0x800  }
0x114: {  	[sflag:s13] =	ssyncset.done $0x0  }
0x115: {  	[sflag:s13] =	ssyncadd.s32 $0xFFFFF800  }
0x116: {  	_ =	swait.ge [sflag:s12], $0x800  }
0x117: {  	[sflag:s12] =	ssyncset.done $0x0  }
0x118: {  	[sflag:s12] =	ssyncadd.s32 $0xFFFFF800  }
0x119: {  	_ =	swait.ge [sflag:s13], $0x800  }
0x11a: {  	[sflag:s13] =	ssyncset.done $0x0  }
0x11b: {  	[sflag:s13] =	ssyncadd.s32 $0xFFFFF800  }
0x11c: {  	_ =	swait.ge [sflag:s12], $0x800  }
0x11d: {  	[sflag:s12] =	ssyncset.done $0x0  }
0x11e: {  	[sflag:s12] =	ssyncadd.s32 $0xFFFFF800  }
0x11f: {  	_ =	swait.ge [sflag:s13], $0x800  }
0x120: {  	[sflag:s13] =	ssyncset.done $0x0  }
0x121: {  	[sflag:s13] =	ssyncadd.s32 $0xFFFFF800  }
0x122: {  	_ =	swait.ge [sflag:s12], $0x800  }
0x123: {  	[sflag:s12] =	ssyncset.done $0x0  }
0x124: {  	[sflag:s12] =	ssyncadd.s32 $0xFFFFF800  }
0x125: {  	_ =	swait.ge [sflag:s13], $0x800  }
0x126: {  	[sflag:s13] =	ssyncset.done $0x0  }
0x127: {  	[sflag:s13] =	ssyncadd.s32 $0xFFFFF800  }
0x128: {  	_ =	swait.ge [sflag:s12], $0x800  }
0x129: {  	[sflag:s12] =	ssyncset.done $0x0  }
0x12a: {  	[sflag:s12] =	ssyncadd.s32 $0xFFFFF800  }
0x12b: {  	_ =	swait.ge [sflag:s13], $0x800  }
0x12c: {  	[sflag:s13] =	ssyncset.done $0x0  }
0x12d: {  	[sflag:s13] =	ssyncadd.s32 $0xFFFFF800  }
0x12e: {  	_ =	swait.ge [sflag:s12], $0x800  }
0x12f: {  	[sflag:s12] =	ssyncset.done $0x0  }
0x130: {  	[sflag:s12] =	ssyncadd.s32 $0xFFFFF800  }
0x131: {  	_ =	swait.ge [sflag:s13], $0x800  }
0x132: {  	[sflag:s13] =	ssyncset.done $0x0  }
0x133: {  	[sflag:s13] =	ssyncadd.s32 $0xFFFFF800  }
0x134: {  	_ =	swait.ge [sflag:s12], $0x800  }
0x135: {  	[sflag:s12] =	ssyncset.done $0x0  }
0x136: {  	[sflag:s12] =	ssyncadd.s32 $0xFFFFF800  }
0x137: {  	_ =	swait.ge [sflag:s13], $0x800  }
0x138: {  	[sflag:s13] =	ssyncset.done $0x0  }
0x139: {  	[sflag:s13] =	ssyncadd.s32 $0xFFFFF800  }
0x13a: {  	v16 =	vand.u32 $0x7F, v16;
	_ =	swait.ge [sflag:s12], $0x800  }
0x13b: {  	v17 =	vand.u32 $0x7F, v17;
	v18 =	vor.u32 v0, v16;
	[sflag:s12] =	ssyncset.done $0x0  }
0x13c: {  	v19 =	vor.u32 v0, v17;
	[sflag:s12] =	ssyncadd.s32 $0xFFFFF800  }
0x13d: {  	v20 =	vor.u32 v1, v17;
	_ =	swait.ge [sflag:s13], $0x800  }
0x13e: {  	v21 =	vor.u32 v1, v16;
	[sflag:s13] =	ssyncset.done $0x0  }
0x13f: {  	v22 =	vor.u32 v2, v16;
	[sflag:s13] =	ssyncadd.s32 $0xFFFFF800  }
0x140: {  	v23 =	vor.u32 v2, v17;
	v18 =	vld.idx.msk [tilespmem:v18+s8+$0x0], $0xffff  }
0x141: {  	v24 =	vor.u32 v3, v16;
	v19 =	vld.idx.msk [tilespmem:v19+s11+$0x0], $0xffff  }
0x142: {  	v25 =	vor.u32 v3, v17;
	v20 =	vld.idx.msk [tilespmem:v20+s11+$0x0], $0xffff  }
0x143: {  	v26 =	vor.u32 v4, v16;
	v21 =	vld.idx.msk [tilespmem:v21+s8+$0x0], $0xffff  }
0x144: {  	v27 =	vor.u32 v4, v17;
	v22 =	vld.idx.msk [tilespmem:v22+s8+$0x0], $0xffff  }
0x145: {  	v28 =	vor.u32 v5, v16;
	v23 =	vld.idx.msk [tilespmem:v23+s11+$0x0], $0xffff  }
0x146: {  	v29 =	vor.u32 v5, v17;
	v24 =	vld.idx.msk [tilespmem:v24+s8+$0x0], $0xffff;
	v18 =	vmul.f32 v19, v18  }
0x147: {  	v30 =	vor.u32 v6, v17;
	v19 =	vld.idx.msk [tilespmem:v25+s11+$0x0], $0xffff  }
0x148: {  	v37 =	vor.u32 v6, v16;
	v26 =	vld.idx.msk [tilespmem:v26+s8+$0x0], $0xffff;
	v20 =	vmul.f32 v20, v21;
	v18 =	vadd.f32 $0.0e+00, v18  }
0x149: {  	v39 =	vor.u32 v7, v16;
	v38 =	vld.idx.msk [tilespmem:v27+s11+$0x0], $0xffff  }
0x14a: {  	v31 =	vor.u32 v7, v17;
	v28 =	vld.idx.msk [tilespmem:v28+s8+$0x0], $0xffff;
	v22 =	vmul.f32 v23, v22;
	v18 =	vadd.f32 v20, v18  }
0x14b: {  	v42 =	vor.u32 v8, v17;
	v40 =	vld.idx.msk [tilespmem:v29+s11+$0x0], $0xffff  }
0x14c: {  	v41 =	vor.u32 v8, v16;
	v43 =	vld.idx.msk [tilespmem:v30+s11+$0x0], $0xffff;
	v19 =	vmul.f32 v19, v24;
	v18 =	vadd.f32 v22, v18  }
0x14d: {  	v45 =	vor.u32 v9, v17;
	v25 =	vld.idx.msk [tilespmem:v37+s8+$0x0], $0xffff  }
0x14e: {  	v44 =	vor.u32 v9, v16;
	v27 =	vld.idx.msk [tilespmem:v39+s8+$0x0], $0xffff;
	v21 =	vmul.f32 v38, v26;
	v18 =	vadd.f32 v19, v18  }
0x14f: {  	v47 =	vor.u32 v10, v17;
	v19 =	vld.idx.msk [tilespmem:v31+s11+$0x0], $0xffff  }
0x150: {  	v46 =	vor.u32 v10, v16;
	v48 =	vld.idx.msk [tilespmem:v42+s11+$0x0], $0xffff;
	v20 =	vmul.f32 v40, v28;
	v18 =	vadd.f32 v21, v18  }
0x151: {  	v49 =	vor.u32 v11, v16;
	v23 =	vld.idx.msk [tilespmem:v41+s8+$0x0], $0xffff  }
0x152: {  	v50 =	vor.u32 v11, v17;
	v51 =	vld.idx.msk [tilespmem:v45+s11+$0x0], $0xffff;
	v22 =	vmul.f32 v43, v25;
	v18 =	vadd.f32 v20, v18  }
0x153: {  	v53 =	vor.u32 v12, v17;
	v24 =	vld.idx.msk [tilespmem:v44+s8+$0x0], $0xffff  }
0x154: {  	v52 =	vor.u32 v12, v16;
	v54 =	vld.idx.msk [tilespmem:v47+s11+$0x0], $0xffff;
	v19 =	vmul.f32 v19, v27;
	v18 =	vadd.f32 v22, v18  }
0x155: {  	v55 =	vor.u32 v13, v16;
	v26 =	vld.idx.msk [tilespmem:v46+s8+$0x0], $0xffff  }
0x156: {  	v56 =	vor.u32 v13, v17;
	v28 =	vld.idx.msk [tilespmem:v49+s8+$0x0], $0xffff;
	v21 =	vmul.f32 v48, v23;
	v18 =	vadd.f32 v19, v18  }
0x157: {  	v58 =	vor.u32 v14, v17;
	v19 =	vld.idx.msk [tilespmem:v50+s11+$0x0], $0xffff  }
0x158: {  	v57 =	vor.u32 v14, v16;
	v59 =	vld.idx.msk [tilespmem:v53+s11+$0x0], $0xffff;
	v20 =	vmul.f32 v51, v24;
	v18 =	vadd.f32 v21, v18  }
0x159: {  	v16 =	vor.u32 v15, v16;
	v25 =	vld.idx.msk [tilespmem:v52+s8+$0x0], $0xffff  }
0x15a: {  	v17 =	vor.u32 v15, v17;
	v60 =	vld.idx.msk [tilespmem:v55+s8+$0x0], $0xffff;
	v22 =	vmul.f32 v54, v26;
	v18 =	vadd.f32 v20, v18  }
0x15b: {  	v61 =	vld.idx.msk [tilespmem:v56+s11+$0x0], $0xffff  }
0x15c: {  	v62 =	vld.idx.msk [tilespmem:v58+s11+$0x0], $0xffff;
	v19 =	vmul.f32 v19, v28;
	v18 =	vadd.f32 v22, v18  }
0x15d: {  	v23 =	vld.idx.msk [tilespmem:v57+s8+$0x0], $0xffff  }
0x15e: {  	v16 =	vld.idx.msk [tilespmem:v16+s8+$0x0], $0xffff;
	v21 =	vmul.f32 v59, v25;
	v18 =	vadd.f32 v19, v18  }
0x15f: {  	v17 =	vld.idx.msk [tilespmem:v17+s11+$0x0], $0xffff  }
0x160: {  	v19 =	vmul.f32 v61, v60;
	v18 =	vadd.f32 v21, v18;
	_ =	sdelay $0x1  }
0x161: {  	s16 =	simm.s32 $0x10410;
	v63 =	vmul.f32 v62, v23;
	v18 =	vadd.f32 v19, v18  }
0x162: {  	s18 =	simm.s32 $0x10;
	s31 =	simm.s32 $0x8;
	s20 =	simm.s32 $0x20  }
0x163: {  	s19 =	simm.s32 $0x10400;
	s22 =	simm.s32 $0x10;
	s17 =	sand.u32 $0x80, s31;
	v16 =	vmul.f32 v17, v16;
	v17 =	vadd.f32 v63, v18  }
.LBB2_2:
0x164: {  	_ = 	snop  }
0x165: {  	s23 =	sand.u32 $0x80, s22;
	s24 =	sand.u32 $0x100, s20;
	v16 =	vadd.f32 v16, v17  }
0x166: {  	s21 =	smov.u32 s22;
	s25 =	sand.u32 $0x70, s18;
	s17 =	sor.u32 s17, s24  }
0x167: {  	p0 =	sne.s32 s22, $0xF8;
	s21 =	sadd.s32 $0x8, s22;
	s22 =	sor.u32 s25, s17;
	[tilespmem:s19+$0x0] =	vst v16  }
0x168: {  	v16 =	vld [tilespmem:s22+$0x200];
	_ =	sdelay $0x3  }
0x169: {  	v17 =	vld [tilespmem:s22+$0x0]  }
0x16a: {  	s26 =	rddreg [dreg:$0x6];
	v18 =	vand.u32 $0xFFFFFF80, v16  }
0x16b: {  	v19 =	vadd.s32 s26, v18  }
0x16c: {  	(v2sf) =	vpush v19, $0x0;
	_ =	sdelay $0x1  }
0x16d: {  	s28 =	rddreg [dreg:$0x7];
	v18 =	vand.u32 $0xFFFFFF80, v17  }
0x16e: {  	v18 =	vadd.s32 s28, v18  }
0x16f: {  	(v2sf) =	vpush v18, $0x0;
	_ =	sdelay $0x3  }
0x170: {  	(v2sf) =	vpush v19, $0x1;
	_ =	sdelay $0x3  }
0x171: {  	(v2sf) =	vpush v18, $0x1;
	_ =	sdelay $0x2  }
0x172: {  	s30 =	spop (v2sf)  }
0x173: {  	(v2sf) =	vpush v19, $0x2;
	[tilespmem:s8], [sflag:$0x1] =	stream.linear.gather [hbm4b:s30+s1], $0x400, $0x38;
	[tilespmem:$0x10600] =	vst v63  }
0x174: {  	s29 =	rddreg [dreg:$0x8];
	s17 =	smov.u32 s23;
	s23 =	sadd.s32 $0xF4280, s30  }
0x175: {  	[tilespmem:s29], [sflag:$0x1] =	stream.linear.gather [hbm4b:s23+s1], $0x400, $0x38;
	[tilespmem:$0x10600] =	vst v63  }
0x176: {  	s31 =	rddreg [dreg:$0x9];
	s24 =	spop (v2sf)  }
0x177: {  	(v2sf) =	vpush v18, $0x2;
	[tilespmem:s11], [sflag:$0x2] =	stream.linear.gather [hbm4b:s24+s1], $0x400, $0x38;
	[tilespmem:$0x10600] =	vst v63  }
0x178: {  	s25 =	rddreg [dreg:$0xa];
	s23 =	sadd.s32 $0xF4280, s24  }
0x179: {  	[tilespmem:s31], [sflag:$0x2] =	stream.linear.gather [hbm4b:s23+s1], $0x400, $0x38;
	[tilespmem:$0x10600] =	vst v63  }
0x17a: {  	s26 =	rddreg [dreg:$0xb];
	s28 =	spop (v2sf)  }
0x17b: {  	(v2sf) =	vpush v19, $0x3;
	[tilespmem:s25], [sflag:$0x1] =	stream.linear.gather [hbm4b:s28+s1], $0x400, $0x38;
	[tilespmem:$0x10600] =	vst v63  }
0x17c: {  	s30 =	rddreg [dreg:$0xd];
	s23 =	sadd.s32 $0xF4280, s28  }
0x17d: {  	[tilespmem:s26], [sflag:$0x1] =	stream.linear.gather [hbm4b:s23+s1], $0x400, $0x38;
	[tilespmem:$0x10600] =	vst v63  }
0x17e: {  	s29 =	rddreg [dreg:$0xc];
	s31 =	spop (v2sf)  }
0x17f: {  	(v2sf) =	vpush v18, $0x3;
	[tilespmem:s29], [sflag:$0x2] =	stream.linear.gather [hbm4b:s31+s1], $0x400, $0x38;
	[tilespmem:$0x10600] =	vst v63  }
0x180: {  	s25 =	rddreg [dreg:$0xe];
	s23 =	sadd.s32 $0xF4280, s31  }
0x181: {  	[tilespmem:s30], [sflag:$0x2] =	stream.linear.gather [hbm4b:s23+s1], $0x400, $0x38;
	[tilespmem:$0x10600] =	vst v63  }
0x182: {  	s26 =	rddreg [dreg:$0xf];
	s28 =	spop (v2sf)  }
0x183: {  	(v2sf) =	vpush v19, $0x4;
	[tilespmem:s25], [sflag:$0x1] =	stream.linear.gather [hbm4b:s28+s1], $0x400, $0x38;
	[tilespmem:$0x10600] =	vst v63  }
0x184: {  	s29 =	rddreg [dreg:$0x10];
	s23 =	sadd.s32 $0xF4280, s28  }
0x185: {  	[tilespmem:s26], [sflag:$0x1] =	stream.linear.gather [hbm4b:s23+s1], $0x400, $0x38;
	[tilespmem:$0x10600] =	vst v63  }
0x186: {  	s30 =	rddreg [dreg:$0x11];
	s31 =	spop (v2sf)  }
0x187: {  	(v2sf) =	vpush v18, $0x4;
	[tilespmem:s29], [sflag:$0x2] =	stream.linear.gather [hbm4b:s31+s1], $0x400, $0x38;
	[tilespmem:$0x10600] =	vst v63  }
0x188: {  	s25 =	rddreg [dreg:$0x12];
	s23 =	sadd.s32 $0xF4280, s31  }
0x189: {  	[tilespmem:s30], [sflag:$0x2] =	stream.linear.gather [hbm4b:s23+s1], $0x400, $0x38;
	[tilespmem:$0x10600] =	vst v63  }
0x18a: {  	s28 =	spop (v2sf);
	s26 =	rddreg [dreg:$0x13]  }
0x18b: {  	(v2sf) =	vpush v19, $0x5;
	[tilespmem:s25], [sflag:$0x1] =	stream.linear.gather [hbm4b:s28+s1], $0x400, $0x38;
	[tilespmem:$0x10600] =	vst v63  }
0x18c: {  	s29 =	rddreg [dreg:$0x14];
	s23 =	sadd.s32 $0xF4280, s28  }
0x18d: {  	[tilespmem:s26], [sflag:$0x1] =	stream.linear.gather [hbm4b:s23+s1], $0x400, $0x38;
	[tilespmem:$0x10600] =	vst v63  }
0x18e: {  	s31 =	spop (v2sf);
	s30 =	rddreg [dreg:$0x15]  }
0x18f: {  	(v2sf) =	vpush v18, $0x5;
	[tilespmem:s29], [sflag:$0x2] =	stream.linear.gather [hbm4b:s31+s1], $0x400, $0x38;
	[tilespmem:$0x10600] =	vst v63  }
0x190: {  	s25 =	rddreg [dreg:$0x16];
	s23 =	sadd.s32 $0xF4280, s31  }
0x191: {  	[tilespmem:s30], [sflag:$0x2] =	stream.linear.gather [hbm4b:s23+s1], $0x400, $0x38;
	[tilespmem:$0x10600] =	vst v63  }
0x192: {  	s26 =	rddreg [dreg:$0x17];
	s28 =	spop (v2sf)  }
0x193: {  	(v2sf) =	vpush v19, $0x6;
	[tilespmem:s25], [sflag:$0x1] =	stream.linear.gather [hbm4b:s28+s1], $0x400, $0x38;
	[tilespmem:$0x10600] =	vst v63  }
0x194: {  	s29 =	rddreg [dreg:$0x18];
	s23 =	sadd.s32 $0xF4280, s28  }
0x195: {  	[tilespmem:s26], [sflag:$0x1] =	stream.linear.gather [hbm4b:s23+s1], $0x400, $0x38;
	[tilespmem:$0x10600] =	vst v63  }
0x196: {  	s30 =	rddreg [dreg:$0x19];
	s31 =	spop (v2sf)  }
0x197: {  	(v2sf) =	vpush v18, $0x6;
	[tilespmem:s29], [sflag:$0x2] =	stream.linear.gather [hbm4b:s31+s1], $0x400, $0x38;
	[tilespmem:$0x10600] =	vst v63  }
0x198: {  	s25 =	rddreg [dreg:$0x1a];
	s23 =	sadd.s32 $0xF4280, s31  }
0x199: {  	[tilespmem:s30], [sflag:$0x2] =	stream.linear.gather [hbm4b:s23+s1], $0x400, $0x38;
	[tilespmem:$0x10600] =	vst v63  }
0x19a: {  	s28 =	spop (v2sf);
	s26 =	rddreg [dreg:$0x1b]  }
0x19b: {  	(v2sf) =	vpush v19, $0x7;
	[tilespmem:s25], [sflag:$0x1] =	stream.linear.gather [hbm4b:s28+s1], $0x400, $0x38;
	[tilespmem:$0x10600] =	vst v63  }
0x19c: {  	s29 =	rddreg [dreg:$0x1c];
	s23 =	sadd.s32 $0xF4280, s28  }
0x19d: {  	[tilespmem:s26], [sflag:$0x1] =	stream.linear.gather [hbm4b:s23+s1], $0x400, $0x38;
	[tilespmem:$0x10600] =	vst v63  }
0x19e: {  	s31 =	spop (v2sf);
	s30 =	rddreg [dreg:$0x1d]  }
0x19f: {  	(v2sf) =	vpush v18, $0x7;
	[tilespmem:s29], [sflag:$0x2] =	stream.linear.gather [hbm4b:s31+s1], $0x400, $0x38;
	[tilespmem:$0x10600] =	vst v63  }
0x1a0: {  	s25 =	rddreg [dreg:$0x1e];
	s23 =	sadd.s32 $0xF4280, s31  }
0x1a1: {  	[tilespmem:s30], [sflag:$0x2] =	stream.linear.gather [hbm4b:s23+s1], $0x400, $0x38;
	[tilespmem:$0x10600] =	vst v63  }
0x1a2: {  	s26 =	rddreg [dreg:$0x1f];
	s28 =	spop (v2sf)  }
0x1a3: {  	(v2sf) =	vpush v19, $0x8;
	[tilespmem:s25], [sflag:$0x1] =	stream.linear.gather [hbm4b:s28+s1], $0x400, $0x38;
	[tilespmem:$0x10600] =	vst v63  }
0x1a4: {  	s29 =	sld [smem:$0x7D8];
	s23 =	sadd.s32 $0xF4280, s28  }
0x1a5: {  	[tilespmem:s26], [sflag:$0x1] =	stream.linear.gather [hbm4b:s23+s1], $0x400, $0x38;
	[tilespmem:$0x10600] =	vst v63  }
0x1a6: {  	s31 =	spop (v2sf);
	s30 =	sld [smem:$0x7D9]  }
0x1a7: {  	(v2sf) =	vpush v18, $0x8;
	[tilespmem:s29], [sflag:$0x2] =	stream.linear.gather [hbm4b:s31+s1], $0x400, $0x38;
	[tilespmem:$0x10600] =	vst v63  }
0x1a8: {  	s25 =	sld [smem:$0x7DA];
	s23 =	sadd.s32 $0xF4280, s31  }
0x1a9: {  	[tilespmem:s30], [sflag:$0x2] =	stream.linear.gather [hbm4b:s23+s1], $0x400, $0x38;
	[tilespmem:$0x10600] =	vst v63  }
0x1aa: {  	s28 =	spop (v2sf);
	s26 =	sld [smem:$0x7DB]  }
0x1ab: {  	(v2sf) =	vpush v19, $0x9;
	[tilespmem:s25], [sflag:$0x1] =	stream.linear.gather [hbm4b:s28+s1], $0x400, $0x38;
	[tilespmem:$0x10600] =	vst v63  }
0x1ac: {  	s29 =	sld [smem:$0x7DC];
	s23 =	sadd.s32 $0xF4280, s28  }
0x1ad: {  	[tilespmem:s26], [sflag:$0x1] =	stream.linear.gather [hbm4b:s23+s1], $0x400, $0x38;
	[tilespmem:$0x10600] =	vst v63  }
0x1ae: {  	s31 =	spop (v2sf);
	s30 =	sld [smem:$0x7DD]  }
0x1af: {  	(v2sf) =	vpush v18, $0x9;
	[tilespmem:s29], [sflag:$0x2] =	stream.linear.gather [hbm4b:s31+s1], $0x400, $0x38;
	[tilespmem:$0x10600] =	vst v63  }
0x1b0: {  	s25 =	sld [smem:$0x7DE];
	s23 =	sadd.s32 $0xF4280, s31  }
0x1b1: {  	[tilespmem:s30], [sflag:$0x2] =	stream.linear.gather [hbm4b:s23+s1], $0x400, $0x38;
	[tilespmem:$0x10600] =	vst v63  }
0x1b2: {  	s26 =	sld [smem:$0x7DF];
	s28 =	spop (v2sf)  }
0x1b3: {  	(v2sf) =	vpush v19, $0xA;
	[tilespmem:s25], [sflag:$0x1] =	stream.linear.gather [hbm4b:s28+s1], $0x400, $0x38;
	[tilespmem:$0x10600] =	vst v63  }
0x1b4: {  	s29 =	sld [smem:$0x7E0];
	s23 =	sadd.s32 $0xF4280, s28  }
0x1b5: {  	[tilespmem:s26], [sflag:$0x1] =	stream.linear.gather [hbm4b:s23+s1], $0x400, $0x38;
	[tilespmem:$0x10600] =	vst v63  }
0x1b6: {  	s31 =	spop (v2sf);
	s30 =	sld [smem:$0x7E1]  }
0x1b7: {  	(v2sf) =	vpush v18, $0xA;
	[tilespmem:s29], [sflag:$0x2] =	stream.linear.gather [hbm4b:s31+s1], $0x400, $0x38;
	[tilespmem:$0x10600] =	vst v63  }
0x1b8: {  	s25 =	sld [smem:$0x7E2];
	s23 =	sadd.s32 $0xF4280, s31  }
0x1b9: {  	[tilespmem:s30], [sflag:$0x2] =	stream.linear.gather [hbm4b:s23+s1], $0x400, $0x38;
	[tilespmem:$0x10600] =	vst v63  }
0x1ba: {  	s28 =	spop (v2sf);
	s26 =	sld [smem:$0x7E3]  }
0x1bb: {  	(v2sf) =	vpush v19, $0xB;
	[tilespmem:s25], [sflag:$0x1] =	stream.linear.gather [hbm4b:s28+s1], $0x400, $0x38;
	[tilespmem:$0x10600] =	vst v63  }
0x1bc: {  	s29 =	sld [smem:$0x7E4];
	s23 =	sadd.s32 $0xF4280, s28  }
0x1bd: {  	[tilespmem:s26], [sflag:$0x1] =	stream.linear.gather [hbm4b:s23+s1], $0x400, $0x38;
	[tilespmem:$0x10600] =	vst v63  }
0x1be: {  	s31 =	spop (v2sf);
	s30 =	sld [smem:$0x7E5]  }
0x1bf: {  	(v2sf) =	vpush v18, $0xB;
	[tilespmem:s29], [sflag:$0x2] =	stream.linear.gather [hbm4b:s31+s1], $0x400, $0x38;
	[tilespmem:$0x10600] =	vst v63  }
0x1c0: {  	s25 =	sld [smem:$0x7E6];
	s23 =	sadd.s32 $0xF4280, s31  }
0x1c1: {  	[tilespmem:s30], [sflag:$0x2] =	stream.linear.gather [hbm4b:s23+s1], $0x400, $0x38;
	[tilespmem:$0x10600] =	vst v63  }
0x1c2: {  	s26 =	sld [smem:$0x7E7];
	s28 =	spop (v2sf)  }
0x1c3: {  	(v2sf) =	vpush v19, $0xC;
	[tilespmem:s25], [sflag:$0x1] =	stream.linear.gather [hbm4b:s28+s1], $0x400, $0x38;
	[tilespmem:$0x10600] =	vst v63  }
0x1c4: {  	s29 =	sld [smem:$0x7E8];
	s23 =	sadd.s32 $0xF4280, s28  }
0x1c5: {  	[tilespmem:s26], [sflag:$0x1] =	stream.linear.gather [hbm4b:s23+s1], $0x400, $0x38;
	[tilespmem:$0x10600] =	vst v63  }
0x1c6: {  	s31 =	spop (v2sf);
	s30 =	sld [smem:$0x7E9]  }
0x1c7: {  	(v2sf) =	vpush v18, $0xC;
	[tilespmem:s29], [sflag:$0x2] =	stream.linear.gather [hbm4b:s31+s1], $0x400, $0x38;
	[tilespmem:$0x10600] =	vst v63  }
0x1c8: {  	s25 =	sld [smem:$0x7EA];
	s23 =	sadd.s32 $0xF4280, s31  }
0x1c9: {  	[tilespmem:s30], [sflag:$0x2] =	stream.linear.gather [hbm4b:s23+s1], $0x400, $0x38;
	[tilespmem:$0x10600] =	vst v63  }
0x1ca: {  	s28 =	spop (v2sf);
	s26 =	sld [smem:$0x7EB]  }
0x1cb: {  	(v2sf) =	vpush v19, $0xD;
	[tilespmem:s25], [sflag:$0x1] =	stream.linear.gather [hbm4b:s28+s1], $0x400, $0x38;
	[tilespmem:$0x10600] =	vst v63  }
0x1cc: {  	s29 =	sld [smem:$0x7EC];
	s23 =	sadd.s32 $0xF4280, s28  }
0x1cd: {  	[tilespmem:s26], [sflag:$0x1] =	stream.linear.gather [hbm4b:s23+s1], $0x400, $0x38;
	[tilespmem:$0x10600] =	vst v63  }
0x1ce: {  	s31 =	spop (v2sf);
	s30 =	sld [smem:$0x7ED]  }
0x1cf: {  	(v2sf) =	vpush v18, $0xD;
	[tilespmem:s29], [sflag:$0x2] =	stream.linear.gather [hbm4b:s31+s1], $0x400, $0x38;
	[tilespmem:$0x10600] =	vst v63  }
0x1d0: {  	s25 =	sld [smem:$0x7EE];
	s23 =	sadd.s32 $0xF4280, s31  }
0x1d1: {  	[tilespmem:s30], [sflag:$0x2] =	stream.linear.gather [hbm4b:s23+s1], $0x400, $0x38;
	[tilespmem:$0x10600] =	vst v63  }
0x1d2: {  	s28 =	spop (v2sf);
	s26 =	sld [smem:$0x7EF]  }
0x1d3: {  	(v2sf) =	vpush v19, $0xE;
	[tilespmem:s25], [sflag:$0x1] =	stream.linear.gather [hbm4b:s28+s1], $0x400, $0x38;
	[tilespmem:$0x10600] =	vst v63  }
0x1d4: {  	s29 =	sld [smem:$0x7F0];
	s23 =	sadd.s32 $0xF4280, s28  }
0x1d5: {  	[tilespmem:s26], [sflag:$0x1] =	stream.linear.gather [hbm4b:s23+s1], $0x400, $0x38;
	[tilespmem:$0x10600] =	vst v63  }
0x1d6: {  	s31 =	spop (v2sf);
	s30 =	sld [smem:$0x7F1]  }
0x1d7: {  	(v2sf) =	vpush v18, $0xE;
	[tilespmem:s29], [sflag:$0x2] =	stream.linear.gather [hbm4b:s31+s1], $0x400, $0x38;
	[tilespmem:$0x10600] =	vst v63  }
0x1d8: {  	s25 =	sld [smem:$0x7F2];
	s23 =	sadd.s32 $0xF4280, s31  }
0x1d9: {  	[tilespmem:s30], [sflag:$0x2] =	stream.linear.gather [hbm4b:s23+s1], $0x400, $0x38;
	[tilespmem:$0x10600] =	vst v63  }
0x1da: {  	s28 =	spop (v2sf);
	s26 =	sld [smem:$0x7F3]  }
0x1db: {  	(v2sf) =	vpush v19, $0xF;
	[tilespmem:s25], [sflag:$0x1] =	stream.linear.gather [hbm4b:s28+s1], $0x400, $0x38;
	[tilespmem:$0x10600] =	vst v63  }
0x1dc: {  	s29 =	sld [smem:$0x7F4];
	s23 =	sadd.s32 $0xF4280, s28  }
0x1dd: {  	[tilespmem:s26], [sflag:$0x1] =	stream.linear.gather [hbm4b:s23+s1], $0x400, $0x38;
	[tilespmem:$0x10600] =	vst v63  }
0x1de: {  	s31 =	spop (v2sf);
	s30 =	sld [smem:$0x7F5]  }
0x1df: {  	(v2sf) =	vpush v18, $0xF;
	[tilespmem:s29], [sflag:$0x2] =	stream.linear.gather [hbm4b:s31+s1], $0x400, $0x38;
	[tilespmem:$0x10600] =	vst v63  }
0x1e0: {  	s25 =	sld [smem:$0x7F6];
	s23 =	sadd.s32 $0xF4280, s31  }
0x1e1: {  	[tilespmem:s30], [sflag:$0x2] =	stream.linear.gather [hbm4b:s23+s1], $0x400, $0x38;
	[tilespmem:$0x10600] =	vst v63  }
0x1e2: {  	s28 =	spop (v2sf);
	s26 =	sld [smem:$0x7F7]  }
0x1e3: {  	[tilespmem:s25], [sflag:$0x1] =	stream.linear.gather [hbm4b:s28+s1], $0x400, $0x38;
	[tilespmem:$0x10600] =	vst v63  }
0x1e4: {  	s29 =	sld [smem:$0x7F8];
	s23 =	sadd.s32 $0xF4280, s28  }
0x1e5: {  	[tilespmem:s26], [sflag:$0x1] =	stream.linear.gather [hbm4b:s23+s1], $0x400, $0x38;
	[tilespmem:$0x10600] =	vst v63  }
0x1e6: {  	s31 =	spop (v2sf);
	s30 =	sld [smem:$0x7F9]  }
0x1e7: {  	[tilespmem:s29], [sflag:$0x2] =	stream.linear.gather [hbm4b:s31+s1], $0x400, $0x38;
	[tilespmem:$0x10600] =	vst v63  }
0x1e8: {  	s25 =	sld [smem:$0x7FA];
	s23 =	sadd.s32 $0xF4280, s31  }
0x1e9: {  	[tilespmem:s30], [sflag:$0x2] =	stream.linear.gather [hbm4b:s23+s1], $0x400, $0x38;
	[tilespmem:$0x10600] =	vst v63  }
0x1ea: {  	s28 =	spop (v2sf);
	s26 =	sld [smem:$0x7FB]  }
0x1eb: {  	[tilespmem:s25], [sflag:$0x1] =	stream.linear.gather [hbm4b:s28+s1], $0x400, $0x38;
	[tilespmem:$0x10600] =	vst v63  }
0x1ec: {  	s29 =	sld [smem:$0x7FC];
	s23 =	sadd.s32 $0xF4280, s28  }
0x1ed: {  	[tilespmem:s26], [sflag:$0x1] =	stream.linear.gather [hbm4b:s23+s1], $0x400, $0x38;
	[tilespmem:$0x10600] =	vst v63  }
0x1ee: {  	s31 =	spop (v2sf);
	s30 =	sld [smem:$0x7FD]  }
0x1ef: {  	[tilespmem:s29], [sflag:$0x2] =	stream.linear.gather [hbm4b:s31+s1], $0x400, $0x38;
	[tilespmem:$0x10600] =	vst v63  }
0x1f0: {  	s23 =	sadd.s32 $0xF4280, s31  }
0x1f1: {  	[tilespmem:s30], [sflag:$0x2] =	stream.linear.gather [hbm4b:s23+s1], $0x400, $0x38;
	[tilespmem:$0x10600] =	vst v63  }
0x1f2: {  	_ =	swait.ge [sflag:s12], $0x800  }
0x1f3: {  	[sflag:s12] =	ssyncset.done $0x0  }
0x1f4: {  	[sflag:s12] =	ssyncadd.s32 $0xFFFFF800  }
0x1f5: {  	_ =	swait.ge [sflag:s13], $0x800  }
0x1f6: {  	[sflag:s13] =	ssyncset.done $0x0  }
0x1f7: {  	[sflag:s13] =	ssyncadd.s32 $0xFFFFF800  }
0x1f8: {  	_ =	swait.ge [sflag:s12], $0x800  }
0x1f9: {  	[sflag:s12] =	ssyncset.done $0x0  }
0x1fa: {  	[sflag:s12] =	ssyncadd.s32 $0xFFFFF800  }
0x1fb: {  	_ =	swait.ge [sflag:s13], $0x800  }
0x1fc: {  	[sflag:s13] =	ssyncset.done $0x0  }
0x1fd: {  	[sflag:s13] =	ssyncadd.s32 $0xFFFFF800  }
0x1fe: {  	_ =	swait.ge [sflag:s12], $0x800  }
0x1ff: {  	[sflag:s12] =	ssyncset.done $0x0  }
0x200: {  	[sflag:s12] =	ssyncadd.s32 $0xFFFFF800  }
0x201: {  	_ =	swait.ge [sflag:s13], $0x800  }
0x202: {  	[sflag:s13] =	ssyncset.done $0x0  }
0x203: {  	[sflag:s13] =	ssyncadd.s32 $0xFFFFF800  }
0x204: {  	_ =	swait.ge [sflag:s12], $0x800  }
0x205: {  	[sflag:s12] =	ssyncset.done $0x0  }
0x206: {  	[sflag:s12] =	ssyncadd.s32 $0xFFFFF800  }
0x207: {  	_ =	swait.ge [sflag:s13], $0x800  }
0x208: {  	[sflag:s13] =	ssyncset.done $0x0  }
0x209: {  	[sflag:s13] =	ssyncadd.s32 $0xFFFFF800  }
0x20a: {  	_ =	swait.ge [sflag:s12], $0x800  }
0x20b: {  	[sflag:s12] =	ssyncset.done $0x0  }
0x20c: {  	[sflag:s12] =	ssyncadd.s32 $0xFFFFF800  }
0x20d: {  	_ =	swait.ge [sflag:s13], $0x800  }
0x20e: {  	[sflag:s13] =	ssyncset.done $0x0  }
0x20f: {  	[sflag:s13] =	ssyncadd.s32 $0xFFFFF800  }
0x210: {  	_ =	swait.ge [sflag:s12], $0x800  }
0x211: {  	[sflag:s12] =	ssyncset.done $0x0  }
0x212: {  	[sflag:s12] =	ssyncadd.s32 $0xFFFFF800  }
0x213: {  	_ =	swait.ge [sflag:s13], $0x800  }
0x214: {  	[sflag:s13] =	ssyncset.done $0x0  }
0x215: {  	[sflag:s13] =	ssyncadd.s32 $0xFFFFF800  }
0x216: {  	_ =	swait.ge [sflag:s12], $0x800  }
0x217: {  	[sflag:s12] =	ssyncset.done $0x0  }
0x218: {  	[sflag:s12] =	ssyncadd.s32 $0xFFFFF800  }
0x219: {  	_ =	swait.ge [sflag:s13], $0x800  }
0x21a: {  	[sflag:s13] =	ssyncset.done $0x0  }
0x21b: {  	[sflag:s13] =	ssyncadd.s32 $0xFFFFF800  }
0x21c: {  	_ =	swait.ge [sflag:s12], $0x800  }
0x21d: {  	[sflag:s12] =	ssyncset.done $0x0  }
0x21e: {  	[sflag:s12] =	ssyncadd.s32 $0xFFFFF800  }
0x21f: {  	_ =	swait.ge [sflag:s13], $0x800  }
0x220: {  	[sflag:s13] =	ssyncset.done $0x0  }
0x221: {  	[sflag:s13] =	ssyncadd.s32 $0xFFFFF800  }
0x222: {  	_ =	swait.ge [sflag:s12], $0x800  }
0x223: {  	[sflag:s12] =	ssyncset.done $0x0  }
0x224: {  	[sflag:s12] =	ssyncadd.s32 $0xFFFFF800  }
0x225: {  	_ =	swait.ge [sflag:s13], $0x800  }
0x226: {  	[sflag:s13] =	ssyncset.done $0x0  }
0x227: {  	[sflag:s13] =	ssyncadd.s32 $0xFFFFF800  }
0x228: {  	_ =	swait.ge [sflag:s12], $0x800  }
0x229: {  	[sflag:s12] =	ssyncset.done $0x0  }
0x22a: {  	[sflag:s12] =	ssyncadd.s32 $0xFFFFF800  }
0x22b: {  	_ =	swait.ge [sflag:s13], $0x800  }
0x22c: {  	[sflag:s13] =	ssyncset.done $0x0  }
0x22d: {  	[sflag:s13] =	ssyncadd.s32 $0xFFFFF800  }
0x22e: {  	_ =	swait.ge [sflag:s12], $0x800  }
0x22f: {  	[sflag:s12] =	ssyncset.done $0x0  }
0x230: {  	[sflag:s12] =	ssyncadd.s32 $0xFFFFF800  }
0x231: {  	_ =	swait.ge [sflag:s13], $0x800  }
0x232: {  	[sflag:s13] =	ssyncset.done $0x0  }
0x233: {  	[sflag:s13] =	ssyncadd.s32 $0xFFFFF800  }
0x234: {  	_ =	swait.ge [sflag:s12], $0x800  }
0x235: {  	[sflag:s12] =	ssyncset.done $0x0  }
0x236: {  	[sflag:s12] =	ssyncadd.s32 $0xFFFFF800  }
0x237: {  	_ =	swait.ge [sflag:s13], $0x800  }
0x238: {  	[sflag:s13] =	ssyncset.done $0x0  }
0x239: {  	[sflag:s13] =	ssyncadd.s32 $0xFFFFF800  }
0x23a: {  	_ =	swait.ge [sflag:s12], $0x800  }
0x23b: {  	[sflag:s12] =	ssyncset.done $0x0  }
0x23c: {  	[sflag:s12] =	ssyncadd.s32 $0xFFFFF800  }
0x23d: {  	_ =	swait.ge [sflag:s13], $0x800  }
0x23e: {  	[sflag:s13] =	ssyncset.done $0x0  }
0x23f: {  	[sflag:s13] =	ssyncadd.s32 $0xFFFFF800  }
0x240: {  	_ =	swait.ge [sflag:s12], $0x800  }
0x241: {  	[sflag:s12] =	ssyncset.done $0x0  }
0x242: {  	[sflag:s12] =	ssyncadd.s32 $0xFFFFF800  }
0x243: {  	_ =	swait.ge [sflag:s13], $0x800  }
0x244: {  	[sflag:s13] =	ssyncset.done $0x0  }
0x245: {  	[sflag:s13] =	ssyncadd.s32 $0xFFFFF800  }
0x246: {  	_ =	swait.ge [sflag:s12], $0x800  }
0x247: {  	[sflag:s12] =	ssyncset.done $0x0  }
0x248: {  	[sflag:s12] =	ssyncadd.s32 $0xFFFFF800  }
0x249: {  	_ =	swait.ge [sflag:s13], $0x800  }
0x24a: {  	[sflag:s13] =	ssyncset.done $0x0  }
0x24b: {  	[sflag:s13] =	ssyncadd.s32 $0xFFFFF800  }
0x24c: {  	v16 =	vand.u32 $0x7F, v16;
	_ =	swait.ge [sflag:s12], $0x800  }
0x24d: {  	v17 =	vand.u32 $0x7F, v17;
	v19 =	vor.u32 v0, v16;
	[sflag:s12] =	ssyncset.done $0x0  }
0x24e: {  	v20 =	vor.u32 v0, v17;
	[sflag:s12] =	ssyncadd.s32 $0xFFFFF800  }
0x24f: {  	v18 =	vor.u32 v1, v17;
	_ =	swait.ge [sflag:s13], $0x800  }
0x250: {  	v21 =	vor.u32 v1, v16;
	[sflag:s13] =	ssyncset.done $0x0  }
0x251: {  	v22 =	vor.u32 v2, v16;
	[sflag:s13] =	ssyncadd.s32 $0xFFFFF800  }
0x252: {  	v23 =	vor.u32 v2, v17;
	v19 =	vld.idx.msk [tilespmem:v19+s8+$0x0], $0xffff  }
0x253: {  	v24 =	vor.u32 v3, v16;
	v20 =	vld.idx.msk [tilespmem:v20+s11+$0x0], $0xffff  }
0x254: {  	v25 =	vor.u32 v3, v17;
	v18 =	vld.idx.msk [tilespmem:v18+s11+$0x0], $0xffff  }
0x255: {  	v26 =	vor.u32 v4, v16;
	v21 =	vld.idx.msk [tilespmem:v21+s8+$0x0], $0xffff  }
0x256: {  	v27 =	vor.u32 v4, v17;
	v22 =	vld.idx.msk [tilespmem:v22+s8+$0x0], $0xffff  }
0x257: {  	v28 =	vor.u32 v5, v16;
	v23 =	vld.idx.msk [tilespmem:v23+s11+$0x0], $0xffff  }
0x258: {  	v29 =	vor.u32 v5, v17;
	v24 =	vld.idx.msk [tilespmem:v24+s8+$0x0], $0xffff;
	v19 =	vmul.f32 v20, v19  }
0x259: {  	v62 =	vor.u32 v6, v17;
	v25 =	vld.idx.msk [tilespmem:v25+s11+$0x0], $0xffff  }
0x25a: {  	v30 =	vor.u32 v6, v16;
	v61 =	vld.idx.msk [tilespmem:v26+s8+$0x0], $0xffff;
	v18 =	vmul.f32 v18, v21;
	v19 =	vadd.f32 $0.0e+00, v19  }
0x25b: {  	v33 =	vor.u32 v7, v16;
	v63 =	vld.idx.msk [tilespmem:v27+s11+$0x0], $0xffff  }
0x25c: {  	v31 =	vor.u32 v7, v17;
	v28 =	vld.idx.msk [tilespmem:v28+s8+$0x0], $0xffff;
	v22 =	vmul.f32 v23, v22;
	v18 =	vadd.f32 v18, v19  }
0x25d: {  	v35 =	vor.u32 v8, v16;
	v34 =	vld.idx.msk [tilespmem:v29+s11+$0x0], $0xffff  }
0x25e: {  	v36 =	vor.u32 v8, v17;
	v37 =	vld.idx.msk [tilespmem:v62+s11+$0x0], $0xffff;
	v24 =	vmul.f32 v25, v24;
	v18 =	vadd.f32 v22, v18  }
0x25f: {  	v38 =	vor.u32 v9, v16;
	v19 =	vld.idx.msk [tilespmem:v30+s8+$0x0], $0xffff  }
0x260: {  	v40 =	vor.u32 v9, v17;
	v39 =	vld.idx.msk [tilespmem:v33+s8+$0x0], $0xffff;
	v20 =	vmul.f32 v63, v61;
	v18 =	vadd.f32 v24, v18  }
0x261: {  	v42 =	vor.u32 v10, v16;
	v41 =	vld.idx.msk [tilespmem:v31+s11+$0x0], $0xffff  }
0x262: {  	v44 =	vor.u32 v10, v17;
	v43 =	vld.idx.msk [tilespmem:v35+s8+$0x0], $0xffff;
	v23 =	vmul.f32 v34, v28;
	v18 =	vadd.f32 v20, v18  }
0x263: {  	v48 =	vor.u32 v11, v17;
	v45 =	vld.idx.msk [tilespmem:v36+s11+$0x0], $0xffff  }
0x264: {  	v46 =	vor.u32 v11, v16;
	v47 =	vld.idx.msk [tilespmem:v38+s8+$0x0], $0xffff;
	v19 =	vmul.f32 v37, v19;
	v18 =	vadd.f32 v23, v18  }
0x265: {  	v50 =	vor.u32 v12, v16;
	v49 =	vld.idx.msk [tilespmem:v40+s11+$0x0], $0xffff  }
0x266: {  	v52 =	vor.u32 v12, v17;
	v51 =	vld.idx.msk [tilespmem:v42+s8+$0x0], $0xffff;
	v21 =	vmul.f32 v41, v39;
	v18 =	vadd.f32 v19, v18  }
0x267: {  	v54 =	vor.u32 v13, v16;
	v53 =	vld.idx.msk [tilespmem:v44+s11+$0x0], $0xffff  }
0x268: {  	v55 =	vor.u32 v13, v17;
	v26 =	vld.idx.msk [tilespmem:v48+s11+$0x0], $0xffff;
	v24 =	vmul.f32 v45, v43;
	v18 =	vadd.f32 v21, v18  }
0x269: {  	v56 =	vor.u32 v14, v16;
	v19 =	vld.idx.msk [tilespmem:v46+s8+$0x0], $0xffff  }
0x26a: {  	v58 =	vor.u32 v14, v17;
	v57 =	vld.idx.msk [tilespmem:v50+s8+$0x0], $0xffff;
	v20 =	vmul.f32 v49, v47;
	v18 =	vadd.f32 v24, v18  }
0x26b: {  	v16 =	vor.u32 v15, v16;
	v59 =	vld.idx.msk [tilespmem:v52+s11+$0x0], $0xffff  }
0x26c: {  	v17 =	vor.u32 v15, v17;
	v60 =	vld.idx.msk [tilespmem:v54+s8+$0x0], $0xffff;
	v22 =	vmul.f32 v53, v51;
	v18 =	vadd.f32 v20, v18  }
0x26d: {  	v61 =	vld.idx.msk [tilespmem:v55+s11+$0x0], $0xffff  }
0x26e: {  	v62 =	vld.idx.msk [tilespmem:v56+s8+$0x0], $0xffff;
	v19 =	vmul.f32 v26, v19;
	v18 =	vadd.f32 v22, v18  }
0x26f: {  	v63 =	vld.idx.msk [tilespmem:v58+s11+$0x0], $0xffff  }
0x270: {  	v16 =	vld.idx.msk [tilespmem:v16+s8+$0x0], $0xffff;
	v21 =	vmul.f32 v59, v57;
	v18 =	vadd.f32 v19, v18  }
0x271: {  	v17 =	vld.idx.msk [tilespmem:v17+s11+$0x0], $0xffff  }
.Ltmp0:
0x272: {  	v19 =	vmul.f32 v61, v60;
	v18 =	vadd.f32 v21, v18;
	(pc) =	sbr.rel @p0 .LBB2_2-.Ltmp0, $4  }
0x273: {  	_ = 	snop  }
0x274: {  	v20 =	vmul.f32 v63, v62;
	v18 =	vadd.f32 v19, v18  }
0x275: {  	s18 =	sadd.s32 $0x10, s18;
	s20 =	sadd.s32 $0x20, s20  }
0x276: {  	s19 =	smov.u32 s16;
	s16 =	sadd.s32 $0x10, s16;
	s22 =	smov.u32 s21;
	v16 =	vmul.f32 v17, v16;
	v17 =	vadd.f32 v20, v18  }
0x277: {  	_ = 	snop  }
0x278: {  	s20 =	sand.u32 $0x100, s20;
	v16 =	vadd.f32 v16, v17  }
0x279: {  	s18 =	sand.u32 $0x70, s18;
	s17 =	sor.u32 s17, s20  }
0x27a: {  	s17 =	sor.u32 s18, s17;
	[tilespmem:s19+$0x0] =	vst v16  }
0x27b: {  	v16 =	vld [tilespmem:s17+$0x200];
	_ =	sdelay $0x3  }
0x27c: {  	v17 =	vld [tilespmem:s17+$0x0]  }
0x27d: {  	s23 =	rddreg [dreg:$0x6];
	v18 =	vand.u32 $0xFFFFFF80, v16  }
0x27e: {  	v19 =	vadd.s32 s23, v18  }
0x27f: {  	(v2sf) =	vpush v19, $0x0;
	_ =	sdelay $0x1  }
0x280: {  	s24 =	rddreg [dreg:$0x7];
	v30 =	vand.u32 $0xFFFFFF80, v17  }
0x281: {  	v18 =	vadd.s32 s24, v30  }
0x282: {  	(v2sf) =	vpush v18, $0x0;
	_ =	sdelay $0x3  }
0x283: {  	(v2sf) =	vpush v19, $0x1;
	_ =	sdelay $0x3  }
0x284: {  	(v2sf) =	vpush v18, $0x1;
	_ =	sdelay $0x2  }
0x285: {  	s26 =	spop (v2sf)  }
0x286: {  	(v2sf) =	vpush v19, $0x2;
	[tilespmem:s8], [sflag:$0x1] =	stream.linear.gather [hbm4b:s26+s1], $0x400, $0x38;
	[tilespmem:$0x10600] =	vst v63  }
0x287: {  	s25 =	rddreg [dreg:$0x8];
	s18 =	sadd.s32 $0xF4280, s26  }
0x288: {  	[tilespmem:s25], [sflag:$0x1] =	stream.linear.gather [hbm4b:s18+s1], $0x400, $0x38;
	[tilespmem:$0x10600] =	vst v63  }
0x289: {  	s28 =	rddreg [dreg:$0x9];
	s29 =	spop (v2sf)  }
0x28a: {  	(v2sf) =	vpush v18, $0x2;
	[tilespmem:s11], [sflag:$0x2] =	stream.linear.gather [hbm4b:s29+s1], $0x400, $0x38;
	[tilespmem:$0x10600] =	vst v63  }
0x28b: {  	s30 =	rddreg [dreg:$0xa];
	s18 =	sadd.s32 $0xF4280, s29  }
0x28c: {  	[tilespmem:s28], [sflag:$0x2] =	stream.linear.gather [hbm4b:s18+s1], $0x400, $0x38;
	[tilespmem:$0x10600] =	vst v63  }
0x28d: {  	s31 =	rddreg [dreg:$0xb];
	s20 =	spop (v2sf)  }
0x28e: {  	(v2sf) =	vpush v19, $0x3;
	[tilespmem:s30], [sflag:$0x1] =	stream.linear.gather [hbm4b:s20+s1], $0x400, $0x38;
	[tilespmem:$0x10600] =	vst v63  }
0x28f: {  	s21 =	rddreg [dreg:$0xc];
	s18 =	sadd.s32 $0xF4280, s20  }
0x290: {  	[tilespmem:s31], [sflag:$0x1] =	stream.linear.gather [hbm4b:s18+s1], $0x400, $0x38;
	[tilespmem:$0x10600] =	vst v63  }
0x291: {  	s22 =	rddreg [dreg:$0xd];
	s23 =	spop (v2sf)  }
0x292: {  	(v2sf) =	vpush v18, $0x3;
	[tilespmem:s21], [sflag:$0x2] =	stream.linear.gather [hbm4b:s23+s1], $0x400, $0x38;
	[tilespmem:$0x10600] =	vst v63  }
0x293: {  	s24 =	rddreg [dreg:$0xe];
	s18 =	sadd.s32 $0xF4280, s23  }
0x294: {  	[tilespmem:s22], [sflag:$0x2] =	stream.linear.gather [hbm4b:s18+s1], $0x400, $0x38;
	[tilespmem:$0x10600] =	vst v63  }
0x295: {  	s25 =	rddreg [dreg:$0xf];
	s26 =	spop (v2sf)  }
0x296: {  	(v2sf) =	vpush v19, $0x4;
	[tilespmem:s24], [sflag:$0x1] =	stream.linear.gather [hbm4b:s26+s1], $0x400, $0x38;
	[tilespmem:$0x10600] =	vst v63  }
0x297: {  	s29 =	rddreg [dreg:$0x11];
	s18 =	sadd.s32 $0xF4280, s26  }
0x298: {  	[tilespmem:s25], [sflag:$0x1] =	stream.linear.gather [hbm4b:s18+s1], $0x400, $0x38;
	[tilespmem:$0x10600] =	vst v63  }
0x299: {  	s28 =	rddreg [dreg:$0x10];
	s30 =	spop (v2sf)  }
0x29a: {  	(v2sf) =	vpush v18, $0x4;
	[tilespmem:s28], [sflag:$0x2] =	stream.linear.gather [hbm4b:s30+s1], $0x400, $0x38;
	[tilespmem:$0x10600] =	vst v63  }
0x29b: {  	s20 =	rddreg [dreg:$0x13];
	s18 =	sadd.s32 $0xF4280, s30  }
0x29c: {  	[tilespmem:s29], [sflag:$0x2] =	stream.linear.gather [hbm4b:s18+s1], $0x400, $0x38;
	[tilespmem:$0x10600] =	vst v63  }
0x29d: {  	s31 =	rddreg [dreg:$0x12];
	s21 =	spop (v2sf)  }
0x29e: {  	(v2sf) =	vpush v19, $0x5;
	[tilespmem:s31], [sflag:$0x1] =	stream.linear.gather [hbm4b:s21+s1], $0x400, $0x38;
	[tilespmem:$0x10600] =	vst v63  }
0x29f: {  	s23 =	rddreg [dreg:$0x15];
	s18 =	sadd.s32 $0xF4280, s21  }
0x2a0: {  	[tilespmem:s20], [sflag:$0x1] =	stream.linear.gather [hbm4b:s18+s1], $0x400, $0x38;
	[tilespmem:$0x10600] =	vst v63  }
0x2a1: {  	s22 =	rddreg [dreg:$0x14];
	s24 =	spop (v2sf)  }
0x2a2: {  	(v2sf) =	vpush v18, $0x5;
	[tilespmem:s22], [sflag:$0x2] =	stream.linear.gather [hbm4b:s24+s1], $0x400, $0x38;
	[tilespmem:$0x10600] =	vst v63  }
0x2a3: {  	s26 =	rddreg [dreg:$0x17];
	s18 =	sadd.s32 $0xF4280, s24  }
0x2a4: {  	[tilespmem:s23], [sflag:$0x2] =	stream.linear.gather [hbm4b:s18+s1], $0x400, $0x38;
	[tilespmem:$0x10600] =	vst v63  }
0x2a5: {  	s25 =	rddreg [dreg:$0x16];
	s28 =	spop (v2sf)  }
0x2a6: {  	(v2sf) =	vpush v19, $0x6;
	[tilespmem:s25], [sflag:$0x1] =	stream.linear.gather [hbm4b:s28+s1], $0x400, $0x38;
	[tilespmem:$0x10600] =	vst v63  }
0x2a7: {  	s30 =	rddreg [dreg:$0x19];
	s18 =	sadd.s32 $0xF4280, s28  }
0x2a8: {  	[tilespmem:s26], [sflag:$0x1] =	stream.linear.gather [hbm4b:s18+s1], $0x400, $0x38;
	[tilespmem:$0x10600] =	vst v63  }
0x2a9: {  	s29 =	rddreg [dreg:$0x18];
	s31 =	spop (v2sf)  }
0x2aa: {  	(v2sf) =	vpush v18, $0x6;
	[tilespmem:s29], [sflag:$0x2] =	stream.linear.gather [hbm4b:s31+s1], $0x400, $0x38;
	[tilespmem:$0x10600] =	vst v63  }
0x2ab: {  	s21 =	rddreg [dreg:$0x1b];
	s18 =	sadd.s32 $0xF4280, s31  }
0x2ac: {  	[tilespmem:s30], [sflag:$0x2] =	stream.linear.gather [hbm4b:s18+s1], $0x400, $0x38;
	[tilespmem:$0x10600] =	vst v63  }
0x2ad: {  	s20 =	rddreg [dreg:$0x1a];
	s22 =	spop (v2sf)  }
0x2ae: {  	(v2sf) =	vpush v19, $0x7;
	[tilespmem:s20], [sflag:$0x1] =	stream.linear.gather [hbm4b:s22+s1], $0x400, $0x38;
	[tilespmem:$0x10600] =	vst v63  }
0x2af: {  	s24 =	rddreg [dreg:$0x1d];
	s18 =	sadd.s32 $0xF4280, s22  }
0x2b0: {  	[tilespmem:s21], [sflag:$0x1] =	stream.linear.gather [hbm4b:s18+s1], $0x400, $0x38;
	[tilespmem:$0x10600] =	vst v63  }
0x2b1: {  	s23 =	rddreg [dreg:$0x1c];
	s25 =	spop (v2sf)  }
0x2b2: {  	(v2sf) =	vpush v18, $0x7;
	[tilespmem:s23], [sflag:$0x2] =	stream.linear.gather [hbm4b:s25+s1], $0x400, $0x38;
	[tilespmem:$0x10600] =	vst v63  }
0x2b3: {  	s28 =	rddreg [dreg:$0x1f];
	s18 =	sadd.s32 $0xF4280, s25  }
0x2b4: {  	[tilespmem:s24], [sflag:$0x2] =	stream.linear.gather [hbm4b:s18+s1], $0x400, $0x38;
	[tilespmem:$0x10600] =	vst v63  }
0x2b5: {  	s26 =	rddreg [dreg:$0x1e];
	s29 =	spop (v2sf)  }
0x2b6: {  	(v2sf) =	vpush v19, $0x8;
	[tilespmem:s26], [sflag:$0x1] =	stream.linear.gather [hbm4b:s29+s1], $0x400, $0x38;
	[tilespmem:$0x10600] =	vst v63  }
0x2b7: {  	s30 =	sld [smem:$0x7D8];
	s18 =	sadd.s32 $0xF4280, s29  }
0x2b8: {  	[tilespmem:s28], [sflag:$0x1] =	stream.linear.gather [hbm4b:s18+s1], $0x400, $0x38;
	[tilespmem:$0x10600] =	vst v63  }
0x2b9: {  	s31 =	sld [smem:$0x7D9];
	s20 =	spop (v2sf)  }
0x2ba: {  	(v2sf) =	vpush v18, $0x8;
	[tilespmem:s30], [sflag:$0x2] =	stream.linear.gather [hbm4b:s20+s1], $0x400, $0x38;
	[tilespmem:$0x10600] =	vst v63  }
0x2bb: {  	s21 =	sld [smem:$0x7DA];
	s18 =	sadd.s32 $0xF4280, s20  }
0x2bc: {  	[tilespmem:s31], [sflag:$0x2] =	stream.linear.gather [hbm4b:s18+s1], $0x400, $0x38;
	[tilespmem:$0x10600] =	vst v63  }
0x2bd: {  	s22 =	sld [smem:$0x7DB];
	s23 =	spop (v2sf)  }
0x2be: {  	(v2sf) =	vpush v19, $0x9;
	[tilespmem:s21], [sflag:$0x1] =	stream.linear.gather [hbm4b:s23+s1], $0x400, $0x38;
	[tilespmem:$0x10600] =	vst v63  }
0x2bf: {  	s24 =	sld [smem:$0x7DC];
	s18 =	sadd.s32 $0xF4280, s23  }
0x2c0: {  	[tilespmem:s22], [sflag:$0x1] =	stream.linear.gather [hbm4b:s18+s1], $0x400, $0x38;
	[tilespmem:$0x10600] =	vst v63  }
0x2c1: {  	s25 =	sld [smem:$0x7DD];
	s26 =	spop (v2sf)  }
0x2c2: {  	(v2sf) =	vpush v18, $0x9;
	[tilespmem:s24], [sflag:$0x2] =	stream.linear.gather [hbm4b:s26+s1], $0x400, $0x38;
	[tilespmem:$0x10600] =	vst v63  }
0x2c3: {  	s28 =	sld [smem:$0x7DE];
	s18 =	sadd.s32 $0xF4280, s26  }
0x2c4: {  	[tilespmem:s25], [sflag:$0x2] =	stream.linear.gather [hbm4b:s18+s1], $0x400, $0x38;
	[tilespmem:$0x10600] =	vst v63  }
0x2c5: {  	s29 =	sld [smem:$0x7DF];
	s30 =	spop (v2sf)  }
0x2c6: {  	(v2sf) =	vpush v19, $0xA;
	[tilespmem:s28], [sflag:$0x1] =	stream.linear.gather [hbm4b:s30+s1], $0x400, $0x38;
	[tilespmem:$0x10600] =	vst v63  }
0x2c7: {  	s31 =	sld [smem:$0x7E0];
	s18 =	sadd.s32 $0xF4280, s30  }
0x2c8: {  	[tilespmem:s29], [sflag:$0x1] =	stream.linear.gather [hbm4b:s18+s1], $0x400, $0x38;
	[tilespmem:$0x10600] =	vst v63  }
0x2c9: {  	s20 =	sld [smem:$0x7E1];
	s21 =	spop (v2sf)  }
0x2ca: {  	(v2sf) =	vpush v18, $0xA;
	[tilespmem:s31], [sflag:$0x2] =	stream.linear.gather [hbm4b:s21+s1], $0x400, $0x38;
	[tilespmem:$0x10600] =	vst v63  }
0x2cb: {  	s22 =	sld [smem:$0x7E2];
	s18 =	sadd.s32 $0xF4280, s21  }
0x2cc: {  	[tilespmem:s20], [sflag:$0x2] =	stream.linear.gather [hbm4b:s18+s1], $0x400, $0x38;
	[tilespmem:$0x10600] =	vst v63  }
0x2cd: {  	s23 =	sld [smem:$0x7E3];
	s24 =	spop (v2sf)  }
0x2ce: {  	(v2sf) =	vpush v19, $0xB;
	[tilespmem:s22], [sflag:$0x1] =	stream.linear.gather [hbm4b:s24+s1], $0x400, $0x38;
	[tilespmem:$0x10600] =	vst v63  }
0x2cf: {  	s25 =	sld [smem:$0x7E4];
	s18 =	sadd.s32 $0xF4280, s24  }
0x2d0: {  	[tilespmem:s23], [sflag:$0x1] =	stream.linear.gather [hbm4b:s18+s1], $0x400, $0x38;
	[tilespmem:$0x10600] =	vst v63  }
0x2d1: {  	s26 =	sld [smem:$0x7E5];
	s28 =	spop (v2sf)  }
0x2d2: {  	(v2sf) =	vpush v18, $0xB;
	[tilespmem:s25], [sflag:$0x2] =	stream.linear.gather [hbm4b:s28+s1], $0x400, $0x38;
	[tilespmem:$0x10600] =	vst v63  }
0x2d3: {  	s29 =	sld [smem:$0x7E6];
	s18 =	sadd.s32 $0xF4280, s28  }
0x2d4: {  	[tilespmem:s26], [sflag:$0x2] =	stream.linear.gather [hbm4b:s18+s1], $0x400, $0x38;
	[tilespmem:$0x10600] =	vst v63  }
0x2d5: {  	s30 =	sld [smem:$0x7E7];
	s31 =	spop (v2sf)  }
0x2d6: {  	(v2sf) =	vpush v19, $0xC;
	[tilespmem:s29], [sflag:$0x1] =	stream.linear.gather [hbm4b:s31+s1], $0x400, $0x38;
	[tilespmem:$0x10600] =	vst v63  }
0x2d7: {  	s20 =	sld [smem:$0x7E8];
	s18 =	sadd.s32 $0xF4280, s31  }
0x2d8: {  	[tilespmem:s30], [sflag:$0x1] =	stream.linear.gather [hbm4b:s18+s1], $0x400, $0x38;
	[tilespmem:$0x10600] =	vst v63  }
0x2d9: {  	s21 =	sld [smem:$0x7E9];
	s22 =	spop (v2sf)  }
0x2da: {  	(v2sf) =	vpush v18, $0xC;
	[tilespmem:s20], [sflag:$0x2] =	stream.linear.gather [hbm4b:s22+s1], $0x400, $0x38;
	[tilespmem:$0x10600] =	vst v63  }
0x2db: {  	s23 =	sld [smem:$0x7EA];
	s18 =	sadd.s32 $0xF4280, s22  }
0x2dc: {  	[tilespmem:s21], [sflag:$0x2] =	stream.linear.gather [hbm4b:s18+s1], $0x400, $0x38;
	[tilespmem:$0x10600] =	vst v63  }
0x2dd: {  	s24 =	sld [smem:$0x7EB];
	s25 =	spop (v2sf)  }
0x2de: {  	(v2sf) =	vpush v19, $0xD;
	[tilespmem:s23], [sflag:$0x1] =	stream.linear.gather [hbm4b:s25+s1], $0x400, $0x38;
	[tilespmem:$0x10600] =	vst v63  }
0x2df: {  	s26 =	sld [smem:$0x7EC];
	s18 =	sadd.s32 $0xF4280, s25  }
0x2e0: {  	[tilespmem:s24], [sflag:$0x1] =	stream.linear.gather [hbm4b:s18+s1], $0x400, $0x38;
	[tilespmem:$0x10600] =	vst v63  }
0x2e1: {  	s28 =	sld [smem:$0x7ED];
	s29 =	spop (v2sf)  }
0x2e2: {  	(v2sf) =	vpush v18, $0xD;
	[tilespmem:s26], [sflag:$0x2] =	stream.linear.gather [hbm4b:s29+s1], $0x400, $0x38;
	[tilespmem:$0x10600] =	vst v63  }
0x2e3: {  	s30 =	sld [smem:$0x7EE];
	s18 =	sadd.s32 $0xF4280, s29  }
0x2e4: {  	[tilespmem:s28], [sflag:$0x2] =	stream.linear.gather [hbm4b:s18+s1], $0x400, $0x38;
	[tilespmem:$0x10600] =	vst v63  }
0x2e5: {  	s31 =	sld [smem:$0x7EF];
	s20 =	spop (v2sf)  }
0x2e6: {  	(v2sf) =	vpush v19, $0xE;
	[tilespmem:s30], [sflag:$0x1] =	stream.linear.gather [hbm4b:s20+s1], $0x400, $0x38;
	[tilespmem:$0x10600] =	vst v63  }
0x2e7: {  	s21 =	sld [smem:$0x7F0];
	s18 =	sadd.s32 $0xF4280, s20  }
0x2e8: {  	[tilespmem:s31], [sflag:$0x1] =	stream.linear.gather [hbm4b:s18+s1], $0x400, $0x38;
	[tilespmem:$0x10600] =	vst v63  }
0x2e9: {  	s22 =	sld [smem:$0x7F1];
	s23 =	spop (v2sf)  }
0x2ea: {  	(v2sf) =	vpush v18, $0xE;
	[tilespmem:s21], [sflag:$0x2] =	stream.linear.gather [hbm4b:s23+s1], $0x400, $0x38;
	[tilespmem:$0x10600] =	vst v63  }
0x2eb: {  	s24 =	sld [smem:$0x7F2];
	s18 =	sadd.s32 $0xF4280, s23  }
0x2ec: {  	[tilespmem:s22], [sflag:$0x2] =	stream.linear.gather [hbm4b:s18+s1], $0x400, $0x38;
	[tilespmem:$0x10600] =	vst v63  }
0x2ed: {  	s25 =	sld [smem:$0x7F3];
	s26 =	spop (v2sf)  }
0x2ee: {  	(v2sf) =	vpush v19, $0xF;
	[tilespmem:s24], [sflag:$0x1] =	stream.linear.gather [hbm4b:s26+s1], $0x400, $0x38;
	[tilespmem:$0x10600] =	vst v63  }
0x2ef: {  	s28 =	sld [smem:$0x7F4];
	s18 =	sadd.s32 $0xF4280, s26  }
0x2f0: {  	[tilespmem:s25], [sflag:$0x1] =	stream.linear.gather [hbm4b:s18+s1], $0x400, $0x38;
	[tilespmem:$0x10600] =	vst v63  }
0x2f1: {  	s29 =	sld [smem:$0x7F5];
	s30 =	spop (v2sf)  }
0x2f2: {  	(v2sf) =	vpush v18, $0xF;
	[tilespmem:s28], [sflag:$0x2] =	stream.linear.gather [hbm4b:s30+s1], $0x400, $0x38;
	[tilespmem:$0x10600] =	vst v63  }
0x2f3: {  	s31 =	sld [smem:$0x7F6];
	s18 =	sadd.s32 $0xF4280, s30  }
0x2f4: {  	[tilespmem:s29], [sflag:$0x2] =	stream.linear.gather [hbm4b:s18+s1], $0x400, $0x38;
	[tilespmem:$0x10600] =	vst v63  }
0x2f5: {  	s20 =	sld [smem:$0x7F7];
	s21 =	spop (v2sf)  }
0x2f6: {  	[tilespmem:s31], [sflag:$0x1] =	stream.linear.gather [hbm4b:s21+s1], $0x400, $0x38;
	[tilespmem:$0x10600] =	vst v63  }
0x2f7: {  	s22 =	sld [smem:$0x7F8];
	s18 =	sadd.s32 $0xF4280, s21  }
0x2f8: {  	[tilespmem:s20], [sflag:$0x1] =	stream.linear.gather [hbm4b:s18+s1], $0x400, $0x38;
	[tilespmem:$0x10600] =	vst v63  }
0x2f9: {  	s23 =	sld [smem:$0x7F9];
	s24 =	spop (v2sf)  }
0x2fa: {  	[tilespmem:s22], [sflag:$0x2] =	stream.linear.gather [hbm4b:s24+s1], $0x400, $0x38;
	[tilespmem:$0x10600] =	vst v63  }
0x2fb: {  	s25 =	sld [smem:$0x7FA];
	s18 =	sadd.s32 $0xF4280, s24  }
0x2fc: {  	[tilespmem:s23], [sflag:$0x2] =	stream.linear.gather [hbm4b:s18+s1], $0x400, $0x38;
	[tilespmem:$0x10600] =	vst v63  }
0x2fd: {  	s26 =	sld [smem:$0x7FB];
	s28 =	spop (v2sf)  }
0x2fe: {  	[tilespmem:s25], [sflag:$0x1] =	stream.linear.gather [hbm4b:s28+s1], $0x400, $0x38;
	[tilespmem:$0x10600] =	vst v63  }
0x2ff: {  	s29 =	sld [smem:$0x7FC];
	s18 =	sadd.s32 $0xF4280, s28  }
0x300: {  	[tilespmem:s26], [sflag:$0x1] =	stream.linear.gather [hbm4b:s18+s1], $0x400, $0x38;
	[tilespmem:$0x10600] =	vst v63  }
0x301: {  	s30 =	sld [smem:$0x7FD];
	s31 =	spop (v2sf)  }
0x302: {  	[tilespmem:s29], [sflag:$0x2] =	stream.linear.gather [hbm4b:s31+s1], $0x400, $0x38;
	[tilespmem:$0x10600] =	vst v63  }
0x303: {  	s18 =	sadd.s32 $0xF4280, s31  }
0x304: {  	[tilespmem:s30], [sflag:$0x2] =	stream.linear.gather [hbm4b:s18+s1], $0x400, $0x38;
	[tilespmem:$0x10600] =	vst v63  }
0x305: {  	_ =	swait.ge [sflag:s12], $0x800  }
0x306: {  	[sflag:s12] =	ssyncset.done $0x0  }
0x307: {  	[sflag:s12] =	ssyncadd.s32 $0xFFFFF800  }
0x308: {  	_ =	swait.ge [sflag:s13], $0x800  }
0x309: {  	[sflag:s13] =	ssyncset.done $0x0  }
0x30a: {  	[sflag:s13] =	ssyncadd.s32 $0xFFFFF800  }
0x30b: {  	_ =	swait.ge [sflag:s12], $0x800  }
0x30c: {  	[sflag:s12] =	ssyncset.done $0x0  }
0x30d: {  	[sflag:s12] =	ssyncadd.s32 $0xFFFFF800  }
0x30e: {  	_ =	swait.ge [sflag:s13], $0x800  }
0x30f: {  	[sflag:s13] =	ssyncset.done $0x0  }
0x310: {  	[sflag:s13] =	ssyncadd.s32 $0xFFFFF800  }
0x311: {  	_ =	swait.ge [sflag:s12], $0x800  }
0x312: {  	[sflag:s12] =	ssyncset.done $0x0  }
0x313: {  	[sflag:s12] =	ssyncadd.s32 $0xFFFFF800  }
0x314: {  	_ =	swait.ge [sflag:s13], $0x800  }
0x315: {  	[sflag:s13] =	ssyncset.done $0x0  }
0x316: {  	[sflag:s13] =	ssyncadd.s32 $0xFFFFF800  }
0x317: {  	_ =	swait.ge [sflag:s12], $0x800  }
0x318: {  	[sflag:s12] =	ssyncset.done $0x0  }
0x319: {  	[sflag:s12] =	ssyncadd.s32 $0xFFFFF800  }
0x31a: {  	_ =	swait.ge [sflag:s13], $0x800  }
0x31b: {  	[sflag:s13] =	ssyncset.done $0x0  }
0x31c: {  	[sflag:s13] =	ssyncadd.s32 $0xFFFFF800  }
0x31d: {  	_ =	swait.ge [sflag:s12], $0x800  }
0x31e: {  	[sflag:s12] =	ssyncset.done $0x0  }
0x31f: {  	[sflag:s12] =	ssyncadd.s32 $0xFFFFF800  }
0x320: {  	_ =	swait.ge [sflag:s13], $0x800  }
0x321: {  	[sflag:s13] =	ssyncset.done $0x0  }
0x322: {  	[sflag:s13] =	ssyncadd.s32 $0xFFFFF800  }
0x323: {  	_ =	swait.ge [sflag:s12], $0x800  }
0x324: {  	[sflag:s12] =	ssyncset.done $0x0  }
0x325: {  	[sflag:s12] =	ssyncadd.s32 $0xFFFFF800  }
0x326: {  	_ =	swait.ge [sflag:s13], $0x800  }
0x327: {  	[sflag:s13] =	ssyncset.done $0x0  }
0x328: {  	[sflag:s13] =	ssyncadd.s32 $0xFFFFF800  }
0x329: {  	_ =	swait.ge [sflag:s12], $0x800  }
0x32a: {  	[sflag:s12] =	ssyncset.done $0x0  }
0x32b: {  	[sflag:s12] =	ssyncadd.s32 $0xFFFFF800  }
0x32c: {  	_ =	swait.ge [sflag:s13], $0x800  }
0x32d: {  	[sflag:s13] =	ssyncset.done $0x0  }
0x32e: {  	[sflag:s13] =	ssyncadd.s32 $0xFFFFF800  }
0x32f: {  	_ =	swait.ge [sflag:s12], $0x800  }
0x330: {  	[sflag:s12] =	ssyncset.done $0x0  }
0x331: {  	[sflag:s12] =	ssyncadd.s32 $0xFFFFF800  }
0x332: {  	_ =	swait.ge [sflag:s13], $0x800  }
0x333: {  	[sflag:s13] =	ssyncset.done $0x0  }
0x334: {  	[sflag:s13] =	ssyncadd.s32 $0xFFFFF800  }
0x335: {  	_ =	swait.ge [sflag:s12], $0x800  }
0x336: {  	[sflag:s12] =	ssyncset.done $0x0  }
0x337: {  	[sflag:s12] =	ssyncadd.s32 $0xFFFFF800  }
0x338: {  	_ =	swait.ge [sflag:s13], $0x800  }
0x339: {  	[sflag:s13] =	ssyncset.done $0x0  }
0x33a: {  	[sflag:s13] =	ssyncadd.s32 $0xFFFFF800  }
0x33b: {  	_ =	swait.ge [sflag:s12], $0x800  }
0x33c: {  	[sflag:s12] =	ssyncset.done $0x0  }
0x33d: {  	[sflag:s12] =	ssyncadd.s32 $0xFFFFF800  }
0x33e: {  	_ =	swait.ge [sflag:s13], $0x800  }
0x33f: {  	[sflag:s13] =	ssyncset.done $0x0  }
0x340: {  	[sflag:s13] =	ssyncadd.s32 $0xFFFFF800  }
0x341: {  	_ =	swait.ge [sflag:s12], $0x800  }
0x342: {  	[sflag:s12] =	ssyncset.done $0x0  }
0x343: {  	[sflag:s12] =	ssyncadd.s32 $0xFFFFF800  }
0x344: {  	_ =	swait.ge [sflag:s13], $0x800  }
0x345: {  	[sflag:s13] =	ssyncset.done $0x0  }
0x346: {  	[sflag:s13] =	ssyncadd.s32 $0xFFFFF800  }
0x347: {  	_ =	swait.ge [sflag:s12], $0x800  }
0x348: {  	[sflag:s12] =	ssyncset.done $0x0  }
0x349: {  	[sflag:s12] =	ssyncadd.s32 $0xFFFFF800  }
0x34a: {  	_ =	swait.ge [sflag:s13], $0x800  }
0x34b: {  	[sflag:s13] =	ssyncset.done $0x0  }
0x34c: {  	[sflag:s13] =	ssyncadd.s32 $0xFFFFF800  }
0x34d: {  	_ =	swait.ge [sflag:s12], $0x800  }
0x34e: {  	[sflag:s12] =	ssyncset.done $0x0  }
0x34f: {  	[sflag:s12] =	ssyncadd.s32 $0xFFFFF800  }
0x350: {  	_ =	swait.ge [sflag:s13], $0x800  }
0x351: {  	[sflag:s13] =	ssyncset.done $0x0  }
0x352: {  	[sflag:s13] =	ssyncadd.s32 $0xFFFFF800  }
0x353: {  	_ =	swait.ge [sflag:s12], $0x800  }
0x354: {  	[sflag:s12] =	ssyncset.done $0x0  }
0x355: {  	[sflag:s12] =	ssyncadd.s32 $0xFFFFF800  }
0x356: {  	_ =	swait.ge [sflag:s13], $0x800  }
0x357: {  	[sflag:s13] =	ssyncset.done $0x0  }
0x358: {  	[sflag:s13] =	ssyncadd.s32 $0xFFFFF800  }
0x359: {  	_ =	swait.ge [sflag:s12], $0x800  }
0x35a: {  	[sflag:s12] =	ssyncset.done $0x0  }
0x35b: {  	[sflag:s12] =	ssyncadd.s32 $0xFFFFF800  }
0x35c: {  	_ =	swait.ge [sflag:s13], $0x800  }
0x35d: {  	[sflag:s13] =	ssyncset.done $0x0  }
0x35e: {  	[sflag:s13] =	ssyncadd.s32 $0xFFFFF800  }
0x35f: {  	v16 =	vand.u32 $0x7F, v16;
	_ =	swait.ge [sflag:s12], $0x800  }
0x360: {  	v17 =	vand.u32 $0x7F, v17;
	v31 =	vor.u32 v0, v16;
	[sflag:s12] =	ssyncset.done $0x0  }
0x361: {  	v32 =	vor.u32 v0, v17;
	[sflag:s12] =	ssyncadd.s32 $0xFFFFF800  }
0x362: {  	v20 =	vor.u32 v1, v17;
	_ =	swait.ge [sflag:s13], $0x800  }
0x363: {  	v21 =	vor.u32 v1, v16;
	[sflag:s13] =	ssyncset.done $0x0  }
0x364: {  	v22 =	vor.u32 v2, v16;
	[sflag:s13] =	ssyncadd.s32 $0xFFFFF800  }
0x365: {  	v23 =	vor.u32 v2, v17;
	v18 =	vld.idx.msk [tilespmem:v31+s8+$0x0], $0xffff  }
0x366: {  	v24 =	vor.u32 v3, v16;
	v19 =	vld.idx.msk [tilespmem:v32+s11+$0x0], $0xffff  }
0x367: {  	v25 =	vor.u32 v3, v17;
	v20 =	vld.idx.msk [tilespmem:v20+s11+$0x0], $0xffff  }
0x368: {  	v26 =	vor.u32 v4, v16;
	v21 =	vld.idx.msk [tilespmem:v21+s8+$0x0], $0xffff  }
0x369: {  	v27 =	vor.u32 v4, v17;
	v22 =	vld.idx.msk [tilespmem:v22+s8+$0x0], $0xffff  }
0x36a: {  	v28 =	vor.u32 v5, v16;
	v23 =	vld.idx.msk [tilespmem:v23+s11+$0x0], $0xffff  }
0x36b: {  	v29 =	vor.u32 v5, v17;
	v24 =	vld.idx.msk [tilespmem:v24+s8+$0x0], $0xffff;
	v18 =	vmul.f32 v19, v18  }
0x36c: {  	v34 =	vor.u32 v6, v16;
	v33 =	vld.idx.msk [tilespmem:v25+s11+$0x0], $0xffff  }
0x36d: {  	v30 =	vor.u32 v6, v17;
	v26 =	vld.idx.msk [tilespmem:v26+s8+$0x0], $0xffff;
	v20 =	vmul.f32 v20, v21;
	v18 =	vadd.f32 $0.0e+00, v18  }
0x36e: {  	v36 =	vor.u32 v7, v16;
	v35 =	vld.idx.msk [tilespmem:v27+s11+$0x0], $0xffff  }
0x36f: {  	v28 =	vld.idx.msk [tilespmem:v28+s8+$0x0], $0xffff;
	v31 =	vor.u32 v7, v17;
	v22 =	vmul.f32 v23, v22;
	v18 =	vadd.f32 v20, v18  }
0x370: {  	v39 =	vor.u32 v8, v17;
	v37 =	vld.idx.msk [tilespmem:v29+s11+$0x0], $0xffff  }
0x371: {  	v38 =	vor.u32 v8, v16;
	v25 =	vld.idx.msk [tilespmem:v34+s8+$0x0], $0xffff;
	v19 =	vmul.f32 v33, v24;
	v18 =	vadd.f32 v22, v18  }
0x372: {  	v42 =	vor.u32 v9, v17;
	v40 =	vld.idx.msk [tilespmem:v30+s11+$0x0], $0xffff  }
0x373: {  	v41 =	vor.u32 v9, v16;
	v27 =	vld.idx.msk [tilespmem:v36+s8+$0x0], $0xffff;
	v21 =	vmul.f32 v35, v26;
	v18 =	vadd.f32 v19, v18  }
0x374: {  	v45 =	vor.u32 v10, v17;
	v43 =	vld.idx.msk [tilespmem:v31+s11+$0x0], $0xffff  }
0x375: {  	v44 =	vor.u32 v10, v16;
	v46 =	vld.idx.msk [tilespmem:v39+s11+$0x0], $0xffff;
	v20 =	vmul.f32 v37, v28;
	v18 =	vadd.f32 v21, v18  }
0x376: {  	v48 =	vor.u32 v11, v17;
	v23 =	vld.idx.msk [tilespmem:v38+s8+$0x0], $0xffff  }
0x377: {  	v47 =	vor.u32 v11, v16;
	v49 =	vld.idx.msk [tilespmem:v42+s11+$0x0], $0xffff;
	v22 =	vmul.f32 v40, v25;
	v18 =	vadd.f32 v20, v18  }
0x378: {  	v51 =	vor.u32 v12, v17;
	v24 =	vld.idx.msk [tilespmem:v41+s8+$0x0], $0xffff  }
0x379: {  	v50 =	vor.u32 v12, v16;
	v52 =	vld.idx.msk [tilespmem:v45+s11+$0x0], $0xffff;
	v19 =	vmul.f32 v43, v27;
	v18 =	vadd.f32 v22, v18  }
0x37a: {  	v53 =	vor.u32 v13, v16;
	v26 =	vld.idx.msk [tilespmem:v44+s8+$0x0], $0xffff  }
0x37b: {  	v54 =	vor.u32 v13, v17;
	v55 =	vld.idx.msk [tilespmem:v48+s11+$0x0], $0xffff;
	v21 =	vmul.f32 v46, v23;
	v18 =	vadd.f32 v19, v18  }
0x37c: {  	v57 =	vor.u32 v14, v17;
	v28 =	vld.idx.msk [tilespmem:v47+s8+$0x0], $0xffff  }
0x37d: {  	v56 =	vor.u32 v14, v16;
	v58 =	vld.idx.msk [tilespmem:v51+s11+$0x0], $0xffff;
	v20 =	vmul.f32 v49, v24;
	v18 =	vadd.f32 v21, v18  }
0x37e: {  	v16 =	vor.u32 v15, v16;
	v25 =	vld.idx.msk [tilespmem:v50+s8+$0x0], $0xffff  }
0x37f: {  	v59 =	vld.idx.msk [tilespmem:v53+s8+$0x0], $0xffff;
	v17 =	vor.u32 v15, v17;
	v22 =	vmul.f32 v52, v26;
	v18 =	vadd.f32 v20, v18  }
0x380: {  	v60 =	vld.idx.msk [tilespmem:v54+s11+$0x0], $0xffff  }
0x381: {  	v61 =	vld.idx.msk [tilespmem:v57+s11+$0x0], $0xffff;
	v19 =	vmul.f32 v55, v28;
	v18 =	vadd.f32 v22, v18  }
0x382: {  	v23 =	vld.idx.msk [tilespmem:v56+s8+$0x0], $0xffff  }
0x383: {  	v16 =	vld.idx.msk [tilespmem:v16+s8+$0x0], $0xffff;
	v21 =	vmul.f32 v58, v25;
	v18 =	vadd.f32 v19, v18  }
0x384: {  	v17 =	vld.idx.msk [tilespmem:v17+s11+$0x0], $0xffff  }
0x385: {  	v62 =	vmul.f32 v60, v59;
	v18 =	vadd.f32 v21, v18;
	_ =	sdelay $0x1  }
0x386: {  	v63 =	vmul.f32 v61, v23;
	v18 =	vadd.f32 v62, v18;
	_ =	sdelay $0x1  }
0x387: {  	v16 =	vmul.f32 v17, v16;
	v17 =	vadd.f32 v63, v18;
	_ =	sdelay $0x1  }
0x388: {  	s15 =	sadd.s32 $0x1, s15;
	v16 =	vadd.f32 v16, v17  }
0x389: {  	p0 =	sne.s32 s15, s6  }
.Ltmp1:
0x38a: {  	[tilespmem:s16+$0x0] =	vst v16;
	(pc) =	sbr.rel @p0 .LBB2_1-.Ltmp1, $4  }
0x38b: {  	[hbm4b:s5+s1] =	stream.linear.scatter [tilespmem:s14], [sflag:$0x3], $0x200, $0x38;
	[tilespmem:$0x10600] =	vst v63  }
0x38c: {  	_ =	swait.ge [sflag:s9], $0x200  }
0x38d: {  	[sflag:s9] =	ssyncset.done $0x0  }
0x38e: {  	[sflag:s9] =	ssyncadd.s32 $0xFFFFFE00  }
0x38f: {  	_ =	sfence.sel $0x180000  }
0x390: {  	[bflag:$0x0] =	sbarrier.arrive $0xFFFF  }
0x391: {  	p0 =	sne.s32 s2, $0x0;
	_ =	strace $0x90000047  }
0x392: {  	s0 =	sadd.s32 @!p0 $0x100000, s0;
	[bflag:$0x2] =	sbarrier.arrive $0xFFFF  }
0x393: {  	[sflag:s0] =	ssyncadd.tile.s32 @!p0 $0x1;
	_ =	shalt  }
.Lfunc_end2:
_tile_overlayer_lowered:
.L_overlay_start_2:
0x394: {  	(tag) =	ssettag $0x2  }
0x395: {  	s0 =	rddreg [dreg:$0x0];
	s2 =	stileid.u32  }
0x396: {  	s1 =	rddreg [dreg:$0x1];
	p0 =	sne.s32 s2, $0x0  }
0x397: {  	s3 =	rddreg [dreg:$0x2];
	[bflag:$0x3] =	sbarrier.arrive $0xFFFF;
	s2 =	simm.s32 @!p0 $0x1C03  }
0x398: {  	[timem:s3], [sflag:s2] =	dma.local @!p0 [hbm:s0], s1  }
0x399: {  	s0 =	simm.s32 @!p0 $0x3  }
0x39a: {  	_ =	swait.ge @!p0 [sflag:s0], s1  }
0x39b: {  	s1 =	ssub.s32 @!p0 $0x0, s1;
	[sflag:s0] =	ssyncset.done @!p0 $0x0  }
0x39c: {  	[sflag:s0] =	ssyncadd.s32 @!p0 s1  }
0x39d: {  	[bflag:$0x3] =	sbarrier.arrive $0xFFFF  }
0x39e: {  	_ =	shalt  }

</sc_bundles>
